<compile_context>
chip_gen: v7x
topology: tpu7x:2x2x1
jax: 0.10.2.dev20260603
libtpu: 0.0.44.dev20260713+nightly
codegen_flags: <defaults>
</compile_context>

<pallas_src>
import functools

import jax
import jax.numpy as jnp
from jax import lax
from jax.experimental import pallas as pl
from jax.experimental.pallas import tpu as pltpu
from jax.experimental.pallas import tpu_sc as plsc

Q = 1024
K = 100000
D = 128
NEIGH = 50
NCLS = 10

KB = 2048
KPAD = 100352
NKB = KPAD // KB
G = 128
NG = KPAD // G
NGC = NG // 16
GC = G // 16
L = 16
PADD = 1e30
INF = 3.0e38
BIGI = 2**30

NW = 32
QPW = Q // NW
OUTW = 64


def _tc_dist_body(q_ref, k_ref, qs_ref, ks_ref, d_ref):
    kb = pl.program_id(0)
    qc = q_ref[...]
    kc = k_ref[...]
    qsq = qs_ref[...][:, 0:1]
    ksq = ks_ref[...][0:1, :]
    prod = lax.dot_general(qc, kc, (((1,), (1,)), ((), ())),
                           preferred_element_type=jnp.float32)
    dist = qsq + ksq - 2.0 * prod
    col = kb * KB + lax.broadcasted_iota(jnp.int32, (Q, KB), 1)
    d_ref[...] = jnp.where(col < K, dist, PADD)


def _tc_dist(q_c, kc_pad, qsq_b, ksq_b):
    return pl.pallas_call(
        _tc_dist_body,
        grid=(NKB,),
        in_specs=[
            pl.BlockSpec((Q, D), lambda kb: (0, 0)),
            pl.BlockSpec((KB, D), lambda kb: (kb, 0)),
            pl.BlockSpec((Q, D), lambda kb: (0, 0)),
            pl.BlockSpec((8, KB), lambda kb: (0, kb)),
        ],
        out_specs=pl.BlockSpec((Q, KB), lambda kb: (0, kb)),
        out_shape=jax.ShapeDtypeStruct((Q, KPAD), jnp.float32),
    )(q_c, kc_pad, qsq_b, ksq_b)


_GDN = lax.GatherDimensionNumbers(
    offset_dims=(), collapsed_slice_dims=(0,), start_index_map=(0,))


def _shuf(a, idx):
    return lax.gather(a, idx[:, None], dimension_numbers=_GDN,
                      slice_sizes=(1,),
                      mode=lax.GatherScatterMode.PROMISE_IN_BOUNDS)


def _bmin(a, lane):
    for s in (8, 4, 2, 1):
        a = jnp.minimum(a, _shuf(a, jnp.bitwise_xor(lane, s)))
    return a


def _bsum(a, lane):
    for s in (8, 4, 2, 1):
        a = a + _shuf(a, jnp.bitwise_xor(lane, s))
    return a


def _sc_body(d_hbm, lab_hbm, out_d, out_i, out_l,
             row_v, gmin_v, dbuf, ibuf, labv, sem):
    wid = lax.axis_index("s") * 2 + lax.axis_index("c")
    lane = lax.iota(jnp.int32, L)

    def per_row(qq, _):
        qrow = wid * QPW + qq
        pltpu.sync_copy(d_hbm.at[qrow], row_v)

        for c in range(OUTW // L):
            ibuf[pl.ds(c * L, L)] = jnp.zeros((L,), jnp.int32)

        def build(gb, _):
            gvec = jnp.full((L,), jnp.float32(INF), jnp.float32)
            for gi in range(L):
                base = (gb * L + gi) * G
                acc = row_v[pl.ds(base, L)]
                for c in range(1, GC):
                    acc = jnp.minimum(acc, row_v[pl.ds(base + c * L, L)])
                gvec = jnp.where(lane == gi, _bmin(acc, lane), gvec)
            gmin_v[pl.ds(gb * L, L)] = gvec
            return 0
        lax.fori_loop(0, NGC, build, 0)

        def extract(il, _):
            acc = gmin_v[pl.ds(0, L)]
            for c in range(1, NGC):
                acc = jnp.minimum(acc, gmin_v[pl.ds(c * L, L)])
            m = _bmin(acc, lane)
            pacc = jnp.full((L,), BIGI, jnp.int32)
            for c in range(NGC):
                v = gmin_v[pl.ds(c * L, L)]
                pacc = jnp.minimum(
                    pacc, jnp.where(v == m, c * L + lane, BIGI))
            g = _bmin(pacc, lane)[0]
            base = g * G
            jacc = jnp.full((L,), BIGI, jnp.int32)
            for c in range(GC):
                v = row_v[pl.ds(base + c * L, L)]
                jacc = jnp.minimum(
                    jacc, jnp.where(v == m, c * L + lane, BIGI))
            jsp = _bmin(jacc, lane)
            j = jsp[0]
            p = base + j
            ob = (il >> 4) << 4
            dbuf[pl.ds(ob, L)] = jnp.where(
                lane == il - ob, m, dbuf[pl.ds(ob, L)])
            ibuf[pl.ds(ob, L)] = jnp.where(
                lane == il - ob, jsp + base, ibuf[pl.ds(ob, L)])
            cb = (p >> 4) << 4
            v = row_v[pl.ds(cb, L)]
            row_v[pl.ds(cb, L)] = jnp.where(lane == p - cb, jnp.float32(INF), v)
            acc2 = row_v[pl.ds(base, L)]
            for c in range(1, GC):
                acc2 = jnp.minimum(acc2, row_v[pl.ds(base + c * L, L)])
            gb2 = (g >> 4) << 4
            gmin_v[pl.ds(gb2, L)] = jnp.where(
                lane == g - gb2, _bmin(acc2, lane), gmin_v[pl.ds(gb2, L)])
            return 0
        lax.fori_loop(0, NEIGH, extract, 0)

        pltpu.async_copy(lab_hbm.at[ibuf], labv, sem).wait()
        pltpu.sync_copy(dbuf, out_d.at[qrow])
        pltpu.sync_copy(ibuf, out_i.at[qrow])
        pltpu.sync_copy(labv, out_l.at[qrow])
        return 0

    lax.fori_loop(0, QPW, per_row, 0)


def _sc_select(dists, labels):
    mesh = plsc.VectorSubcoreMesh(core_axis_name="c", subcore_axis_name="s")
    f = pl.kernel(
        _sc_body,
        out_type=(
            jax.ShapeDtypeStruct((Q, OUTW), jnp.float32),
            jax.ShapeDtypeStruct((Q, OUTW), jnp.int32),
            jax.ShapeDtypeStruct((Q, OUTW), jnp.int32),
        ),
        mesh=mesh,
        scratch_types=[
            pltpu.VMEM((KPAD,), jnp.float32),
            pltpu.VMEM((NG,), jnp.float32),
            pltpu.VMEM((OUTW,), jnp.float32),
            pltpu.VMEM((OUTW,), jnp.int32),
            pltpu.VMEM((OUTW,), jnp.int32),
            pltpu.SemaphoreType.DMA,
        ],
    )
    return f(dists, labels)


def kernel(queries, keys, train_labels):
    keys_n = keys / (jnp.linalg.norm(keys, axis=1, keepdims=True) + 1e-12)
    center = jnp.mean(keys_n, axis=0)
    keys_c = keys_n - center
    q_n = queries / (jnp.linalg.norm(queries, axis=1, keepdims=True) + 1e-12)
    q_c = q_n - center
    q_sq = jnp.sum(q_c * q_c, axis=1, keepdims=True)
    k_sq = jnp.sum(keys_c * keys_c, axis=1)
    kc_pad = jnp.pad(keys_c, ((0, KPAD - K), (0, 0)))
    qsq_b = jnp.broadcast_to(q_sq, (Q, D))
    ksq_b = jnp.broadcast_to(jnp.pad(k_sq, (0, KPAD - K))[None, :], (8, KPAD))
    dists = _tc_dist(q_c, kc_pad, qsq_b, ksq_b)
    out_d, out_i, out_l = _sc_select(dists, train_labels.astype(jnp.int32))
    knn_labels = out_l[:, :NEIGH]
    onehot = jax.nn.one_hot(knn_labels, NCLS, dtype=jnp.float32)
    class_counts = jnp.sum(onehot, axis=1)
    return out_d[:, :NEIGH], out_i[:, :NEIGH], class_counts

# --- scband reference (transcript-rebuilt; emitter-appended) ---
"""Pipeline reference for scband-dk-nnmodel-66726611911415 (READ-ONLY COPY).

The authoritative reference and input builder live on the scoring server;
editing this copy changes nothing except your own understanding.
"""

import jax, jax.numpy as jnp
import numpy as np

NEIGHBORS = 50
NB_CLASSES = 10


def setup_inputs(seed: int = 0):
    key = jax.random.key(seed)
    k1, k2, k3 = jax.random.split(key, 3)
    queries = jax.random.normal(k1, (1024, 128), dtype=jnp.float32)
    keys = jax.random.normal(k2, (100000, 128), dtype=jnp.float32)
    train_labels = jax.random.randint(k3, (100000,), 0, NB_CLASSES)
    return {"queries": queries, "keys": keys, "train_labels": train_labels}


def reference(queries, keys, train_labels):
    # init_lsh(): L2-normalize the train activations and center them
    keys_n = keys / (jnp.linalg.norm(keys, axis=1, keepdims=True) + 1e-12)
    center = jnp.mean(keys_n, axis=0)
    keys_c = keys_n - center
    # query-side preprocessing (same normalization + centering as training set)
    q_n = queries / (jnp.linalg.norm(queries, axis=1, keepdims=True) + 1e-12)
    q_c = q_n - center
    # exact k-NN under EuclideanSquared distance (what FALCONN/FAISS IndexFlatL2 approximate/compute)
    q_sq = jnp.sum(q_c * q_c, axis=1, keepdims=True)          # [Q, 1]
    k_sq = jnp.sum(keys_c * keys_c, axis=1)                    # [K]
    dists = q_sq + k_sq[None, :] - 2.0 * (q_c @ keys_c.T)      # [Q, K]
    neg_topd, nn_idx = jax.lax.top_k(-dists, NEIGHBORS)        # smallest distances
    neighbor_distance = -neg_topd                              # [Q, k]
    # gather labels of the k nearest training points (DkNN per-layer vote)
    knn_labels = jnp.take(train_labels, nn_idx, axis=0)        # [Q, k]
    onehot = jax.nn.one_hot(knn_labels, NB_CLASSES, dtype=jnp.float32)
    class_counts = jnp.sum(onehot, axis=1)                     # [Q, nb_classes]
    return neighbor_distance, nn_idx, class_counts

if __name__ == "__main__":
    import jax
    _d = setup_inputs()
    print(jax.jit(kernel)(*tuple(_d.values())))

</pallas_src>

<mosaic_0001>
#map = affine_map<(d0, d1) -> (0, 0)>
#map1 = affine_map<(d0, d1) -> (0)>
module attributes {stable_mosaic.version = 14 : i64} {
  func.func @_sc_body(%arg0: i32, %arg1: i32, %arg2: memref<1024x100352xf32, #tpu.memory_space<hbm>>, %arg3: memref<100000xi32, #tpu.memory_space<hbm>>, %arg4: memref<1024x64xf32, #tpu.memory_space<hbm>>, %arg5: memref<1024x64xi32, #tpu.memory_space<hbm>>, %arg6: memref<1024x64xi32, #tpu.memory_space<hbm>>, %arg7: memref<100352xf32, #tpu.memory_space<vmem>>, %arg8: memref<784xf32, #tpu.memory_space<vmem>>, %arg9: memref<64xf32, #tpu.memory_space<vmem>>, %arg10: memref<64xi32, #tpu.memory_space<vmem>>, %arg11: memref<64xi32, #tpu.memory_space<vmem>>, %arg12: memref<!tpu.dma_semaphore, #tpu.memory_space<semaphore_mem>>) attributes {dimension_semantics = [#tpu.dimension_semantics<core_parallel>, #tpu.dimension_semantics<subcore_parallel>], iteration_bounds = array<i64: 2, 16>, scalar_prefetch = 0 : i64, scratch_operands = 6 : i64, tpu.core_type = #tpu.core_type<sc_vector_subcore>, window_params = [{transform_indices = #map}, {transform_indices = #map1}, {transform_indices = #map}, {transform_indices = #map}, {transform_indices = #map}]} {
    %mul3A = arith.constant 2 : i32
    %mul3A_0 = arith.muli %arg1, %mul3A : i32
    %add3A = arith.addi %mul3A_0, %arg0 : i32
    %iota3A = tpu.iota {dimensions = array<i32: 0>} : vector<16xi32>
    %scan3A = arith.constant 0 : i32
    %scan3A_1 = arith.constant 0 : i32
    %scan3A_2 = arith.constant 32 : i32
    %scan3A_3 = arith.addi %scan3A_1, %scan3A_2 : i32
    %scan3A_4 = arith.constant 1 : i32
    %scan3A_5 = scf.for %scan3A_7 = %scan3A_1 to %scan3A_3 step %scan3A_4 iter_args(%scan3A_8 = %scan3A) -> (i32)  : i32 {
      %mul3A_9 = arith.constant 32 : i32
      %mul3A_10 = arith.muli %add3A, %mul3A_9 : i32
      %add3A_11 = arith.addi %mul3A_10, %scan3A_7 : i32
      "tpu.region"() ({
        %run_scoped3A = tpu.sem_alloc : memref<!tpu.dma_semaphore, #tpu.memory_space<semaphore_mem>>
        %dma_start3A_51 = arith.constant 0 : i32
        %dma_start3A_52 = tpu.memref_slice %arg2[%add3A_11, %dma_start3A_51] : memref<1024x100352xf32, #tpu.memory_space<hbm>> -> memref<1x100352xf32, #tpu.memory_space<hbm>>
        %dma_start3A_53 = tpu.memref_squeeze %dma_start3A_52 : memref<1x100352xf32, #tpu.memory_space<hbm>> -> memref<100352xf32, #tpu.memory_space<hbm>>
        %dma_start3A_54 = arith.constant 0 : i32
        %dma_start3A_55 = tpu.memref_slice %arg2[%add3A_11, %dma_start3A_54] : memref<1024x100352xf32, #tpu.memory_space<hbm>> -> memref<1x100352xf32, #tpu.memory_space<hbm>>
        %dma_start3A_56 = tpu.memref_squeeze %dma_start3A_55 : memref<1x100352xf32, #tpu.memory_space<hbm>> -> memref<100352xf32, #tpu.memory_space<hbm>>
        tpu.enqueue_dma source(%dma_start3A_56 : memref<100352xf32, #tpu.memory_space<hbm>>) target(%arg7 : memref<100352xf32, #tpu.memory_space<vmem>>) target_semaphore(%run_scoped3A : memref<!tpu.dma_semaphore, #tpu.memory_space<semaphore_mem>>)
        %dma_wait3A_57 = arith.constant 0 : i32
        %dma_wait3A_58 = tpu.memref_slice %arg2[%add3A_11, %dma_wait3A_57] : memref<1024x100352xf32, #tpu.memory_space<hbm>> -> memref<1x100352xf32, #tpu.memory_space<hbm>>
        %dma_wait3A_59 = tpu.memref_squeeze %dma_wait3A_58 : memref<1x100352xf32, #tpu.memory_space<hbm>> -> memref<100352xf32, #tpu.memory_space<hbm>>
        %dma_wait3A_60 = arith.constant 0 : i32
        %dma_wait3A_61 = tpu.memref_slice %arg2[%add3A_11, %dma_wait3A_60] : memref<1024x100352xf32, #tpu.memory_space<hbm>> -> memref<1x100352xf32, #tpu.memory_space<hbm>>
        %dma_wait3A_62 = tpu.memref_squeeze %dma_wait3A_61 : memref<1x100352xf32, #tpu.memory_space<hbm>> -> memref<100352xf32, #tpu.memory_space<hbm>>
        tpu.wait_dma2 semaphore(%run_scoped3A : memref<!tpu.dma_semaphore, #tpu.memory_space<semaphore_mem>>) src(%dma_wait3A_62 : memref<100352xf32, #tpu.memory_space<hbm>>) dst(%arg7 : memref<100352xf32, #tpu.memory_space<vmem>>)
        tpu.yield
      }) : () -> ()
      %broadcast_in_dim3A = arith.constant 0 : i32
      %broadcast_in_dim3A_12 = vector.broadcast %broadcast_in_dim3A : i32 to vector<16xi32>
      %swap3A = arith.constant 0 : index
      %swap3A_13 = tpu.vector_load %arg10[%swap3A] {strides = array<i32>} : memref<64xi32, #tpu.memory_space<vmem>>, vector<16xi32>,
      %swap3A_14 = vector.shape_cast %swap3A_13 : vector<16xi32> to vector<16xi32>
      %swap3A_15 = vector.shape_cast %broadcast_in_dim3A_12 : vector<16xi32> to vector<16xi32>
      tpu.vector_store %arg10[%swap3A], %swap3A_15 {strides = array<i32>} : memref<64xi32, #tpu.memory_space<vmem>>, vector<16xi32>,
      %broadcast_in_dim3A_16 = arith.constant 0 : i32
      %broadcast_in_dim3A_17 = vector.broadcast %broadcast_in_dim3A_16 : i32 to vector<16xi32>
      %swap3A_18 = arith.constant 16 : index
      %swap3A_19 = tpu.vector_load %arg10[%swap3A_18] {strides = array<i32>} : memref<64xi32, #tpu.memory_space<vmem>>, vector<16xi32>,
      %swap3A_20 = vector.shape_cast %swap3A_19 : vector<16xi32> to vector<16xi32>
      %swap3A_21 = vector.shape_cast %broadcast_in_dim3A_17 : vector<16xi32> to vector<16xi32>
      tpu.vector_store %arg10[%swap3A_18], %swap3A_21 {strides = array<i32>} : memref<64xi32, #tpu.memory_space<vmem>>, vector<16xi32>,
      %broadcast_in_dim3A_22 = arith.constant 0 : i32
      %broadcast_in_dim3A_23 = vector.broadcast %broadcast_in_dim3A_22 : i32 to vector<16xi32>
      %swap3A_24 = arith.constant 32 : index
      %swap3A_25 = tpu.vector_load %arg10[%swap3A_24] {strides = array<i32>} : memref<64xi32, #tpu.memory_space<vmem>>, vector<16xi32>,
      %swap3A_26 = vector.shape_cast %swap3A_25 : vector<16xi32> to vector<16xi32>
      %swap3A_27 = vector.shape_cast %broadcast_in_dim3A_23 : vector<16xi32> to vector<16xi32>
      tpu.vector_store %arg10[%swap3A_24], %swap3A_27 {strides = array<i32>} : memref<64xi32, #tpu.memory_space<vmem>>, vector<16xi32>,
      %broadcast_in_dim3A_28 = arith.constant 0 : i32
      %broadcast_in_dim3A_29 = vector.broadcast %broadcast_in_dim3A_28 : i32 to vector<16xi32>
      %swap3A_30 = arith.constant 48 : index
      %swap3A_31 = tpu.vector_load %arg10[%swap3A_30] {strides = array<i32>} : memref<64xi32, #tpu.memory_space<vmem>>, vector<16xi32>,
      %swap3A_32 = vector.shape_cast %swap3A_31 : vector<16xi32> to vector<16xi32>
      %swap3A_33 = vector.shape_cast %broadcast_in_dim3A_29 : vector<16xi32> to vector<16xi32>
      tpu.vector_store %arg10[%swap3A_30], %swap3A_33 {strides = array<i32>} : memref<64xi32, #tpu.memory_space<vmem>>, vector<16xi32>,
      %scan3A_34 = arith.constant 0 : i32
      %scan3A_35 = arith.constant 0 : i32
      %scan3A_36 = arith.constant 49 : i32
      %scan3A_37 = arith.addi %scan3A_35, %scan3A_36 : i32
      %scan3A_38 = arith.constant 1 : i32
      %scan3A_39 = scf.for %scan3A_51 = %scan3A_35 to %scan3A_37 step %scan3A_38 iter_args(%scan3A_52 = %scan3A_34) -> (i32)  : i32 {
        %broadcast_in_dim3A_53 = arith.constant 3.000000e+38 : f32
        %broadcast_in_dim3A_54 = vector.broadcast %broadcast_in_dim3A_53 : f32 to vector<16xf32>
        %mul3A_55 = arith.constant 16 : i32
        %mul3A_56 = arith.muli %scan3A_51, %mul3A_55 : i32
        %add3A_57 = arith.constant 0 : i32
        %add3A_58 = arith.addi %mul3A_56, %add3A_57 : i32
        %mul3A_59 = arith.constant 128 : i32
        %mul3A_60 = arith.muli %add3A_58, %mul3A_59 : i32
        %get3A = arith.index_cast %mul3A_60 : i32 to index
        %get3A_61 = tpu.vector_load %arg7[%get3A] {strides = array<i32>} : memref<100352xf32, #tpu.memory_space<vmem>>, vector<16xf32>,
        %get3A_62 = vector.shape_cast %get3A_61 : vector<16xf32> to vector<16xf32>
        %add3A_63 = arith.constant 16 : i32
        %add3A_64 = arith.addi %mul3A_60, %add3A_63 : i32
        %get3A_65 = arith.index_cast %add3A_64 : i32 to index
        %get3A_66 = tpu.vector_load %arg7[%get3A_65] {strides = array<i32>} : memref<100352xf32, #tpu.memory_space<vmem>>, vector<16xf32>,
        %get3A_67 = vector.shape_cast %get3A_66 : vector<16xf32> to vector<16xf32>
        %min3A = arith.minimumf %get3A_62, %get3A_67 : vector<16xf32>
        %add3A_68 = arith.constant 32 : i32
        %add3A_69 = arith.addi %mul3A_60, %add3A_68 : i32
        %get3A_70 = arith.index_cast %add3A_69 : i32 to index
        %get3A_71 = tpu.vector_load %arg7[%get3A_70] {strides = array<i32>} : memref<100352xf32, #tpu.memory_space<vmem>>, vector<16xf32>,
        %get3A_72 = vector.shape_cast %get3A_71 : vector<16xf32> to vector<16xf32>
        %min3A_73 = arith.minimumf %min3A, %get3A_72 : vector<16xf32>
        %add3A_74 = arith.constant 48 : i32
        %add3A_75 = arith.addi %mul3A_60, %add3A_74 : i32
        %get3A_76 = arith.index_cast %add3A_75 : i32 to index
        %get3A_77 = tpu.vector_load %arg7[%get3A_76] {strides = array<i32>} : memref<100352xf32, #tpu.memory_space<vmem>>, vector<16xf32>,
        %get3A_78 = vector.shape_cast %get3A_77 : vector<16xf32> to vector<16xf32>
        %min3A_79 = arith.minimumf %min3A_73, %get3A_78 : vector<16xf32>
        %add3A_80 = arith.constant 64 : i32
        %add3A_81 = arith.addi %mul3A_60, %add3A_80 : i32
        %get3A_82 = arith.index_cast %add3A_81 : i32 to index
        %get3A_83 = tpu.vector_load %arg7[%get3A_82] {strides = array<i32>} : memref<100352xf32, #tpu.memory_space<vmem>>, vector<16xf32>,
        %get3A_84 = vector.shape_cast %get3A_83 : vector<16xf32> to vector<16xf32>
        %min3A_85 = arith.minimumf %min3A_79, %get3A_84 : vector<16xf32>
        %add3A_86 = arith.constant 80 : i32
        %add3A_87 = arith.addi %mul3A_60, %add3A_86 : i32
        %get3A_88 = arith.index_cast %add3A_87 : i32 to index
        %get3A_89 = tpu.vector_load %arg7[%get3A_88] {strides = array<i32>} : memref<100352xf32, #tpu.memory_space<vmem>>, vector<16xf32>,
        %get3A_90 = vector.shape_cast %get3A_89 : vector<16xf32> to vector<16xf32>
        %min3A_91 = arith.minimumf %min3A_85, %get3A_90 : vector<16xf32>
        %add3A_92 = arith.constant 96 : i32
        %add3A_93 = arith.addi %mul3A_60, %add3A_92 : i32
        %get3A_94 = arith.index_cast %add3A_93 : i32 to index
        %get3A_95 = tpu.vector_load %arg7[%get3A_94] {strides = array<i32>} : memref<100352xf32, #tpu.memory_space<vmem>>, vector<16xf32>,
        %get3A_96 = vector.shape_cast %get3A_95 : vector<16xf32> to vector<16xf32>
        %min3A_97 = arith.minimumf %min3A_91, %get3A_96 : vector<16xf32>
        %add3A_98 = arith.constant 112 : i32
        %add3A_99 = arith.addi %mul3A_60, %add3A_98 : i32
        %get3A_100 = arith.index_cast %add3A_99 : i32 to index
        %get3A_101 = tpu.vector_load %arg7[%get3A_100] {strides = array<i32>} : memref<100352xf32, #tpu.memory_space<vmem>>, vector<16xf32>,
        %get3A_102 = vector.shape_cast %get3A_101 : vector<16xf32> to vector<16xf32>
        %min3A_103 = arith.minimumf %min3A_97, %get3A_102 : vector<16xf32>
        %eq3A = arith.constant 0 : i32
        %eq3A_104 = vector.broadcast %eq3A : i32 to vector<16xi32>
        %eq3A_105 = arith.cmpi eq, %iota3A, %eq3A_104 : vector<16xi32>
        %xor3A = arith.constant 8 : i32
        %xor3A_106 = vector.broadcast %xor3A : i32 to vector<16xi32>
        %xor3A_107 = arith.xori %iota3A, %xor3A_106 : vector<16xi32>
        %broadcast_in_dim3A_108 = vector.shape_cast %xor3A_107 : vector<16xi32> to vector<16x1xi32>
        %gather3A = vector.shape_cast %broadcast_in_dim3A_108 : vector<16x1xi32> to vector<16xi32>
        %gather3A_109 = tpu.dynamic_gather %min3A_103[%gather3A] in [0] : vector<16xf32>, vector<16xi32> -> vector<16xf32>
        %min3A_110 = arith.minimumf %min3A_103, %gather3A_109 : vector<16xf32>
        %xor3A_111 = arith.constant 4 : i32
        %xor3A_112 = vector.broadcast %xor3A_111 : i32 to vector<16xi32>
        %xor3A_113 = arith.xori %iota3A, %xor3A_112 : vector<16xi32>
        %broadcast_in_dim3A_114 = vector.shape_cast %xor3A_113 : vector<16xi32> to vector<16x1xi32>
        %gather3A_115 = vector.shape_cast %broadcast_in_dim3A_114 : vector<16x1xi32> to vector<16xi32>
        %gather3A_116 = tpu.dynamic_gather %min3A_110[%gather3A_115] in [0] : vector<16xf32>, vector<16xi32> -> vector<16xf32>
        %min3A_117 = arith.minimumf %min3A_110, %gather3A_116 : vector<16xf32>
        %xor3A_118 = arith.constant 2 : i32
        %xor3A_119 = vector.broadcast %xor3A_118 : i32 to vector<16xi32>
        %xor3A_120 = arith.xori %iota3A, %xor3A_119 : vector<16xi32>
        %broadcast_in_dim3A_121 = vector.shape_cast %xor3A_120 : vector<16xi32> to vector<16x1xi32>
        %gather3A_122 = vector.shape_cast %broadcast_in_dim3A_121 : vector<16x1xi32> to vector<16xi32>
        %gather3A_123 = tpu.dynamic_gather %min3A_117[%gather3A_122] in [0] : vector<16xf32>, vector<16xi32> -> vector<16xf32>
        %min3A_124 = arith.minimumf %min3A_117, %gather3A_123 : vector<16xf32>
        %xor3A_125 = arith.constant 1 : i32
        %xor3A_126 = vector.broadcast %xor3A_125 : i32 to vector<16xi32>
        %xor3A_127 = arith.xori %iota3A, %xor3A_126 : vector<16xi32>
        %broadcast_in_dim3A_128 = vector.shape_cast %xor3A_127 : vector<16xi32> to vector<16x1xi32>
        %gather3A_129 = vector.shape_cast %broadcast_in_dim3A_128 : vector<16x1xi32> to vector<16xi32>
        %gather3A_130 = tpu.dynamic_gather %min3A_124[%gather3A_129] in [0] : vector<16xf32>, vector<16xi32> -> vector<16xf32>
        %min3A_131 = arith.minimumf %min3A_124, %gather3A_130 : vector<16xf32>
        %select_n3A = arith.select %eq3A_105, %min3A_131, %broadcast_in_dim3A_54 : vector<16xi1>, vector<16xf32>
        %mul3A_132 = arith.constant 16 : i32
        %mul3A_133 = arith.muli %scan3A_51, %mul3A_132 : i32
        %add3A_134 = arith.constant 1 : i32
        %add3A_135 = arith.addi %mul3A_133, %add3A_134 : i32
        %mul3A_136 = arith.constant 128 : i32
        %mul3A_137 = arith.muli %add3A_135, %mul3A_136 : i32
        %get3A_138 = arith.index_cast %mul3A_137 : i32 to index
        %get3A_139 = tpu.vector_load %arg7[%get3A_138] {strides = array<i32>} : memref<100352xf32, #tpu.memory_space<vmem>>, vector<16xf32>,
        %get3A_140 = vector.shape_cast %get3A_139 : vector<16xf32> to vector<16xf32>
        %add3A_141 = arith.constant 16 : i32
        %add3A_142 = arith.addi %mul3A_137, %add3A_141 : i32
        %get3A_143 = arith.index_cast %add3A_142 : i32 to index
        %get3A_144 = tpu.vector_load %arg7[%get3A_143] {strides = array<i32>} : memref<100352xf32, #tpu.memory_space<vmem>>, vector<16xf32>,
        %get3A_145 = vector.shape_cast %get3A_144 : vector<16xf32> to vector<16xf32>
        %min3A_146 = arith.minimumf %get3A_140, %get3A_145 : vector<16xf32>
        %add3A_147 = arith.constant 32 : i32
        %add3A_148 = arith.addi %mul3A_137, %add3A_147 : i32
        %get3A_149 = arith.index_cast %add3A_148 : i32 to index
        %get3A_150 = tpu.vector_load %arg7[%get3A_149] {strides = array<i32>} : memref<100352xf32, #tpu.memory_space<vmem>>, vector<16xf32>,
        %get3A_151 = vector.shape_cast %get3A_150 : vector<16xf32> to vector<16xf32>
        %min3A_152 = arith.minimumf %min3A_146, %get3A_151 : vector<16xf32>
        %add3A_153 = arith.constant 48 : i32
        %add3A_154 = arith.addi %mul3A_137, %add3A_153 : i32
        %get3A_155 = arith.index_cast %add3A_154 : i32 to index
        %get3A_156 = tpu.vector_load %arg7[%get3A_155] {strides = array<i32>} : memref<100352xf32, #tpu.memory_space<vmem>>, vector<16xf32>,
        %get3A_157 = vector.shape_cast %get3A_156 : vector<16xf32> to vector<16xf32>
        %min3A_158 = arith.minimumf %min3A_152, %get3A_157 : vector<16xf32>
        %add3A_159 = arith.constant 64 : i32
        %add3A_160 = arith.addi %mul3A_137, %add3A_159 : i32
        %get3A_161 = arith.index_cast %add3A_160 : i32 to index
        %get3A_162 = tpu.vector_load %arg7[%get3A_161] {strides = array<i32>} : memref<100352xf32, #tpu.memory_space<vmem>>, vector<16xf32>,
        %get3A_163 = vector.shape_cast %get3A_162 : vector<16xf32> to vector<16xf32>
        %min3A_164 = arith.minimumf %min3A_158, %get3A_163 : vector<16xf32>
        %add3A_165 = arith.constant 80 : i32
        %add3A_166 = arith.addi %mul3A_137, %add3A_165 : i32
        %get3A_167 = arith.index_cast %add3A_166 : i32 to index
        %get3A_168 = tpu.vector_load %arg7[%get3A_167] {strides = array<i32>} : memref<100352xf32, #tpu.memory_space<vmem>>, vector<16xf32>,
        %get3A_169 = vector.shape_cast %get3A_168 : vector<16xf32> to vector<16xf32>
        %min3A_170 = arith.minimumf %min3A_164, %get3A_169 : vector<16xf32>
        %add3A_171 = arith.constant 96 : i32
        %add3A_172 = arith.addi %mul3A_137, %add3A_171 : i32
        %get3A_173 = arith.index_cast %add3A_172 : i32 to index
        %get3A_174 = tpu.vector_load %arg7[%get3A_173] {strides = array<i32>} : memref<100352xf32, #tpu.memory_space<vmem>>, vector<16xf32>,
        %get3A_175 = vector.shape_cast %get3A_174 : vector<16xf32> to vector<16xf32>
        %min3A_176 = arith.minimumf %min3A_170, %get3A_175 : vector<16xf32>
        %add3A_177 = arith.constant 112 : i32
        %add3A_178 = arith.addi %mul3A_137, %add3A_177 : i32
        %get3A_179 = arith.index_cast %add3A_178 : i32 to index
        %get3A_180 = tpu.vector_load %arg7[%get3A_179] {strides = array<i32>} : memref<100352xf32, #tpu.memory_space<vmem>>, vector<16xf32>,
        %get3A_181 = vector.shape_cast %get3A_180 : vector<16xf32> to vector<16xf32>
        %min3A_182 = arith.minimumf %min3A_176, %get3A_181 : vector<16xf32>
        %eq3A_183 = arith.constant 1 : i32
        %eq3A_184 = vector.broadcast %eq3A_183 : i32 to vector<16xi32>
        %eq3A_185 = arith.cmpi eq, %iota3A, %eq3A_184 : vector<16xi32>
        %xor3A_186 = arith.constant 8 : i32
        %xor3A_187 = vector.broadcast %xor3A_186 : i32 to vector<16xi32>
        %xor3A_188 = arith.xori %iota3A, %xor3A_187 : vector<16xi32>
        %broadcast_in_dim3A_189 = vector.shape_cast %xor3A_188 : vector<16xi32> to vector<16x1xi32>
        %gather3A_190 = vector.shape_cast %broadcast_in_dim3A_189 : vector<16x1xi32> to vector<16xi32>
        %gather3A_191 = tpu.dynamic_gather %min3A_182[%gather3A_190] in [0] : vector<16xf32>, vector<16xi32> -> vector<16xf32>
        %min3A_192 = arith.minimumf %min3A_182, %gather3A_191 : vector<16xf32>
        %xor3A_193 = arith.constant 4 : i32
        %xor3A_194 = vector.broadcast %xor3A_193 : i32 to vector<16xi32>
        %xor3A_195 = arith.xori %iota3A, %xor3A_194 : vector<16xi32>
        %broadcast_in_dim3A_196 = vector.shape_cast %xor3A_195 : vector<16xi32> to vector<16x1xi32>
        %gather3A_197 = vector.shape_cast %broadcast_in_dim3A_196 : vector<16x1xi32> to vector<16xi32>
        %gather3A_198 = tpu.dynamic_gather %min3A_192[%gather3A_197] in [0] : vector<16xf32>, vector<16xi32> -> vector<16xf32>
        %min3A_199 = arith.minimumf %min3A_192, %gather3A_198 : vector<16xf32>
        %xor3A_200 = arith.constant 2 : i32
        %xor3A_201 = vector.broadcast %xor3A_200 : i32 to vector<16xi32>
        %xor3A_202 = arith.xori %iota3A, %xor3A_201 : vector<16xi32>
        %broadcast_in_dim3A_203 = vector.shape_cast %xor3A_202 : vector<16xi32> to vector<16x1xi32>
        %gather3A_204 = vector.shape_cast %broadcast_in_dim3A_203 : vector<16x1xi32> to vector<16xi32>
        %gather3A_205 = tpu.dynamic_gather %min3A_199[%gather3A_204] in [0] : vector<16xf32>, vector<16xi32> -> vector<16xf32>
        %min3A_206 = arith.minimumf %min3A_199, %gather3A_205 : vector<16xf32>
        %xor3A_207 = arith.constant 1 : i32
        %xor3A_208 = vector.broadcast %xor3A_207 : i32 to vector<16xi32>
        %xor3A_209 = arith.xori %iota3A, %xor3A_208 : vector<16xi32>
        %broadcast_in_dim3A_210 = vector.shape_cast %xor3A_209 : vector<16xi32> to vector<16x1xi32>
        %gather3A_211 = vector.shape_cast %broadcast_in_dim3A_210 : vector<16x1xi32> to vector<16xi32>
        %gather3A_212 = tpu.dynamic_gather %min3A_206[%gather3A_211] in [0] : vector<16xf32>, vector<16xi32> -> vector<16xf32>
        %min3A_213 = arith.minimumf %min3A_206, %gather3A_212 : vector<16xf32>
        %select_n3A_214 = arith.select %eq3A_185, %min3A_213, %select_n3A : vector<16xi1>, vector<16xf32>
        %mul3A_215 = arith.constant 16 : i32
        %mul3A_216 = arith.muli %scan3A_51, %mul3A_215 : i32
        %add3A_217 = arith.constant 2 : i32
        %add3A_218 = arith.addi %mul3A_216, %add3A_217 : i32
        %mul3A_219 = arith.constant 128 : i32
        %mul3A_220 = arith.muli %add3A_218, %mul3A_219 : i32
        %get3A_221 = arith.index_cast %mul3A_220 : i32 to index
        %get3A_222 = tpu.vector_load %arg7[%get3A_221] {strides = array<i32>} : memref<100352xf32, #tpu.memory_space<vmem>>, vector<16xf32>,
        %get3A_223 = vector.shape_cast %get3A_222 : vector<16xf32> to vector<16xf32>
        %add3A_224 = arith.constant 16 : i32
        %add3A_225 = arith.addi %mul3A_220, %add3A_224 : i32
        %get3A_226 = arith.index_cast %add3A_225 : i32 to index
        %get3A_227 = tpu.vector_load %arg7[%get3A_226] {strides = array<i32>} : memref<100352xf32, #tpu.memory_space<vmem>>, vector<16xf32>,
        %get3A_228 = vector.shape_cast %get3A_227 : vector<16xf32> to vector<16xf32>
        %min3A_229 = arith.minimumf %get3A_223, %get3A_228 : vector<16xf32>
        %add3A_230 = arith.constant 32 : i32
        %add3A_231 = arith.addi %mul3A_220, %add3A_230 : i32
        %get3A_232 = arith.index_cast %add3A_231 : i32 to index
        %get3A_233 = tpu.vector_load %arg7[%get3A_232] {strides = array<i32>} : memref<100352xf32, #tpu.memory_space<vmem>>, vector<16xf32>,
        %get3A_234 = vector.shape_cast %get3A_233 : vector<16xf32> to vector<16xf32>
        %min3A_235 = arith.minimumf %min3A_229, %get3A_234 : vector<16xf32>
        %add3A_236 = arith.constant 48 : i32
        %add3A_237 = arith.addi %mul3A_220, %add3A_236 : i32
        %get3A_238 = arith.index_cast %add3A_237 : i32 to index
        %get3A_239 = tpu.vector_load %arg7[%get3A_238] {strides = array<i32>} : memref<100352xf32, #tpu.memory_space<vmem>>, vector<16xf32>,
        %get3A_240 = vector.shape_cast %get3A_239 : vector<16xf32> to vector<16xf32>
        %min3A_241 = arith.minimumf %min3A_235, %get3A_240 : vector<16xf32>
        %add3A_242 = arith.constant 64 : i32
        %add3A_243 = arith.addi %mul3A_220, %add3A_242 : i32
        %get3A_244 = arith.index_cast %add3A_243 : i32 to index
        %get3A_245 = tpu.vector_load %arg7[%get3A_244] {strides = array<i32>} : memref<100352xf32, #tpu.memory_space<vmem>>, vector<16xf32>,
        %get3A_246 = vector.shape_cast %get3A_245 : vector<16xf32> to vector<16xf32>
        %min3A_247 = arith.minimumf %min3A_241, %get3A_246 : vector<16xf32>
        %add3A_248 = arith.constant 80 : i32
        %add3A_249 = arith.addi %mul3A_220, %add3A_248 : i32
        %get3A_250 = arith.index_cast %add3A_249 : i32 to index
        %get3A_251 = tpu.vector_load %arg7[%get3A_250] {strides = array<i32>} : memref<100352xf32, #tpu.memory_space<vmem>>, vector<16xf32>,
        %get3A_252 = vector.shape_cast %get3A_251 : vector<16xf32> to vector<16xf32>
        %min3A_253 = arith.minimumf %min3A_247, %get3A_252 : vector<16xf32>
        %add3A_254 = arith.constant 96 : i32
        %add3A_255 = arith.addi %mul3A_220, %add3A_254 : i32
        %get3A_256 = arith.index_cast %add3A_255 : i32 to index
        %get3A_257 = tpu.vector_load %arg7[%get3A_256] {strides = array<i32>} : memref<100352xf32, #tpu.memory_space<vmem>>, vector<16xf32>,
        %get3A_258 = vector.shape_cast %get3A_257 : vector<16xf32> to vector<16xf32>
        %min3A_259 = arith.minimumf %min3A_253, %get3A_258 : vector<16xf32>
        %add3A_260 = arith.constant 112 : i32
        %add3A_261 = arith.addi %mul3A_220, %add3A_260 : i32
        %get3A_262 = arith.index_cast %add3A_261 : i32 to index
        %get3A_263 = tpu.vector_load %arg7[%get3A_262] {strides = array<i32>} : memref<100352xf32, #tpu.memory_space<vmem>>, vector<16xf32>,
        %get3A_264 = vector.shape_cast %get3A_263 : vector<16xf32> to vector<16xf32>
        %min3A_265 = arith.minimumf %min3A_259, %get3A_264 : vector<16xf32>
        %eq3A_266 = arith.constant 2 : i32
        %eq3A_267 = vector.broadcast %eq3A_266 : i32 to vector<16xi32>
        %eq3A_268 = arith.cmpi eq, %iota3A, %eq3A_267 : vector<16xi32>
        %xor3A_269 = arith.constant 8 : i32
        %xor3A_270 = vector.broadcast %xor3A_269 : i32 to vector<16xi32>
        %xor3A_271 = arith.xori %iota3A, %xor3A_270 : vector<16xi32>
        %broadcast_in_dim3A_272 = vector.shape_cast %xor3A_271 : vector<16xi32> to vector<16x1xi32>
        %gather3A_273 = vector.shape_cast %broadcast_in_dim3A_272 : vector<16x1xi32> to vector<16xi32>
        %gather3A_274 = tpu.dynamic_gather %min3A_265[%gather3A_273] in [0] : vector<16xf32>, vector<16xi32> -> vector<16xf32>
        %min3A_275 = arith.minimumf %min3A_265, %gather3A_274 : vector<16xf32>
        %xor3A_276 = arith.constant 4 : i32
        %xor3A_277 = vector.broadcast %xor3A_276 : i32 to vector<16xi32>
        %xor3A_278 = arith.xori %iota3A, %xor3A_277 : vector<16xi32>
        %broadcast_in_dim3A_279 = vector.shape_cast %xor3A_278 : vector<16xi32> to vector<16x1xi32>
        %gather3A_280 = vector.shape_cast %broadcast_in_dim3A_279 : vector<16x1xi32> to vector<16xi32>
        %gather3A_281 = tpu.dynamic_gather %min3A_275[%gather3A_280] in [0] : vector<16xf32>, vector<16xi32> -> vector<16xf32>
        %min3A_282 = arith.minimumf %min3A_275, %gather3A_281 : vector<16xf32>
        %xor3A_283 = arith.constant 2 : i32
        %xor3A_284 = vector.broadcast %xor3A_283 : i32 to vector<16xi32>
        %xor3A_285 = arith.xori %iota3A, %xor3A_284 : vector<16xi32>
        %broadcast_in_dim3A_286 = vector.shape_cast %xor3A_285 : vector<16xi32> to vector<16x1xi32>
        %gather3A_287 = vector.shape_cast %broadcast_in_dim3A_286 : vector<16x1xi32> to vector<16xi32>
        %gather3A_288 = tpu.dynamic_gather %min3A_282[%gather3A_287] in [0] : vector<16xf32>, vector<16xi32> -> vector<16xf32>
        %min3A_289 = arith.minimumf %min3A_282, %gather3A_288 : vector<16xf32>
        %xor3A_290 = arith.constant 1 : i32
        %xor3A_291 = vector.broadcast %xor3A_290 : i32 to vector<16xi32>
        %xor3A_292 = arith.xori %iota3A, %xor3A_291 : vector<16xi32>
        %broadcast_in_dim3A_293 = vector.shape_cast %xor3A_292 : vector<16xi32> to vector<16x1xi32>
        %gather3A_294 = vector.shape_cast %broadcast_in_dim3A_293 : vector<16x1xi32> to vector<16xi32>
        %gather3A_295 = tpu.dynamic_gather %min3A_289[%gather3A_294] in [0] : vector<16xf32>, vector<16xi32> -> vector<16xf32>
        %min3A_296 = arith.minimumf %min3A_289, %gather3A_295 : vector<16xf32>
        %select_n3A_297 = arith.select %eq3A_268, %min3A_296, %select_n3A_214 : vector<16xi1>, vector<16xf32>
        %mul3A_298 = arith.constant 16 : i32
        %mul3A_299 = arith.muli %scan3A_51, %mul3A_298 : i32
        %add3A_300 = arith.constant 3 : i32
        %add3A_301 = arith.addi %mul3A_299, %add3A_300 : i32
        %mul3A_302 = arith.constant 128 : i32
        %mul3A_303 = arith.muli %add3A_301, %mul3A_302 : i32
        %get3A_304 = arith.index_cast %mul3A_303 : i32 to index
        %get3A_305 = tpu.vector_load %arg7[%get3A_304] {strides = array<i32>} : memref<100352xf32, #tpu.memory_space<vmem>>, vector<16xf32>,
        %get3A_306 = vector.shape_cast %get3A_305 : vector<16xf32> to vector<16xf32>
        %add3A_307 = arith.constant 16 : i32
        %add3A_308 = arith.addi %mul3A_303, %add3A_307 : i32
        %get3A_309 = arith.index_cast %add3A_308 : i32 to index
        %get3A_310 = tpu.vector_load %arg7[%get3A_309] {strides = array<i32>} : memref<100352xf32, #tpu.memory_space<vmem>>, vector<16xf32>,
        %get3A_311 = vector.shape_cast %get3A_310 : vector<16xf32> to vector<16xf32>
        %min3A_312 = arith.minimumf %get3A_306, %get3A_311 : vector<16xf32>
        %add3A_313 = arith.constant 32 : i32
        %add3A_314 = arith.addi %mul3A_303, %add3A_313 : i32
        %get3A_315 = arith.index_cast %add3A_314 : i32 to index
        %get3A_316 = tpu.vector_load %arg7[%get3A_315] {strides = array<i32>} : memref<100352xf32, #tpu.memory_space<vmem>>, vector<16xf32>,
        %get3A_317 = vector.shape_cast %get3A_316 : vector<16xf32> to vector<16xf32>
        %min3A_318 = arith.minimumf %min3A_312, %get3A_317 : vector<16xf32>
        %add3A_319 = arith.constant 48 : i32
        %add3A_320 = arith.addi %mul3A_303, %add3A_319 : i32
        %get3A_321 = arith.index_cast %add3A_320 : i32 to index
        %get3A_322 = tpu.vector_load %arg7[%get3A_321] {strides = array<i32>} : memref<100352xf32, #tpu.memory_space<vmem>>, vector<16xf32>,
        %get3A_323 = vector.shape_cast %get3A_322 : vector<16xf32> to vector<16xf32>
        %min3A_324 = arith.minimumf %min3A_318, %get3A_323 : vector<16xf32>
        %add3A_325 = arith.constant 64 : i32
        %add3A_326 = arith.addi %mul3A_303, %add3A_325 : i32
        %get3A_327 = arith.index_cast %add3A_326 : i32 to index
        %get3A_328 = tpu.vector_load %arg7[%get3A_327] {strides = array<i32>} : memref<100352xf32, #tpu.memory_space<vmem>>, vector<16xf32>,
        %get3A_329 = vector.shape_cast %get3A_328 : vector<16xf32> to vector<16xf32>
        %min3A_330 = arith.minimumf %min3A_324, %get3A_329 : vector<16xf32>
        %add3A_331 = arith.constant 80 : i32
        %add3A_332 = arith.addi %mul3A_303, %add3A_331 : i32
        %get3A_333 = arith.index_cast %add3A_332 : i32 to index
        %get3A_334 = tpu.vector_load %arg7[%get3A_333] {strides = array<i32>} : memref<100352xf32, #tpu.memory_space<vmem>>, vector<16xf32>,
        %get3A_335 = vector.shape_cast %get3A_334 : vector<16xf32> to vector<16xf32>
        %min3A_336 = arith.minimumf %min3A_330, %get3A_335 : vector<16xf32>
        %add3A_337 = arith.constant 96 : i32
        %add3A_338 = arith.addi %mul3A_303, %add3A_337 : i32
        %get3A_339 = arith.index_cast %add3A_338 : i32 to index
        %get3A_340 = tpu.vector_load %arg7[%get3A_339] {strides = array<i32>} : memref<100352xf32, #tpu.memory_space<vmem>>, vector<16xf32>,
        %get3A_341 = vector.shape_cast %get3A_340 : vector<16xf32> to vector<16xf32>
        %min3A_342 = arith.minimumf %min3A_336, %get3A_341 : vector<16xf32>
        %add3A_343 = arith.constant 112 : i32
        %add3A_344 = arith.addi %mul3A_303, %add3A_343 : i32
        %get3A_345 = arith.index_cast %add3A_344 : i32 to index
        %get3A_346 = tpu.vector_load %arg7[%get3A_345] {strides = array<i32>} : memref<100352xf32, #tpu.memory_space<vmem>>, vector<16xf32>,
        %get3A_347 = vector.shape_cast %get3A_346 : vector<16xf32> to vector<16xf32>
        %min3A_348 = arith.minimumf %min3A_342, %get3A_347 : vector<16xf32>
        %eq3A_349 = arith.constant 3 : i32
        %eq3A_350 = vector.broadcast %eq3A_349 : i32 to vector<16xi32>
        %eq3A_351 = arith.cmpi eq, %iota3A, %eq3A_350 : vector<16xi32>
        %xor3A_352 = arith.constant 8 : i32
        %xor3A_353 = vector.broadcast %xor3A_352 : i32 to vector<16xi32>
        %xor3A_354 = arith.xori %iota3A, %xor3A_353 : vector<16xi32>
        %broadcast_in_dim3A_355 = vector.shape_cast %xor3A_354 : vector<16xi32> to vector<16x1xi32>
        %gather3A_356 = vector.shape_cast %broadcast_in_dim3A_355 : vector<16x1xi32> to vector<16xi32>
        %gather3A_357 = tpu.dynamic_gather %min3A_348[%gather3A_356] in [0] : vector<16xf32>, vector<16xi32> -> vector<16xf32>
        %min3A_358 = arith.minimumf %min3A_348, %gather3A_357 : vector<16xf32>
        %xor3A_359 = arith.constant 4 : i32
        %xor3A_360 = vector.broadcast %xor3A_359 : i32 to vector<16xi32>
        %xor3A_361 = arith.xori %iota3A, %xor3A_360 : vector<16xi32>
        %broadcast_in_dim3A_362 = vector.shape_cast %xor3A_361 : vector<16xi32> to vector<16x1xi32>
        %gather3A_363 = vector.shape_cast %broadcast_in_dim3A_362 : vector<16x1xi32> to vector<16xi32>
        %gather3A_364 = tpu.dynamic_gather %min3A_358[%gather3A_363] in [0] : vector<16xf32>, vector<16xi32> -> vector<16xf32>
        %min3A_365 = arith.minimumf %min3A_358, %gather3A_364 : vector<16xf32>
        %xor3A_366 = arith.constant 2 : i32
        %xor3A_367 = vector.broadcast %xor3A_366 : i32 to vector<16xi32>
        %xor3A_368 = arith.xori %iota3A, %xor3A_367 : vector<16xi32>
        %broadcast_in_dim3A_369 = vector.shape_cast %xor3A_368 : vector<16xi32> to vector<16x1xi32>
        %gather3A_370 = vector.shape_cast %broadcast_in_dim3A_369 : vector<16x1xi32> to vector<16xi32>
        %gather3A_371 = tpu.dynamic_gather %min3A_365[%gather3A_370] in [0] : vector<16xf32>, vector<16xi32> -> vector<16xf32>
        %min3A_372 = arith.minimumf %min3A_365, %gather3A_371 : vector<16xf32>
        %xor3A_373 = arith.constant 1 : i32
        %xor3A_374 = vector.broadcast %xor3A_373 : i32 to vector<16xi32>
        %xor3A_375 = arith.xori %iota3A, %xor3A_374 : vector<16xi32>
        %broadcast_in_dim3A_376 = vector.shape_cast %xor3A_375 : vector<16xi32> to vector<16x1xi32>
        %gather3A_377 = vector.shape_cast %broadcast_in_dim3A_376 : vector<16x1xi32> to vector<16xi32>
        %gather3A_378 = tpu.dynamic_gather %min3A_372[%gather3A_377] in [0] : vector<16xf32>, vector<16xi32> -> vector<16xf32>
        %min3A_379 = arith.minimumf %min3A_372, %gather3A_378 : vector<16xf32>
        %select_n3A_380 = arith.select %eq3A_351, %min3A_379, %select_n3A_297 : vector<16xi1>, vector<16xf32>
        %mul3A_381 = arith.constant 16 : i32
        %mul3A_382 = arith.muli %scan3A_51, %mul3A_381 : i32
        %add3A_383 = arith.constant 4 : i32
        %add3A_384 = arith.addi %mul3A_382, %add3A_383 : i32
        %mul3A_385 = arith.constant 128 : i32
        %mul3A_386 = arith.muli %add3A_384, %mul3A_385 : i32
        %get3A_387 = arith.index_cast %mul3A_386 : i32 to index
        %get3A_388 = tpu.vector_load %arg7[%get3A_387] {strides = array<i32>} : memref<100352xf32, #tpu.memory_space<vmem>>, vector<16xf32>,
        %get3A_389 = vector.shape_cast %get3A_388 : vector<16xf32> to vector<16xf32>
        %add3A_390 = arith.constant 16 : i32
        %add3A_391 = arith.addi %mul3A_386, %add3A_390 : i32
        %get3A_392 = arith.index_cast %add3A_391 : i32 to index
        %get3A_393 = tpu.vector_load %arg7[%get3A_392] {strides = array<i32>} : memref<100352xf32, #tpu.memory_space<vmem>>, vector<16xf32>,
        %get3A_394 = vector.shape_cast %get3A_393 : vector<16xf32> to vector<16xf32>
        %min3A_395 = arith.minimumf %get3A_389, %get3A_394 : vector<16xf32>
        %add3A_396 = arith.constant 32 : i32
        %add3A_397 = arith.addi %mul3A_386, %add3A_396 : i32
        %get3A_398 = arith.index_cast %add3A_397 : i32 to index
        %get3A_399 = tpu.vector_load %arg7[%get3A_398] {strides = array<i32>} : memref<100352xf32, #tpu.memory_space<vmem>>, vector<16xf32>,
        %get3A_400 = vector.shape_cast %get3A_399 : vector<16xf32> to vector<16xf32>
        %min3A_401 = arith.minimumf %min3A_395, %get3A_400 : vector<16xf32>
        %add3A_402 = arith.constant 48 : i32
        %add3A_403 = arith.addi %mul3A_386, %add3A_402 : i32
        %get3A_404 = arith.index_cast %add3A_403 : i32 to index
        %get3A_405 = tpu.vector_load %arg7[%get3A_404] {strides = array<i32>} : memref<100352xf32, #tpu.memory_space<vmem>>, vector<16xf32>,
        %get3A_406 = vector.shape_cast %get3A_405 : vector<16xf32> to vector<16xf32>
        %min3A_407 = arith.minimumf %min3A_401, %get3A_406 : vector<16xf32>
        %add3A_408 = arith.constant 64 : i32
        %add3A_409 = arith.addi %mul3A_386, %add3A_408 : i32
        %get3A_410 = arith.index_cast %add3A_409 : i32 to index
        %get3A_411 = tpu.vector_load %arg7[%get3A_410] {strides = array<i32>} : memref<100352xf32, #tpu.memory_space<vmem>>, vector<16xf32>,
        %get3A_412 = vector.shape_cast %get3A_411 : vector<16xf32> to vector<16xf32>
        %min3A_413 = arith.minimumf %min3A_407, %get3A_412 : vector<16xf32>
        %add3A_414 = arith.constant 80 : i32
        %add3A_415 = arith.addi %mul3A_386, %add3A_414 : i32
        %get3A_416 = arith.index_cast %add3A_415 : i32 to index
        %get3A_417 = tpu.vector_load %arg7[%get3A_416] {strides = array<i32>} : memref<100352xf32, #tpu.memory_space<vmem>>, vector<16xf32>,
        %get3A_418 = vector.shape_cast %get3A_417 : vector<16xf32> to vector<16xf32>
        %min3A_419 = arith.minimumf %min3A_413, %get3A_418 : vector<16xf32>
        %add3A_420 = arith.constant 96 : i32
        %add3A_421 = arith.addi %mul3A_386, %add3A_420 : i32
        %get3A_422 = arith.index_cast %add3A_421 : i32 to index
        %get3A_423 = tpu.vector_load %arg7[%get3A_422] {strides = array<i32>} : memref<100352xf32, #tpu.memory_space<vmem>>, vector<16xf32>,
        %get3A_424 = vector.shape_cast %get3A_423 : vector<16xf32> to vector<16xf32>
        %min3A_425 = arith.minimumf %min3A_419, %get3A_424 : vector<16xf32>
        %add3A_426 = arith.constant 112 : i32
        %add3A_427 = arith.addi %mul3A_386, %add3A_426 : i32
        %get3A_428 = arith.index_cast %add3A_427 : i32 to index
        %get3A_429 = tpu.vector_load %arg7[%get3A_428] {strides = array<i32>} : memref<100352xf32, #tpu.memory_space<vmem>>, vector<16xf32>,
        %get3A_430 = vector.shape_cast %get3A_429 : vector<16xf32> to vector<16xf32>
        %min3A_431 = arith.minimumf %min3A_425, %get3A_430 : vector<16xf32>
        %eq3A_432 = arith.constant 4 : i32
        %eq3A_433 = vector.broadcast %eq3A_432 : i32 to vector<16xi32>
        %eq3A_434 = arith.cmpi eq, %iota3A, %eq3A_433 : vector<16xi32>
        %xor3A_435 = arith.constant 8 : i32
        %xor3A_436 = vector.broadcast %xor3A_435 : i32 to vector<16xi32>
        %xor3A_437 = arith.xori %iota3A, %xor3A_436 : vector<16xi32>
        %broadcast_in_dim3A_438 = vector.shape_cast %xor3A_437 : vector<16xi32> to vector<16x1xi32>
        %gather3A_439 = vector.shape_cast %broadcast_in_dim3A_438 : vector<16x1xi32> to vector<16xi32>
        %gather3A_440 = tpu.dynamic_gather %min3A_431[%gather3A_439] in [0] : vector<16xf32>, vector<16xi32> -> vector<16xf32>
        %min3A_441 = arith.minimumf %min3A_431, %gather3A_440 : vector<16xf32>
        %xor3A_442 = arith.constant 4 : i32
        %xor3A_443 = vector.broadcast %xor3A_442 : i32 to vector<16xi32>
        %xor3A_444 = arith.xori %iota3A, %xor3A_443 : vector<16xi32>
        %broadcast_in_dim3A_445 = vector.shape_cast %xor3A_444 : vector<16xi32> to vector<16x1xi32>
        %gather3A_446 = vector.shape_cast %broadcast_in_dim3A_445 : vector<16x1xi32> to vector<16xi32>
        %gather3A_447 = tpu.dynamic_gather %min3A_441[%gather3A_446] in [0] : vector<16xf32>, vector<16xi32> -> vector<16xf32>
        %min3A_448 = arith.minimumf %min3A_441, %gather3A_447 : vector<16xf32>
        %xor3A_449 = arith.constant 2 : i32
        %xor3A_450 = vector.broadcast %xor3A_449 : i32 to vector<16xi32>
        %xor3A_451 = arith.xori %iota3A, %xor3A_450 : vector<16xi32>
        %broadcast_in_dim3A_452 = vector.shape_cast %xor3A_451 : vector<16xi32> to vector<16x1xi32>
        %gather3A_453 = vector.shape_cast %broadcast_in_dim3A_452 : vector<16x1xi32> to vector<16xi32>
        %gather3A_454 = tpu.dynamic_gather %min3A_448[%gather3A_453] in [0] : vector<16xf32>, vector<16xi32> -> vector<16xf32>
        %min3A_455 = arith.minimumf %min3A_448, %gather3A_454 : vector<16xf32>
        %xor3A_456 = arith.constant 1 : i32
        %xor3A_457 = vector.broadcast %xor3A_456 : i32 to vector<16xi32>
        %xor3A_458 = arith.xori %iota3A, %xor3A_457 : vector<16xi32>
        %broadcast_in_dim3A_459 = vector.shape_cast %xor3A_458 : vector<16xi32> to vector<16x1xi32>
        %gather3A_460 = vector.shape_cast %broadcast_in_dim3A_459 : vector<16x1xi32> to vector<16xi32>
        %gather3A_461 = tpu.dynamic_gather %min3A_455[%gather3A_460] in [0] : vector<16xf32>, vector<16xi32> -> vector<16xf32>
        %min3A_462 = arith.minimumf %min3A_455, %gather3A_461 : vector<16xf32>
        %select_n3A_463 = arith.select %eq3A_434, %min3A_462, %select_n3A_380 : vector<16xi1>, vector<16xf32>
        %mul3A_464 = arith.constant 16 : i32
        %mul3A_465 = arith.muli %scan3A_51, %mul3A_464 : i32
        %add3A_466 = arith.constant 5 : i32
        %add3A_467 = arith.addi %mul3A_465, %add3A_466 : i32
        %mul3A_468 = arith.constant 128 : i32
        %mul3A_469 = arith.muli %add3A_467, %mul3A_468 : i32
        %get3A_470 = arith.index_cast %mul3A_469 : i32 to index
        %get3A_471 = tpu.vector_load %arg7[%get3A_470] {strides = array<i32>} : memref<100352xf32, #tpu.memory_space<vmem>>, vector<16xf32>,
        %get3A_472 = vector.shape_cast %get3A_471 : vector<16xf32> to vector<16xf32>
        %add3A_473 = arith.constant 16 : i32
        %add3A_474 = arith.addi %mul3A_469, %add3A_473 : i32
        %get3A_475 = arith.index_cast %add3A_474 : i32 to index
        %get3A_476 = tpu.vector_load %arg7[%get3A_475] {strides = array<i32>} : memref<100352xf32, #tpu.memory_space<vmem>>, vector<16xf32>,
        %get3A_477 = vector.shape_cast %get3A_476 : vector<16xf32> to vector<16xf32>
        %min3A_478 = arith.minimumf %get3A_472, %get3A_477 : vector<16xf32>
        %add3A_479 = arith.constant 32 : i32
        %add3A_480 = arith.addi %mul3A_469, %add3A_479 : i32
        %get3A_481 = arith.index_cast %add3A_480 : i32 to index
        %get3A_482 = tpu.vector_load %arg7[%get3A_481] {strides = array<i32>} : memref<100352xf32, #tpu.memory_space<vmem>>, vector<16xf32>,
        %get3A_483 = vector.shape_cast %get3A_482 : vector<16xf32> to vector<16xf32>
        %min3A_484 = arith.minimumf %min3A_478, %get3A_483 : vector<16xf32>
        %add3A_485 = arith.constant 48 : i32
        %add3A_486 = arith.addi %mul3A_469, %add3A_485 : i32
        %get3A_487 = arith.index_cast %add3A_486 : i32 to index
        %get3A_488 = tpu.vector_load %arg7[%get3A_487] {strides = array<i32>} : memref<100352xf32, #tpu.memory_space<vmem>>, vector<16xf32>,
        %get3A_489 = vector.shape_cast %get3A_488 : vector<16xf32> to vector<16xf32>
        %min3A_490 = arith.minimumf %min3A_484, %get3A_489 : vector<16xf32>
        %add3A_491 = arith.constant 64 : i32
        %add3A_492 = arith.addi %mul3A_469, %add3A_491 : i32
        %get3A_493 = arith.index_cast %add3A_492 : i32 to index
        %get3A_494 = tpu.vector_load %arg7[%get3A_493] {strides = array<i32>} : memref<100352xf32, #tpu.memory_space<vmem>>, vector<16xf32>,
        %get3A_495 = vector.shape_cast %get3A_494 : vector<16xf32> to vector<16xf32>
        %min3A_496 = arith.minimumf %min3A_490, %get3A_495 : vector<16xf32>
        %add3A_497 = arith.constant 80 : i32
        %add3A_498 = arith.addi %mul3A_469, %add3A_497 : i32
        %get3A_499 = arith.index_cast %add3A_498 : i32 to index
        %get3A_500 = tpu.vector_load %arg7[%get3A_499] {strides = array<i32>} : memref<100352xf32, #tpu.memory_space<vmem>>, vector<16xf32>,
        %get3A_501 = vector.shape_cast %get3A_500 : vector<16xf32> to vector<16xf32>
        %min3A_502 = arith.minimumf %min3A_496, %get3A_501 : vector<16xf32>
        %add3A_503 = arith.constant 96 : i32
        %add3A_504 = arith.addi %mul3A_469, %add3A_503 : i32
        %get3A_505 = arith.index_cast %add3A_504 : i32 to index
        %get3A_506 = tpu.vector_load %arg7[%get3A_505] {strides = array<i32>} : memref<100352xf32, #tpu.memory_space<vmem>>, vector<16xf32>,
        %get3A_507 = vector.shape_cast %get3A_506 : vector<16xf32> to vector<16xf32>
        %min3A_508 = arith.minimumf %min3A_502, %get3A_507 : vector<16xf32>
        %add3A_509 = arith.constant 112 : i32
        %add3A_510 = arith.addi %mul3A_469, %add3A_509 : i32
        %get3A_511 = arith.index_cast %add3A_510 : i32 to index
        %get3A_512 = tpu.vector_load %arg7[%get3A_511] {strides = array<i32>} : memref<100352xf32, #tpu.memory_space<vmem>>, vector<16xf32>,
        %get3A_513 = vector.shape_cast %get3A_512 : vector<16xf32> to vector<16xf32>
        %min3A_514 = arith.minimumf %min3A_508, %get3A_513 : vector<16xf32>
        %eq3A_515 = arith.constant 5 : i32
        %eq3A_516 = vector.broadcast %eq3A_515 : i32 to vector<16xi32>
        %eq3A_517 = arith.cmpi eq, %iota3A, %eq3A_516 : vector<16xi32>
        %xor3A_518 = arith.constant 8 : i32
        %xor3A_519 = vector.broadcast %xor3A_518 : i32 to vector<16xi32>
        %xor3A_520 = arith.xori %iota3A, %xor3A_519 : vector<16xi32>
        %broadcast_in_dim3A_521 = vector.shape_cast %xor3A_520 : vector<16xi32> to vector<16x1xi32>
        %gather3A_522 = vector.shape_cast %broadcast_in_dim3A_521 : vector<16x1xi32> to vector<16xi32>
        %gather3A_523 = tpu.dynamic_gather %min3A_514[%gather3A_522] in [0] : vector<16xf32>, vector<16xi32> -> vector<16xf32>
        %min3A_524 = arith.minimumf %min3A_514, %gather3A_523 : vector<16xf32>
        %xor3A_525 = arith.constant 4 : i32
        %xor3A_526 = vector.broadcast %xor3A_525 : i32 to vector<16xi32>
        %xor3A_527 = arith.xori %iota3A, %xor3A_526 : vector<16xi32>
        %broadcast_in_dim3A_528 = vector.shape_cast %xor3A_527 : vector<16xi32> to vector<16x1xi32>
        %gather3A_529 = vector.shape_cast %broadcast_in_dim3A_528 : vector<16x1xi32> to vector<16xi32>
        %gather3A_530 = tpu.dynamic_gather %min3A_524[%gather3A_529] in [0] : vector<16xf32>, vector<16xi32> -> vector<16xf32>
        %min3A_531 = arith.minimumf %min3A_524, %gather3A_530 : vector<16xf32>
        %xor3A_532 = arith.constant 2 : i32
        %xor3A_533 = vector.broadcast %xor3A_532 : i32 to vector<16xi32>
        %xor3A_534 = arith.xori %iota3A, %xor3A_533 : vector<16xi32>
        %broadcast_in_dim3A_535 = vector.shape_cast %xor3A_534 : vector<16xi32> to vector<16x1xi32>
        %gather3A_536 = vector.shape_cast %broadcast_in_dim3A_535 : vector<16x1xi32> to vector<16xi32>
        %gather3A_537 = tpu.dynamic_gather %min3A_531[%gather3A_536] in [0] : vector<16xf32>, vector<16xi32> -> vector<16xf32>
        %min3A_538 = arith.minimumf %min3A_531, %gather3A_537 : vector<16xf32>
        %xor3A_539 = arith.constant 1 : i32
        %xor3A_540 = vector.broadcast %xor3A_539 : i32 to vector<16xi32>
        %xor3A_541 = arith.xori %iota3A, %xor3A_540 : vector<16xi32>
        %broadcast_in_dim3A_542 = vector.shape_cast %xor3A_541 : vector<16xi32> to vector<16x1xi32>
        %gather3A_543 = vector.shape_cast %broadcast_in_dim3A_542 : vector<16x1xi32> to vector<16xi32>
        %gather3A_544 = tpu.dynamic_gather %min3A_538[%gather3A_543] in [0] : vector<16xf32>, vector<16xi32> -> vector<16xf32>
        %min3A_545 = arith.minimumf %min3A_538, %gather3A_544 : vector<16xf32>
        %select_n3A_546 = arith.select %eq3A_517, %min3A_545, %select_n3A_463 : vector<16xi1>, vector<16xf32>
        %mul3A_547 = arith.constant 16 : i32
        %mul3A_548 = arith.muli %scan3A_51, %mul3A_547 : i32
        %add3A_549 = arith.constant 6 : i32
        %add3A_550 = arith.addi %mul3A_548, %add3A_549 : i32
        %mul3A_551 = arith.constant 128 : i32
        %mul3A_552 = arith.muli %add3A_550, %mul3A_551 : i32
        %get3A_553 = arith.index_cast %mul3A_552 : i32 to index
        %get3A_554 = tpu.vector_load %arg7[%get3A_553] {strides = array<i32>} : memref<100352xf32, #tpu.memory_space<vmem>>, vector<16xf32>,
        %get3A_555 = vector.shape_cast %get3A_554 : vector<16xf32> to vector<16xf32>
        %add3A_556 = arith.constant 16 : i32
        %add3A_557 = arith.addi %mul3A_552, %add3A_556 : i32
        %get3A_558 = arith.index_cast %add3A_557 : i32 to index
        %get3A_559 = tpu.vector_load %arg7[%get3A_558] {strides = array<i32>} : memref<100352xf32, #tpu.memory_space<vmem>>, vector<16xf32>,
        %get3A_560 = vector.shape_cast %get3A_559 : vector<16xf32> to vector<16xf32>
        %min3A_561 = arith.minimumf %get3A_555, %get3A_560 : vector<16xf32>
        %add3A_562 = arith.constant 32 : i32
        %add3A_563 = arith.addi %mul3A_552, %add3A_562 : i32
        %get3A_564 = arith.index_cast %add3A_563 : i32 to index
        %get3A_565 = tpu.vector_load %arg7[%get3A_564] {strides = array<i32>} : memref<100352xf32, #tpu.memory_space<vmem>>, vector<16xf32>,
        %get3A_566 = vector.shape_cast %get3A_565 : vector<16xf32> to vector<16xf32>
        %min3A_567 = arith.minimumf %min3A_561, %get3A_566 : vector<16xf32>
        %add3A_568 = arith.constant 48 : i32
        %add3A_569 = arith.addi %mul3A_552, %add3A_568 : i32
        %get3A_570 = arith.index_cast %add3A_569 : i32 to index
        %get3A_571 = tpu.vector_load %arg7[%get3A_570] {strides = array<i32>} : memref<100352xf32, #tpu.memory_space<vmem>>, vector<16xf32>,
        %get3A_572 = vector.shape_cast %get3A_571 : vector<16xf32> to vector<16xf32>
        %min3A_573 = arith.minimumf %min3A_567, %get3A_572 : vector<16xf32>
        %add3A_574 = arith.constant 64 : i32
        %add3A_575 = arith.addi %mul3A_552, %add3A_574 : i32
        %get3A_576 = arith.index_cast %add3A_575 : i32 to index
        %get3A_577 = tpu.vector_load %arg7[%get3A_576] {strides = array<i32>} : memref<100352xf32, #tpu.memory_space<vmem>>, vector<16xf32>,
        %get3A_578 = vector.shape_cast %get3A_577 : vector<16xf32> to vector<16xf32>
        %min3A_579 = arith.minimumf %min3A_573, %get3A_578 : vector<16xf32>
        %add3A_580 = arith.constant 80 : i32
        %add3A_581 = arith.addi %mul3A_552, %add3A_580 : i32
        %get3A_582 = arith.index_cast %add3A_581 : i32 to index
        %get3A_583 = tpu.vector_load %arg7[%get3A_582] {strides = array<i32>} : memref<100352xf32, #tpu.memory_space<vmem>>, vector<16xf32>,
        %get3A_584 = vector.shape_cast %get3A_583 : vector<16xf32> to vector<16xf32>
        %min3A_585 = arith.minimumf %min3A_579, %get3A_584 : vector<16xf32>
        %add3A_586 = arith.constant 96 : i32
        %add3A_587 = arith.addi %mul3A_552, %add3A_586 : i32
        %get3A_588 = arith.index_cast %add3A_587 : i32 to index
        %get3A_589 = tpu.vector_load %arg7[%get3A_588] {strides = array<i32>} : memref<100352xf32, #tpu.memory_space<vmem>>, vector<16xf32>,
        %get3A_590 = vector.shape_cast %get3A_589 : vector<16xf32> to vector<16xf32>
        %min3A_591 = arith.minimumf %min3A_585, %get3A_590 : vector<16xf32>
        %add3A_592 = arith.constant 112 : i32
        %add3A_593 = arith.addi %mul3A_552, %add3A_592 : i32
        %get3A_594 = arith.index_cast %add3A_593 : i32 to index
        %get3A_595 = tpu.vector_load %arg7[%get3A_594] {strides = array<i32>} : memref<100352xf32, #tpu.memory_space<vmem>>, vector<16xf32>,
        %get3A_596 = vector.shape_cast %get3A_595 : vector<16xf32> to vector<16xf32>
        %min3A_597 = arith.minimumf %min3A_591, %get3A_596 : vector<16xf32>
        %eq3A_598 = arith.constant 6 : i32
        %eq3A_599 = vector.broadcast %eq3A_598 : i32 to vector<16xi32>
        %eq3A_600 = arith.cmpi eq, %iota3A, %eq3A_599 : vector<16xi32>
        %xor3A_601 = arith.constant 8 : i32
        %xor3A_602 = vector.broadcast %xor3A_601 : i32 to vector<16xi32>
        %xor3A_603 = arith.xori %iota3A, %xor3A_602 : vector<16xi32>
        %broadcast_in_dim3A_604 = vector.shape_cast %xor3A_603 : vector<16xi32> to vector<16x1xi32>
        %gather3A_605 = vector.shape_cast %broadcast_in_dim3A_604 : vector<16x1xi32> to vector<16xi32>
        %gather3A_606 = tpu.dynamic_gather %min3A_597[%gather3A_605] in [0] : vector<16xf32>, vector<16xi32> -> vector<16xf32>
        %min3A_607 = arith.minimumf %min3A_597, %gather3A_606 : vector<16xf32>
        %xor3A_608 = arith.constant 4 : i32
        %xor3A_609 = vector.broadcast %xor3A_608 : i32 to vector<16xi32>
        %xor3A_610 = arith.xori %iota3A, %xor3A_609 : vector<16xi32>
        %broadcast_in_dim3A_611 = vector.shape_cast %xor3A_610 : vector<16xi32> to vector<16x1xi32>
        %gather3A_612 = vector.shape_cast %broadcast_in_dim3A_611 : vector<16x1xi32> to vector<16xi32>
        %gather3A_613 = tpu.dynamic_gather %min3A_607[%gather3A_612] in [0] : vector<16xf32>, vector<16xi32> -> vector<16xf32>
        %min3A_614 = arith.minimumf %min3A_607, %gather3A_613 : vector<16xf32>
        %xor3A_615 = arith.constant 2 : i32
        %xor3A_616 = vector.broadcast %xor3A_615 : i32 to vector<16xi32>
        %xor3A_617 = arith.xori %iota3A, %xor3A_616 : vector<16xi32>
        %broadcast_in_dim3A_618 = vector.shape_cast %xor3A_617 : vector<16xi32> to vector<16x1xi32>
        %gather3A_619 = vector.shape_cast %broadcast_in_dim3A_618 : vector<16x1xi32> to vector<16xi32>
        %gather3A_620 = tpu.dynamic_gather %min3A_614[%gather3A_619] in [0] : vector<16xf32>, vector<16xi32> -> vector<16xf32>
        %min3A_621 = arith.minimumf %min3A_614, %gather3A_620 : vector<16xf32>
        %xor3A_622 = arith.constant 1 : i32
        %xor3A_623 = vector.broadcast %xor3A_622 : i32 to vector<16xi32>
        %xor3A_624 = arith.xori %iota3A, %xor3A_623 : vector<16xi32>
        %broadcast_in_dim3A_625 = vector.shape_cast %xor3A_624 : vector<16xi32> to vector<16x1xi32>
        %gather3A_626 = vector.shape_cast %broadcast_in_dim3A_625 : vector<16x1xi32> to vector<16xi32>
        %gather3A_627 = tpu.dynamic_gather %min3A_621[%gather3A_626] in [0] : vector<16xf32>, vector<16xi32> -> vector<16xf32>
        %min3A_628 = arith.minimumf %min3A_621, %gather3A_627 : vector<16xf32>
        %select_n3A_629 = arith.select %eq3A_600, %min3A_628, %select_n3A_546 : vector<16xi1>, vector<16xf32>
        %mul3A_630 = arith.constant 16 : i32
        %mul3A_631 = arith.muli %scan3A_51, %mul3A_630 : i32
        %add3A_632 = arith.constant 7 : i32
        %add3A_633 = arith.addi %mul3A_631, %add3A_632 : i32
        %mul3A_634 = arith.constant 128 : i32
        %mul3A_635 = arith.muli %add3A_633, %mul3A_634 : i32
        %get3A_636 = arith.index_cast %mul3A_635 : i32 to index
        %get3A_637 = tpu.vector_load %arg7[%get3A_636] {strides = array<i32>} : memref<100352xf32, #tpu.memory_space<vmem>>, vector<16xf32>,
        %get3A_638 = vector.shape_cast %get3A_637 : vector<16xf32> to vector<16xf32>
        %add3A_639 = arith.constant 16 : i32
        %add3A_640 = arith.addi %mul3A_635, %add3A_639 : i32
        %get3A_641 = arith.index_cast %add3A_640 : i32 to index
        %get3A_642 = tpu.vector_load %arg7[%get3A_641] {strides = array<i32>} : memref<100352xf32, #tpu.memory_space<vmem>>, vector<16xf32>,
        %get3A_643 = vector.shape_cast %get3A_642 : vector<16xf32> to vector<16xf32>
        %min3A_644 = arith.minimumf %get3A_638, %get3A_643 : vector<16xf32>
        %add3A_645 = arith.constant 32 : i32
        %add3A_646 = arith.addi %mul3A_635, %add3A_645 : i32
        %get3A_647 = arith.index_cast %add3A_646 : i32 to index
        %get3A_648 = tpu.vector_load %arg7[%get3A_647] {strides = array<i32>} : memref<100352xf32, #tpu.memory_space<vmem>>, vector<16xf32>,
        %get3A_649 = vector.shape_cast %get3A_648 : vector<16xf32> to vector<16xf32>
        %min3A_650 = arith.minimumf %min3A_644, %get3A_649 : vector<16xf32>
        %add3A_651 = arith.constant 48 : i32
        %add3A_652 = arith.addi %mul3A_635, %add3A_651 : i32
        %get3A_653 = arith.index_cast %add3A_652 : i32 to index
        %get3A_654 = tpu.vector_load %arg7[%get3A_653] {strides = array<i32>} : memref<100352xf32, #tpu.memory_space<vmem>>, vector<16xf32>,
        %get3A_655 = vector.shape_cast %get3A_654 : vector<16xf32> to vector<16xf32>
        %min3A_656 = arith.minimumf %min3A_650, %get3A_655 : vector<16xf32>
        %add3A_657 = arith.constant 64 : i32
        %add3A_658 = arith.addi %mul3A_635, %add3A_657 : i32
        %get3A_659 = arith.index_cast %add3A_658 : i32 to index
        %get3A_660 = tpu.vector_load %arg7[%get3A_659] {strides = array<i32>} : memref<100352xf32, #tpu.memory_space<vmem>>, vector<16xf32>,
        %get3A_661 = vector.shape_cast %get3A_660 : vector<16xf32> to vector<16xf32>
        %min3A_662 = arith.minimumf %min3A_656, %get3A_661 : vector<16xf32>
        %add3A_663 = arith.constant 80 : i32
        %add3A_664 = arith.addi %mul3A_635, %add3A_663 : i32
        %get3A_665 = arith.index_cast %add3A_664 : i32 to index
        %get3A_666 = tpu.vector_load %arg7[%get3A_665] {strides = array<i32>} : memref<100352xf32, #tpu.memory_space<vmem>>, vector<16xf32>,
        %get3A_667 = vector.shape_cast %get3A_666 : vector<16xf32> to vector<16xf32>
        %min3A_668 = arith.minimumf %min3A_662, %get3A_667 : vector<16xf32>
        %add3A_669 = arith.constant 96 : i32
        %add3A_670 = arith.addi %mul3A_635, %add3A_669 : i32
        %get3A_671 = arith.index_cast %add3A_670 : i32 to index
        %get3A_672 = tpu.vector_load %arg7[%get3A_671] {strides = array<i32>} : memref<100352xf32, #tpu.memory_space<vmem>>, vector<16xf32>,
        %get3A_673 = vector.shape_cast %get3A_672 : vector<16xf32> to vector<16xf32>
        %min3A_674 = arith.minimumf %min3A_668, %get3A_673 : vector<16xf32>
        %add3A_675 = arith.constant 112 : i32
        %add3A_676 = arith.addi %mul3A_635, %add3A_675 : i32
        %get3A_677 = arith.index_cast %add3A_676 : i32 to index
        %get3A_678 = tpu.vector_load %arg7[%get3A_677] {strides = array<i32>} : memref<100352xf32, #tpu.memory_space<vmem>>, vector<16xf32>,
        %get3A_679 = vector.shape_cast %get3A_678 : vector<16xf32> to vector<16xf32>
        %min3A_680 = arith.minimumf %min3A_674, %get3A_679 : vector<16xf32>
        %eq3A_681 = arith.constant 7 : i32
        %eq3A_682 = vector.broadcast %eq3A_681 : i32 to vector<16xi32>
        %eq3A_683 = arith.cmpi eq, %iota3A, %eq3A_682 : vector<16xi32>
        %xor3A_684 = arith.constant 8 : i32
        %xor3A_685 = vector.broadcast %xor3A_684 : i32 to vector<16xi32>
        %xor3A_686 = arith.xori %iota3A, %xor3A_685 : vector<16xi32>
        %broadcast_in_dim3A_687 = vector.shape_cast %xor3A_686 : vector<16xi32> to vector<16x1xi32>
        %gather3A_688 = vector.shape_cast %broadcast_in_dim3A_687 : vector<16x1xi32> to vector<16xi32>
        %gather3A_689 = tpu.dynamic_gather %min3A_680[%gather3A_688] in [0] : vector<16xf32>, vector<16xi32> -> vector<16xf32>
        %min3A_690 = arith.minimumf %min3A_680, %gather3A_689 : vector<16xf32>
        %xor3A_691 = arith.constant 4 : i32
        %xor3A_692 = vector.broadcast %xor3A_691 : i32 to vector<16xi32>
        %xor3A_693 = arith.xori %iota3A, %xor3A_692 : vector<16xi32>
        %broadcast_in_dim3A_694 = vector.shape_cast %xor3A_693 : vector<16xi32> to vector<16x1xi32>
        %gather3A_695 = vector.shape_cast %broadcast_in_dim3A_694 : vector<16x1xi32> to vector<16xi32>
        %gather3A_696 = tpu.dynamic_gather %min3A_690[%gather3A_695] in [0] : vector<16xf32>, vector<16xi32> -> vector<16xf32>
        %min3A_697 = arith.minimumf %min3A_690, %gather3A_696 : vector<16xf32>
        %xor3A_698 = arith.constant 2 : i32
        %xor3A_699 = vector.broadcast %xor3A_698 : i32 to vector<16xi32>
        %xor3A_700 = arith.xori %iota3A, %xor3A_699 : vector<16xi32>
        %broadcast_in_dim3A_701 = vector.shape_cast %xor3A_700 : vector<16xi32> to vector<16x1xi32>
        %gather3A_702 = vector.shape_cast %broadcast_in_dim3A_701 : vector<16x1xi32> to vector<16xi32>
        %gather3A_703 = tpu.dynamic_gather %min3A_697[%gather3A_702] in [0] : vector<16xf32>, vector<16xi32> -> vector<16xf32>
        %min3A_704 = arith.minimumf %min3A_697, %gather3A_703 : vector<16xf32>
        %xor3A_705 = arith.constant 1 : i32
        %xor3A_706 = vector.broadcast %xor3A_705 : i32 to vector<16xi32>
        %xor3A_707 = arith.xori %iota3A, %xor3A_706 : vector<16xi32>
        %broadcast_in_dim3A_708 = vector.shape_cast %xor3A_707 : vector<16xi32> to vector<16x1xi32>
        %gather3A_709 = vector.shape_cast %broadcast_in_dim3A_708 : vector<16x1xi32> to vector<16xi32>
        %gather3A_710 = tpu.dynamic_gather %min3A_704[%gather3A_709] in [0] : vector<16xf32>, vector<16xi32> -> vector<16xf32>
        %min3A_711 = arith.minimumf %min3A_704, %gather3A_710 : vector<16xf32>
        %select_n3A_712 = arith.select %eq3A_683, %min3A_711, %select_n3A_629 : vector<16xi1>, vector<16xf32>
        %mul3A_713 = arith.constant 16 : i32
        %mul3A_714 = arith.muli %scan3A_51, %mul3A_713 : i32
        %add3A_715 = arith.constant 8 : i32
        %add3A_716 = arith.addi %mul3A_714, %add3A_715 : i32
        %mul3A_717 = arith.constant 128 : i32
        %mul3A_718 = arith.muli %add3A_716, %mul3A_717 : i32
        %get3A_719 = arith.index_cast %mul3A_718 : i32 to index
        %get3A_720 = tpu.vector_load %arg7[%get3A_719] {strides = array<i32>} : memref<100352xf32, #tpu.memory_space<vmem>>, vector<16xf32>,
        %get3A_721 = vector.shape_cast %get3A_720 : vector<16xf32> to vector<16xf32>
        %add3A_722 = arith.constant 16 : i32
        %add3A_723 = arith.addi %mul3A_718, %add3A_722 : i32
        %get3A_724 = arith.index_cast %add3A_723 : i32 to index
        %get3A_725 = tpu.vector_load %arg7[%get3A_724] {strides = array<i32>} : memref<100352xf32, #tpu.memory_space<vmem>>, vector<16xf32>,
        %get3A_726 = vector.shape_cast %get3A_725 : vector<16xf32> to vector<16xf32>
        %min3A_727 = arith.minimumf %get3A_721, %get3A_726 : vector<16xf32>
        %add3A_728 = arith.constant 32 : i32
        %add3A_729 = arith.addi %mul3A_718, %add3A_728 : i32
        %get3A_730 = arith.index_cast %add3A_729 : i32 to index
        %get3A_731 = tpu.vector_load %arg7[%get3A_730] {strides = array<i32>} : memref<100352xf32, #tpu.memory_space<vmem>>, vector<16xf32>,
        %get3A_732 = vector.shape_cast %get3A_731 : vector<16xf32> to vector<16xf32>
        %min3A_733 = arith.minimumf %min3A_727, %get3A_732 : vector<16xf32>
        %add3A_734 = arith.constant 48 : i32
        %add3A_735 = arith.addi %mul3A_718, %add3A_734 : i32
        %get3A_736 = arith.index_cast %add3A_735 : i32 to index
        %get3A_737 = tpu.vector_load %arg7[%get3A_736] {strides = array<i32>} : memref<100352xf32, #tpu.memory_space<vmem>>, vector<16xf32>,
        %get3A_738 = vector.shape_cast %get3A_737 : vector<16xf32> to vector<16xf32>
        %min3A_739 = arith.minimumf %min3A_733, %get3A_738 : vector<16xf32>
        %add3A_740 = arith.constant 64 : i32
        %add3A_741 = arith.addi %mul3A_718, %add3A_740 : i32
        %get3A_742 = arith.index_cast %add3A_741 : i32 to index
        %get3A_743 = tpu.vector_load %arg7[%get3A_742] {strides = array<i32>} : memref<100352xf32, #tpu.memory_space<vmem>>, vector<16xf32>,
        %get3A_744 = vector.shape_cast %get3A_743 : vector<16xf32> to vector<16xf32>
        %min3A_745 = arith.minimumf %min3A_739, %get3A_744 : vector<16xf32>
        %add3A_746 = arith.constant 80 : i32
        %add3A_747 = arith.addi %mul3A_718, %add3A_746 : i32
        %get3A_748 = arith.index_cast %add3A_747 : i32 to index
        %get3A_749 = tpu.vector_load %arg7[%get3A_748] {strides = array<i32>} : memref<100352xf32, #tpu.memory_space<vmem>>, vector<16xf32>,
        %get3A_750 = vector.shape_cast %get3A_749 : vector<16xf32> to vector<16xf32>
        %min3A_751 = arith.minimumf %min3A_745, %get3A_750 : vector<16xf32>
        %add3A_752 = arith.constant 96 : i32
        %add3A_753 = arith.addi %mul3A_718, %add3A_752 : i32
        %get3A_754 = arith.index_cast %add3A_753 : i32 to index
        %get3A_755 = tpu.vector_load %arg7[%get3A_754] {strides = array<i32>} : memref<100352xf32, #tpu.memory_space<vmem>>, vector<16xf32>,
        %get3A_756 = vector.shape_cast %get3A_755 : vector<16xf32> to vector<16xf32>
        %min3A_757 = arith.minimumf %min3A_751, %get3A_756 : vector<16xf32>
        %add3A_758 = arith.constant 112 : i32
        %add3A_759 = arith.addi %mul3A_718, %add3A_758 : i32
        %get3A_760 = arith.index_cast %add3A_759 : i32 to index
        %get3A_761 = tpu.vector_load %arg7[%get3A_760] {strides = array<i32>} : memref<100352xf32, #tpu.memory_space<vmem>>, vector<16xf32>,
        %get3A_762 = vector.shape_cast %get3A_761 : vector<16xf32> to vector<16xf32>
        %min3A_763 = arith.minimumf %min3A_757, %get3A_762 : vector<16xf32>
        %eq3A_764 = arith.constant 8 : i32
        %eq3A_765 = vector.broadcast %eq3A_764 : i32 to vector<16xi32>
        %eq3A_766 = arith.cmpi eq, %iota3A, %eq3A_765 : vector<16xi32>
        %xor3A_767 = arith.constant 8 : i32
        %xor3A_768 = vector.broadcast %xor3A_767 : i32 to vector<16xi32>
        %xor3A_769 = arith.xori %iota3A, %xor3A_768 : vector<16xi32>
        %broadcast_in_dim3A_770 = vector.shape_cast %xor3A_769 : vector<16xi32> to vector<16x1xi32>
        %gather3A_771 = vector.shape_cast %broadcast_in_dim3A_770 : vector<16x1xi32> to vector<16xi32>
        %gather3A_772 = tpu.dynamic_gather %min3A_763[%gather3A_771] in [0] : vector<16xf32>, vector<16xi32> -> vector<16xf32>
        %min3A_773 = arith.minimumf %min3A_763, %gather3A_772 : vector<16xf32>
        %xor3A_774 = arith.constant 4 : i32
        %xor3A_775 = vector.broadcast %xor3A_774 : i32 to vector<16xi32>
        %xor3A_776 = arith.xori %iota3A, %xor3A_775 : vector<16xi32>
        %broadcast_in_dim3A_777 = vector.shape_cast %xor3A_776 : vector<16xi32> to vector<16x1xi32>
        %gather3A_778 = vector.shape_cast %broadcast_in_dim3A_777 : vector<16x1xi32> to vector<16xi32>
        %gather3A_779 = tpu.dynamic_gather %min3A_773[%gather3A_778] in [0] : vector<16xf32>, vector<16xi32> -> vector<16xf32>
        %min3A_780 = arith.minimumf %min3A_773, %gather3A_779 : vector<16xf32>
        %xor3A_781 = arith.constant 2 : i32
        %xor3A_782 = vector.broadcast %xor3A_781 : i32 to vector<16xi32>
        %xor3A_783 = arith.xori %iota3A, %xor3A_782 : vector<16xi32>
        %broadcast_in_dim3A_784 = vector.shape_cast %xor3A_783 : vector<16xi32> to vector<16x1xi32>
        %gather3A_785 = vector.shape_cast %broadcast_in_dim3A_784 : vector<16x1xi32> to vector<16xi32>
        %gather3A_786 = tpu.dynamic_gather %min3A_780[%gather3A_785] in [0] : vector<16xf32>, vector<16xi32> -> vector<16xf32>
        %min3A_787 = arith.minimumf %min3A_780, %gather3A_786 : vector<16xf32>
        %xor3A_788 = arith.constant 1 : i32
        %xor3A_789 = vector.broadcast %xor3A_788 : i32 to vector<16xi32>
        %xor3A_790 = arith.xori %iota3A, %xor3A_789 : vector<16xi32>
        %broadcast_in_dim3A_791 = vector.shape_cast %xor3A_790 : vector<16xi32> to vector<16x1xi32>
        %gather3A_792 = vector.shape_cast %broadcast_in_dim3A_791 : vector<16x1xi32> to vector<16xi32>
        %gather3A_793 = tpu.dynamic_gather %min3A_787[%gather3A_792] in [0] : vector<16xf32>, vector<16xi32> -> vector<16xf32>
        %min3A_794 = arith.minimumf %min3A_787, %gather3A_793 : vector<16xf32>
        %select_n3A_795 = arith.select %eq3A_766, %min3A_794, %select_n3A_712 : vector<16xi1>, vector<16xf32>
        %mul3A_796 = arith.constant 16 : i32
        %mul3A_797 = arith.muli %scan3A_51, %mul3A_796 : i32
        %add3A_798 = arith.constant 9 : i32
        %add3A_799 = arith.addi %mul3A_797, %add3A_798 : i32
        %mul3A_800 = arith.constant 128 : i32
        %mul3A_801 = arith.muli %add3A_799, %mul3A_800 : i32
        %get3A_802 = arith.index_cast %mul3A_801 : i32 to index
        %get3A_803 = tpu.vector_load %arg7[%get3A_802] {strides = array<i32>} : memref<100352xf32, #tpu.memory_space<vmem>>, vector<16xf32>,
        %get3A_804 = vector.shape_cast %get3A_803 : vector<16xf32> to vector<16xf32>
        %add3A_805 = arith.constant 16 : i32
        %add3A_806 = arith.addi %mul3A_801, %add3A_805 : i32
        %get3A_807 = arith.index_cast %add3A_806 : i32 to index
        %get3A_808 = tpu.vector_load %arg7[%get3A_807] {strides = array<i32>} : memref<100352xf32, #tpu.memory_space<vmem>>, vector<16xf32>,
        %get3A_809 = vector.shape_cast %get3A_808 : vector<16xf32> to vector<16xf32>
        %min3A_810 = arith.minimumf %get3A_804, %get3A_809 : vector<16xf32>
        %add3A_811 = arith.constant 32 : i32
        %add3A_812 = arith.addi %mul3A_801, %add3A_811 : i32
        %get3A_813 = arith.index_cast %add3A_812 : i32 to index
        %get3A_814 = tpu.vector_load %arg7[%get3A_813] {strides = array<i32>} : memref<100352xf32, #tpu.memory_space<vmem>>, vector<16xf32>,
        %get3A_815 = vector.shape_cast %get3A_814 : vector<16xf32> to vector<16xf32>
        %min3A_816 = arith.minimumf %min3A_810, %get3A_815 : vector<16xf32>
        %add3A_817 = arith.constant 48 : i32
        %add3A_818 = arith.addi %mul3A_801, %add3A_817 : i32
        %get3A_819 = arith.index_cast %add3A_818 : i32 to index
        %get3A_820 = tpu.vector_load %arg7[%get3A_819] {strides = array<i32>} : memref<100352xf32, #tpu.memory_space<vmem>>, vector<16xf32>,
        %get3A_821 = vector.shape_cast %get3A_820 : vector<16xf32> to vector<16xf32>
        %min3A_822 = arith.minimumf %min3A_816, %get3A_821 : vector<16xf32>
        %add3A_823 = arith.constant 64 : i32
        %add3A_824 = arith.addi %mul3A_801, %add3A_823 : i32
        %get3A_825 = arith.index_cast %add3A_824 : i32 to index
        %get3A_826 = tpu.vector_load %arg7[%get3A_825] {strides = array<i32>} : memref<100352xf32, #tpu.memory_space<vmem>>, vector<16xf32>,
        %get3A_827 = vector.shape_cast %get3A_826 : vector<16xf32> to vector<16xf32>
        %min3A_828 = arith.minimumf %min3A_822, %get3A_827 : vector<16xf32>
        %add3A_829 = arith.constant 80 : i32
        %add3A_830 = arith.addi %mul3A_801, %add3A_829 : i32
        %get3A_831 = arith.index_cast %add3A_830 : i32 to index
        %get3A_832 = tpu.vector_load %arg7[%get3A_831] {strides = array<i32>} : memref<100352xf32, #tpu.memory_space<vmem>>, vector<16xf32>,
        %get3A_833 = vector.shape_cast %get3A_832 : vector<16xf32> to vector<16xf32>
        %min3A_834 = arith.minimumf %min3A_828, %get3A_833 : vector<16xf32>
        %add3A_835 = arith.constant 96 : i32
        %add3A_836 = arith.addi %mul3A_801, %add3A_835 : i32
        %get3A_837 = arith.index_cast %add3A_836 : i32 to index
        %get3A_838 = tpu.vector_load %arg7[%get3A_837] {strides = array<i32>} : memref<100352xf32, #tpu.memory_space<vmem>>, vector<16xf32>,
        %get3A_839 = vector.shape_cast %get3A_838 : vector<16xf32> to vector<16xf32>
        %min3A_840 = arith.minimumf %min3A_834, %get3A_839 : vector<16xf32>
        %add3A_841 = arith.constant 112 : i32
        %add3A_842 = arith.addi %mul3A_801, %add3A_841 : i32
        %get3A_843 = arith.index_cast %add3A_842 : i32 to index
        %get3A_844 = tpu.vector_load %arg7[%get3A_843] {strides = array<i32>} : memref<100352xf32, #tpu.memory_space<vmem>>, vector<16xf32>,
        %get3A_845 = vector.shape_cast %get3A_844 : vector<16xf32> to vector<16xf32>
        %min3A_846 = arith.minimumf %min3A_840, %get3A_845 : vector<16xf32>
        %eq3A_847 = arith.constant 9 : i32
        %eq3A_848 = vector.broadcast %eq3A_847 : i32 to vector<16xi32>
        %eq3A_849 = arith.cmpi eq, %iota3A, %eq3A_848 : vector<16xi32>
        %xor3A_850 = arith.constant 8 : i32
        %xor3A_851 = vector.broadcast %xor3A_850 : i32 to vector<16xi32>
        %xor3A_852 = arith.xori %iota3A, %xor3A_851 : vector<16xi32>
        %broadcast_in_dim3A_853 = vector.shape_cast %xor3A_852 : vector<16xi32> to vector<16x1xi32>
        %gather3A_854 = vector.shape_cast %broadcast_in_dim3A_853 : vector<16x1xi32> to vector<16xi32>
        %gather3A_855 = tpu.dynamic_gather %min3A_846[%gather3A_854] in [0] : vector<16xf32>, vector<16xi32> -> vector<16xf32>
        %min3A_856 = arith.minimumf %min3A_846, %gather3A_855 : vector<16xf32>
        %xor3A_857 = arith.constant 4 : i32
        %xor3A_858 = vector.broadcast %xor3A_857 : i32 to vector<16xi32>
        %xor3A_859 = arith.xori %iota3A, %xor3A_858 : vector<16xi32>
        %broadcast_in_dim3A_860 = vector.shape_cast %xor3A_859 : vector<16xi32> to vector<16x1xi32>
        %gather3A_861 = vector.shape_cast %broadcast_in_dim3A_860 : vector<16x1xi32> to vector<16xi32>
        %gather3A_862 = tpu.dynamic_gather %min3A_856[%gather3A_861] in [0] : vector<16xf32>, vector<16xi32> -> vector<16xf32>
        %min3A_863 = arith.minimumf %min3A_856, %gather3A_862 : vector<16xf32>
        %xor3A_864 = arith.constant 2 : i32
        %xor3A_865 = vector.broadcast %xor3A_864 : i32 to vector<16xi32>
        %xor3A_866 = arith.xori %iota3A, %xor3A_865 : vector<16xi32>
        %broadcast_in_dim3A_867 = vector.shape_cast %xor3A_866 : vector<16xi32> to vector<16x1xi32>
        %gather3A_868 = vector.shape_cast %broadcast_in_dim3A_867 : vector<16x1xi32> to vector<16xi32>
        %gather3A_869 = tpu.dynamic_gather %min3A_863[%gather3A_868] in [0] : vector<16xf32>, vector<16xi32> -> vector<16xf32>
        %min3A_870 = arith.minimumf %min3A_863, %gather3A_869 : vector<16xf32>
        %xor3A_871 = arith.constant 1 : i32
        %xor3A_872 = vector.broadcast %xor3A_871 : i32 to vector<16xi32>
        %xor3A_873 = arith.xori %iota3A, %xor3A_872 : vector<16xi32>
        %broadcast_in_dim3A_874 = vector.shape_cast %xor3A_873 : vector<16xi32> to vector<16x1xi32>
        %gather3A_875 = vector.shape_cast %broadcast_in_dim3A_874 : vector<16x1xi32> to vector<16xi32>
        %gather3A_876 = tpu.dynamic_gather %min3A_870[%gather3A_875] in [0] : vector<16xf32>, vector<16xi32> -> vector<16xf32>
        %min3A_877 = arith.minimumf %min3A_870, %gather3A_876 : vector<16xf32>
        %select_n3A_878 = arith.select %eq3A_849, %min3A_877, %select_n3A_795 : vector<16xi1>, vector<16xf32>
        %mul3A_879 = arith.constant 16 : i32
        %mul3A_880 = arith.muli %scan3A_51, %mul3A_879 : i32
        %add3A_881 = arith.constant 10 : i32
        %add3A_882 = arith.addi %mul3A_880, %add3A_881 : i32
        %mul3A_883 = arith.constant 128 : i32
        %mul3A_884 = arith.muli %add3A_882, %mul3A_883 : i32
        %get3A_885 = arith.index_cast %mul3A_884 : i32 to index
        %get3A_886 = tpu.vector_load %arg7[%get3A_885] {strides = array<i32>} : memref<100352xf32, #tpu.memory_space<vmem>>, vector<16xf32>,
        %get3A_887 = vector.shape_cast %get3A_886 : vector<16xf32> to vector<16xf32>
        %add3A_888 = arith.constant 16 : i32
        %add3A_889 = arith.addi %mul3A_884, %add3A_888 : i32
        %get3A_890 = arith.index_cast %add3A_889 : i32 to index
        %get3A_891 = tpu.vector_load %arg7[%get3A_890] {strides = array<i32>} : memref<100352xf32, #tpu.memory_space<vmem>>, vector<16xf32>,
        %get3A_892 = vector.shape_cast %get3A_891 : vector<16xf32> to vector<16xf32>
        %min3A_893 = arith.minimumf %get3A_887, %get3A_892 : vector<16xf32>
        %add3A_894 = arith.constant 32 : i32
        %add3A_895 = arith.addi %mul3A_884, %add3A_894 : i32
        %get3A_896 = arith.index_cast %add3A_895 : i32 to index
        %get3A_897 = tpu.vector_load %arg7[%get3A_896] {strides = array<i32>} : memref<100352xf32, #tpu.memory_space<vmem>>, vector<16xf32>,
        %get3A_898 = vector.shape_cast %get3A_897 : vector<16xf32> to vector<16xf32>
        %min3A_899 = arith.minimumf %min3A_893, %get3A_898 : vector<16xf32>
        %add3A_900 = arith.constant 48 : i32
        %add3A_901 = arith.addi %mul3A_884, %add3A_900 : i32
        %get3A_902 = arith.index_cast %add3A_901 : i32 to index
        %get3A_903 = tpu.vector_load %arg7[%get3A_902] {strides = array<i32>} : memref<100352xf32, #tpu.memory_space<vmem>>, vector<16xf32>,
        %get3A_904 = vector.shape_cast %get3A_903 : vector<16xf32> to vector<16xf32>
        %min3A_905 = arith.minimumf %min3A_899, %get3A_904 : vector<16xf32>
        %add3A_906 = arith.constant 64 : i32
        %add3A_907 = arith.addi %mul3A_884, %add3A_906 : i32
        %get3A_908 = arith.index_cast %add3A_907 : i32 to index
        %get3A_909 = tpu.vector_load %arg7[%get3A_908] {strides = array<i32>} : memref<100352xf32, #tpu.memory_space<vmem>>, vector<16xf32>,
        %get3A_910 = vector.shape_cast %get3A_909 : vector<16xf32> to vector<16xf32>
        %min3A_911 = arith.minimumf %min3A_905, %get3A_910 : vector<16xf32>
        %add3A_912 = arith.constant 80 : i32
        %add3A_913 = arith.addi %mul3A_884, %add3A_912 : i32
        %get3A_914 = arith.index_cast %add3A_913 : i32 to index
        %get3A_915 = tpu.vector_load %arg7[%get3A_914] {strides = array<i32>} : memref<100352xf32, #tpu.memory_space<vmem>>, vector<16xf32>,
        %get3A_916 = vector.shape_cast %get3A_915 : vector<16xf32> to vector<16xf32>
        %min3A_917 = arith.minimumf %min3A_911, %get3A_916 : vector<16xf32>
        %add3A_918 = arith.constant 96 : i32
        %add3A_919 = arith.addi %mul3A_884, %add3A_918 : i32
        %get3A_920 = arith.index_cast %add3A_919 : i32 to index
        %get3A_921 = tpu.vector_load %arg7[%get3A_920] {strides = array<i32>} : memref<100352xf32, #tpu.memory_space<vmem>>, vector<16xf32>,
        %get3A_922 = vector.shape_cast %get3A_921 : vector<16xf32> to vector<16xf32>
        %min3A_923 = arith.minimumf %min3A_917, %get3A_922 : vector<16xf32>
        %add3A_924 = arith.constant 112 : i32
        %add3A_925 = arith.addi %mul3A_884, %add3A_924 : i32
        %get3A_926 = arith.index_cast %add3A_925 : i32 to index
        %get3A_927 = tpu.vector_load %arg7[%get3A_926] {strides = array<i32>} : memref<100352xf32, #tpu.memory_space<vmem>>, vector<16xf32>,
        %get3A_928 = vector.shape_cast %get3A_927 : vector<16xf32> to vector<16xf32>
        %min3A_929 = arith.minimumf %min3A_923, %get3A_928 : vector<16xf32>
        %eq3A_930 = arith.constant 10 : i32
        %eq3A_931 = vector.broadcast %eq3A_930 : i32 to vector<16xi32>
        %eq3A_932 = arith.cmpi eq, %iota3A, %eq3A_931 : vector<16xi32>
        %xor3A_933 = arith.constant 8 : i32
        %xor3A_934 = vector.broadcast %xor3A_933 : i32 to vector<16xi32>
        %xor3A_935 = arith.xori %iota3A, %xor3A_934 : vector<16xi32>
        %broadcast_in_dim3A_936 = vector.shape_cast %xor3A_935 : vector<16xi32> to vector<16x1xi32>
        %gather3A_937 = vector.shape_cast %broadcast_in_dim3A_936 : vector<16x1xi32> to vector<16xi32>
        %gather3A_938 = tpu.dynamic_gather %min3A_929[%gather3A_937] in [0] : vector<16xf32>, vector<16xi32> -> vector<16xf32>
        %min3A_939 = arith.minimumf %min3A_929, %gather3A_938 : vector<16xf32>
        %xor3A_940 = arith.constant 4 : i32
        %xor3A_941 = vector.broadcast %xor3A_940 : i32 to vector<16xi32>
        %xor3A_942 = arith.xori %iota3A, %xor3A_941 : vector<16xi32>
        %broadcast_in_dim3A_943 = vector.shape_cast %xor3A_942 : vector<16xi32> to vector<16x1xi32>
        %gather3A_944 = vector.shape_cast %broadcast_in_dim3A_943 : vector<16x1xi32> to vector<16xi32>
        %gather3A_945 = tpu.dynamic_gather %min3A_939[%gather3A_944] in [0] : vector<16xf32>, vector<16xi32> -> vector<16xf32>
        %min3A_946 = arith.minimumf %min3A_939, %gather3A_945 : vector<16xf32>
        %xor3A_947 = arith.constant 2 : i32
        %xor3A_948 = vector.broadcast %xor3A_947 : i32 to vector<16xi32>
        %xor3A_949 = arith.xori %iota3A, %xor3A_948 : vector<16xi32>
        %broadcast_in_dim3A_950 = vector.shape_cast %xor3A_949 : vector<16xi32> to vector<16x1xi32>
        %gather3A_951 = vector.shape_cast %broadcast_in_dim3A_950 : vector<16x1xi32> to vector<16xi32>
        %gather3A_952 = tpu.dynamic_gather %min3A_946[%gather3A_951] in [0] : vector<16xf32>, vector<16xi32> -> vector<16xf32>
        %min3A_953 = arith.minimumf %min3A_946, %gather3A_952 : vector<16xf32>
        %xor3A_954 = arith.constant 1 : i32
        %xor3A_955 = vector.broadcast %xor3A_954 : i32 to vector<16xi32>
        %xor3A_956 = arith.xori %iota3A, %xor3A_955 : vector<16xi32>
        %broadcast_in_dim3A_957 = vector.shape_cast %xor3A_956 : vector<16xi32> to vector<16x1xi32>
        %gather3A_958 = vector.shape_cast %broadcast_in_dim3A_957 : vector<16x1xi32> to vector<16xi32>
        %gather3A_959 = tpu.dynamic_gather %min3A_953[%gather3A_958] in [0] : vector<16xf32>, vector<16xi32> -> vector<16xf32>
        %min3A_960 = arith.minimumf %min3A_953, %gather3A_959 : vector<16xf32>
        %select_n3A_961 = arith.select %eq3A_932, %min3A_960, %select_n3A_878 : vector<16xi1>, vector<16xf32>
        %mul3A_962 = arith.constant 16 : i32
        %mul3A_963 = arith.muli %scan3A_51, %mul3A_962 : i32
        %add3A_964 = arith.constant 11 : i32
        %add3A_965 = arith.addi %mul3A_963, %add3A_964 : i32
        %mul3A_966 = arith.constant 128 : i32
        %mul3A_967 = arith.muli %add3A_965, %mul3A_966 : i32
        %get3A_968 = arith.index_cast %mul3A_967 : i32 to index
        %get3A_969 = tpu.vector_load %arg7[%get3A_968] {strides = array<i32>} : memref<100352xf32, #tpu.memory_space<vmem>>, vector<16xf32>,
        %get3A_970 = vector.shape_cast %get3A_969 : vector<16xf32> to vector<16xf32>
        %add3A_971 = arith.constant 16 : i32
        %add3A_972 = arith.addi %mul3A_967, %add3A_971 : i32
        %get3A_973 = arith.index_cast %add3A_972 : i32 to index
        %get3A_974 = tpu.vector_load %arg7[%get3A_973] {strides = array<i32>} : memref<100352xf32, #tpu.memory_space<vmem>>, vector<16xf32>,
        %get3A_975 = vector.shape_cast %get3A_974 : vector<16xf32> to vector<16xf32>
        %min3A_976 = arith.minimumf %get3A_970, %get3A_975 : vector<16xf32>
        %add3A_977 = arith.constant 32 : i32
        %add3A_978 = arith.addi %mul3A_967, %add3A_977 : i32
        %get3A_979 = arith.index_cast %add3A_978 : i32 to index
        %get3A_980 = tpu.vector_load %arg7[%get3A_979] {strides = array<i32>} : memref<100352xf32, #tpu.memory_space<vmem>>, vector<16xf32>,
        %get3A_981 = vector.shape_cast %get3A_980 : vector<16xf32> to vector<16xf32>
        %min3A_982 = arith.minimumf %min3A_976, %get3A_981 : vector<16xf32>
        %add3A_983 = arith.constant 48 : i32
        %add3A_984 = arith.addi %mul3A_967, %add3A_983 : i32
        %get3A_985 = arith.index_cast %add3A_984 : i32 to index
        %get3A_986 = tpu.vector_load %arg7[%get3A_985] {strides = array<i32>} : memref<100352xf32, #tpu.memory_space<vmem>>, vector<16xf32>,
        %get3A_987 = vector.shape_cast %get3A_986 : vector<16xf32> to vector<16xf32>
        %min3A_988 = arith.minimumf %min3A_982, %get3A_987 : vector<16xf32>
        %add3A_989 = arith.constant 64 : i32
        %add3A_990 = arith.addi %mul3A_967, %add3A_989 : i32
        %get3A_991 = arith.index_cast %add3A_990 : i32 to index
        %get3A_992 = tpu.vector_load %arg7[%get3A_991] {strides = array<i32>} : memref<100352xf32, #tpu.memory_space<vmem>>, vector<16xf32>,
        %get3A_993 = vector.shape_cast %get3A_992 : vector<16xf32> to vector<16xf32>
        %min3A_994 = arith.minimumf %min3A_988, %get3A_993 : vector<16xf32>
        %add3A_995 = arith.constant 80 : i32
        %add3A_996 = arith.addi %mul3A_967, %add3A_995 : i32
        %get3A_997 = arith.index_cast %add3A_996 : i32 to index
        %get3A_998 = tpu.vector_load %arg7[%get3A_997] {strides = array<i32>} : memref<100352xf32, #tpu.memory_space<vmem>>, vector<16xf32>,
        %get3A_999 = vector.shape_cast %get3A_998 : vector<16xf32> to vector<16xf32>
        %min3A_1000 = arith.minimumf %min3A_994, %get3A_999 : vector<16xf32>
        %add3A_1001 = arith.constant 96 : i32
        %add3A_1002 = arith.addi %mul3A_967, %add3A_1001 : i32
        %get3A_1003 = arith.index_cast %add3A_1002 : i32 to index
        %get3A_1004 = tpu.vector_load %arg7[%get3A_1003] {strides = array<i32>} : memref<100352xf32, #tpu.memory_space<vmem>>, vector<16xf32>,
        %get3A_1005 = vector.shape_cast %get3A_1004 : vector<16xf32> to vector<16xf32>
        %min3A_1006 = arith.minimumf %min3A_1000, %get3A_1005 : vector<16xf32>
        %add3A_1007 = arith.constant 112 : i32
        %add3A_1008 = arith.addi %mul3A_967, %add3A_1007 : i32
        %get3A_1009 = arith.index_cast %add3A_1008 : i32 to index
        %get3A_1010 = tpu.vector_load %arg7[%get3A_1009] {strides = array<i32>} : memref<100352xf32, #tpu.memory_space<vmem>>, vector<16xf32>,
        %get3A_1011 = vector.shape_cast %get3A_1010 : vector<16xf32> to vector<16xf32>
        %min3A_1012 = arith.minimumf %min3A_1006, %get3A_1011 : vector<16xf32>
        %eq3A_1013 = arith.constant 11 : i32
        %eq3A_1014 = vector.broadcast %eq3A_1013 : i32 to vector<16xi32>
        %eq3A_1015 = arith.cmpi eq, %iota3A, %eq3A_1014 : vector<16xi32>
        %xor3A_1016 = arith.constant 8 : i32
        %xor3A_1017 = vector.broadcast %xor3A_1016 : i32 to vector<16xi32>
        %xor3A_1018 = arith.xori %iota3A, %xor3A_1017 : vector<16xi32>
        %broadcast_in_dim3A_1019 = vector.shape_cast %xor3A_1018 : vector<16xi32> to vector<16x1xi32>
        %gather3A_1020 = vector.shape_cast %broadcast_in_dim3A_1019 : vector<16x1xi32> to vector<16xi32>
        %gather3A_1021 = tpu.dynamic_gather %min3A_1012[%gather3A_1020] in [0] : vector<16xf32>, vector<16xi32> -> vector<16xf32>
        %min3A_1022 = arith.minimumf %min3A_1012, %gather3A_1021 : vector<16xf32>
        %xor3A_1023 = arith.constant 4 : i32
        %xor3A_1024 = vector.broadcast %xor3A_1023 : i32 to vector<16xi32>
        %xor3A_1025 = arith.xori %iota3A, %xor3A_1024 : vector<16xi32>
        %broadcast_in_dim3A_1026 = vector.shape_cast %xor3A_1025 : vector<16xi32> to vector<16x1xi32>
        %gather3A_1027 = vector.shape_cast %broadcast_in_dim3A_1026 : vector<16x1xi32> to vector<16xi32>
        %gather3A_1028 = tpu.dynamic_gather %min3A_1022[%gather3A_1027] in [0] : vector<16xf32>, vector<16xi32> -> vector<16xf32>
        %min3A_1029 = arith.minimumf %min3A_1022, %gather3A_1028 : vector<16xf32>
        %xor3A_1030 = arith.constant 2 : i32
        %xor3A_1031 = vector.broadcast %xor3A_1030 : i32 to vector<16xi32>
        %xor3A_1032 = arith.xori %iota3A, %xor3A_1031 : vector<16xi32>
        %broadcast_in_dim3A_1033 = vector.shape_cast %xor3A_1032 : vector<16xi32> to vector<16x1xi32>
        %gather3A_1034 = vector.shape_cast %broadcast_in_dim3A_1033 : vector<16x1xi32> to vector<16xi32>
        %gather3A_1035 = tpu.dynamic_gather %min3A_1029[%gather3A_1034] in [0] : vector<16xf32>, vector<16xi32> -> vector<16xf32>
        %min3A_1036 = arith.minimumf %min3A_1029, %gather3A_1035 : vector<16xf32>
        %xor3A_1037 = arith.constant 1 : i32
        %xor3A_1038 = vector.broadcast %xor3A_1037 : i32 to vector<16xi32>
        %xor3A_1039 = arith.xori %iota3A, %xor3A_1038 : vector<16xi32>
        %broadcast_in_dim3A_1040 = vector.shape_cast %xor3A_1039 : vector<16xi32> to vector<16x1xi32>
        %gather3A_1041 = vector.shape_cast %broadcast_in_dim3A_1040 : vector<16x1xi32> to vector<16xi32>
        %gather3A_1042 = tpu.dynamic_gather %min3A_1036[%gather3A_1041] in [0] : vector<16xf32>, vector<16xi32> -> vector<16xf32>
        %min3A_1043 = arith.minimumf %min3A_1036, %gather3A_1042 : vector<16xf32>
        %select_n3A_1044 = arith.select %eq3A_1015, %min3A_1043, %select_n3A_961 : vector<16xi1>, vector<16xf32>
        %mul3A_1045 = arith.constant 16 : i32
        %mul3A_1046 = arith.muli %scan3A_51, %mul3A_1045 : i32
        %add3A_1047 = arith.constant 12 : i32
        %add3A_1048 = arith.addi %mul3A_1046, %add3A_1047 : i32
        %mul3A_1049 = arith.constant 128 : i32
        %mul3A_1050 = arith.muli %add3A_1048, %mul3A_1049 : i32
        %get3A_1051 = arith.index_cast %mul3A_1050 : i32 to index
        %get3A_1052 = tpu.vector_load %arg7[%get3A_1051] {strides = array<i32>} : memref<100352xf32, #tpu.memory_space<vmem>>, vector<16xf32>,
        %get3A_1053 = vector.shape_cast %get3A_1052 : vector<16xf32> to vector<16xf32>
        %add3A_1054 = arith.constant 16 : i32
        %add3A_1055 = arith.addi %mul3A_1050, %add3A_1054 : i32
        %get3A_1056 = arith.index_cast %add3A_1055 : i32 to index
        %get3A_1057 = tpu.vector_load %arg7[%get3A_1056] {strides = array<i32>} : memref<100352xf32, #tpu.memory_space<vmem>>, vector<16xf32>,
        %get3A_1058 = vector.shape_cast %get3A_1057 : vector<16xf32> to vector<16xf32>
        %min3A_1059 = arith.minimumf %get3A_1053, %get3A_1058 : vector<16xf32>
        %add3A_1060 = arith.constant 32 : i32
        %add3A_1061 = arith.addi %mul3A_1050, %add3A_1060 : i32
        %get3A_1062 = arith.index_cast %add3A_1061 : i32 to index
        %get3A_1063 = tpu.vector_load %arg7[%get3A_1062] {strides = array<i32>} : memref<100352xf32, #tpu.memory_space<vmem>>, vector<16xf32>,
        %get3A_1064 = vector.shape_cast %get3A_1063 : vector<16xf32> to vector<16xf32>
        %min3A_1065 = arith.minimumf %min3A_1059, %get3A_1064 : vector<16xf32>
        %add3A_1066 = arith.constant 48 : i32
        %add3A_1067 = arith.addi %mul3A_1050, %add3A_1066 : i32
        %get3A_1068 = arith.index_cast %add3A_1067 : i32 to index
        %get3A_1069 = tpu.vector_load %arg7[%get3A_1068] {strides = array<i32>} : memref<100352xf32, #tpu.memory_space<vmem>>, vector<16xf32>,
        %get3A_1070 = vector.shape_cast %get3A_1069 : vector<16xf32> to vector<16xf32>
        %min3A_1071 = arith.minimumf %min3A_1065, %get3A_1070 : vector<16xf32>
        %add3A_1072 = arith.constant 64 : i32
        %add3A_1073 = arith.addi %mul3A_1050, %add3A_1072 : i32
        %get3A_1074 = arith.index_cast %add3A_1073 : i32 to index
        %get3A_1075 = tpu.vector_load %arg7[%get3A_1074] {strides = array<i32>} : memref<100352xf32, #tpu.memory_space<vmem>>, vector<16xf32>,
        %get3A_1076 = vector.shape_cast %get3A_1075 : vector<16xf32> to vector<16xf32>
        %min3A_1077 = arith.minimumf %min3A_1071, %get3A_1076 : vector<16xf32>
        %add3A_1078 = arith.constant 80 : i32
        %add3A_1079 = arith.addi %mul3A_1050, %add3A_1078 : i32
        %get3A_1080 = arith.index_cast %add3A_1079 : i32 to index
        %get3A_1081 = tpu.vector_load %arg7[%get3A_1080] {strides = array<i32>} : memref<100352xf32, #tpu.memory_space<vmem>>, vector<16xf32>,
        %get3A_1082 = vector.shape_cast %get3A_1081 : vector<16xf32> to vector<16xf32>
        %min3A_1083 = arith.minimumf %min3A_1077, %get3A_1082 : vector<16xf32>
        %add3A_1084 = arith.constant 96 : i32
        %add3A_1085 = arith.addi %mul3A_1050, %add3A_1084 : i32
        %get3A_1086 = arith.index_cast %add3A_1085 : i32 to index
        %get3A_1087 = tpu.vector_load %arg7[%get3A_1086] {strides = array<i32>} : memref<100352xf32, #tpu.memory_space<vmem>>, vector<16xf32>,
        %get3A_1088 = vector.shape_cast %get3A_1087 : vector<16xf32> to vector<16xf32>
        %min3A_1089 = arith.minimumf %min3A_1083, %get3A_1088 : vector<16xf32>
        %add3A_1090 = arith.constant 112 : i32
        %add3A_1091 = arith.addi %mul3A_1050, %add3A_1090 : i32
        %get3A_1092 = arith.index_cast %add3A_1091 : i32 to index
        %get3A_1093 = tpu.vector_load %arg7[%get3A_1092] {strides = array<i32>} : memref<100352xf32, #tpu.memory_space<vmem>>, vector<16xf32>,
        %get3A_1094 = vector.shape_cast %get3A_1093 : vector<16xf32> to vector<16xf32>
        %min3A_1095 = arith.minimumf %min3A_1089, %get3A_1094 : vector<16xf32>
        %eq3A_1096 = arith.constant 12 : i32
        %eq3A_1097 = vector.broadcast %eq3A_1096 : i32 to vector<16xi32>
        %eq3A_1098 = arith.cmpi eq, %iota3A, %eq3A_1097 : vector<16xi32>
        %xor3A_1099 = arith.constant 8 : i32
        %xor3A_1100 = vector.broadcast %xor3A_1099 : i32 to vector<16xi32>
        %xor3A_1101 = arith.xori %iota3A, %xor3A_1100 : vector<16xi32>
        %broadcast_in_dim3A_1102 = vector.shape_cast %xor3A_1101 : vector<16xi32> to vector<16x1xi32>
        %gather3A_1103 = vector.shape_cast %broadcast_in_dim3A_1102 : vector<16x1xi32> to vector<16xi32>
        %gather3A_1104 = tpu.dynamic_gather %min3A_1095[%gather3A_1103] in [0] : vector<16xf32>, vector<16xi32> -> vector<16xf32>
        %min3A_1105 = arith.minimumf %min3A_1095, %gather3A_1104 : vector<16xf32>
        %xor3A_1106 = arith.constant 4 : i32
        %xor3A_1107 = vector.broadcast %xor3A_1106 : i32 to vector<16xi32>
        %xor3A_1108 = arith.xori %iota3A, %xor3A_1107 : vector<16xi32>
        %broadcast_in_dim3A_1109 = vector.shape_cast %xor3A_1108 : vector<16xi32> to vector<16x1xi32>
        %gather3A_1110 = vector.shape_cast %broadcast_in_dim3A_1109 : vector<16x1xi32> to vector<16xi32>
        %gather3A_1111 = tpu.dynamic_gather %min3A_1105[%gather3A_1110] in [0] : vector<16xf32>, vector<16xi32> -> vector<16xf32>
        %min3A_1112 = arith.minimumf %min3A_1105, %gather3A_1111 : vector<16xf32>
        %xor3A_1113 = arith.constant 2 : i32
        %xor3A_1114 = vector.broadcast %xor3A_1113 : i32 to vector<16xi32>
        %xor3A_1115 = arith.xori %iota3A, %xor3A_1114 : vector<16xi32>
        %broadcast_in_dim3A_1116 = vector.shape_cast %xor3A_1115 : vector<16xi32> to vector<16x1xi32>
        %gather3A_1117 = vector.shape_cast %broadcast_in_dim3A_1116 : vector<16x1xi32> to vector<16xi32>
        %gather3A_1118 = tpu.dynamic_gather %min3A_1112[%gather3A_1117] in [0] : vector<16xf32>, vector<16xi32> -> vector<16xf32>
        %min3A_1119 = arith.minimumf %min3A_1112, %gather3A_1118 : vector<16xf32>
        %xor3A_1120 = arith.constant 1 : i32
        %xor3A_1121 = vector.broadcast %xor3A_1120 : i32 to vector<16xi32>
        %xor3A_1122 = arith.xori %iota3A, %xor3A_1121 : vector<16xi32>
        %broadcast_in_dim3A_1123 = vector.shape_cast %xor3A_1122 : vector<16xi32> to vector<16x1xi32>
        %gather3A_1124 = vector.shape_cast %broadcast_in_dim3A_1123 : vector<16x1xi32> to vector<16xi32>
        %gather3A_1125 = tpu.dynamic_gather %min3A_1119[%gather3A_1124] in [0] : vector<16xf32>, vector<16xi32> -> vector<16xf32>
        %min3A_1126 = arith.minimumf %min3A_1119, %gather3A_1125 : vector<16xf32>
        %select_n3A_1127 = arith.select %eq3A_1098, %min3A_1126, %select_n3A_1044 : vector<16xi1>, vector<16xf32>
        %mul3A_1128 = arith.constant 16 : i32
        %mul3A_1129 = arith.muli %scan3A_51, %mul3A_1128 : i32
        %add3A_1130 = arith.constant 13 : i32
        %add3A_1131 = arith.addi %mul3A_1129, %add3A_1130 : i32
        %mul3A_1132 = arith.constant 128 : i32
        %mul3A_1133 = arith.muli %add3A_1131, %mul3A_1132 : i32
        %get3A_1134 = arith.index_cast %mul3A_1133 : i32 to index
        %get3A_1135 = tpu.vector_load %arg7[%get3A_1134] {strides = array<i32>} : memref<100352xf32, #tpu.memory_space<vmem>>, vector<16xf32>,
        %get3A_1136 = vector.shape_cast %get3A_1135 : vector<16xf32> to vector<16xf32>
        %add3A_1137 = arith.constant 16 : i32
        %add3A_1138 = arith.addi %mul3A_1133, %add3A_1137 : i32
        %get3A_1139 = arith.index_cast %add3A_1138 : i32 to index
        %get3A_1140 = tpu.vector_load %arg7[%get3A_1139] {strides = array<i32>} : memref<100352xf32, #tpu.memory_space<vmem>>, vector<16xf32>,
        %get3A_1141 = vector.shape_cast %get3A_1140 : vector<16xf32> to vector<16xf32>
        %min3A_1142 = arith.minimumf %get3A_1136, %get3A_1141 : vector<16xf32>
        %add3A_1143 = arith.constant 32 : i32
        %add3A_1144 = arith.addi %mul3A_1133, %add3A_1143 : i32
        %get3A_1145 = arith.index_cast %add3A_1144 : i32 to index
        %get3A_1146 = tpu.vector_load %arg7[%get3A_1145] {strides = array<i32>} : memref<100352xf32, #tpu.memory_space<vmem>>, vector<16xf32>,
        %get3A_1147 = vector.shape_cast %get3A_1146 : vector<16xf32> to vector<16xf32>
        %min3A_1148 = arith.minimumf %min3A_1142, %get3A_1147 : vector<16xf32>
        %add3A_1149 = arith.constant 48 : i32
        %add3A_1150 = arith.addi %mul3A_1133, %add3A_1149 : i32
        %get3A_1151 = arith.index_cast %add3A_1150 : i32 to index
        %get3A_1152 = tpu.vector_load %arg7[%get3A_1151] {strides = array<i32>} : memref<100352xf32, #tpu.memory_space<vmem>>, vector<16xf32>,
        %get3A_1153 = vector.shape_cast %get3A_1152 : vector<16xf32> to vector<16xf32>
        %min3A_1154 = arith.minimumf %min3A_1148, %get3A_1153 : vector<16xf32>
        %add3A_1155 = arith.constant 64 : i32
        %add3A_1156 = arith.addi %mul3A_1133, %add3A_1155 : i32
        %get3A_1157 = arith.index_cast %add3A_1156 : i32 to index
        %get3A_1158 = tpu.vector_load %arg7[%get3A_1157] {strides = array<i32>} : memref<100352xf32, #tpu.memory_space<vmem>>, vector<16xf32>,
        %get3A_1159 = vector.shape_cast %get3A_1158 : vector<16xf32> to vector<16xf32>
        %min3A_1160 = arith.minimumf %min3A_1154, %get3A_1159 : vector<16xf32>
        %add3A_1161 = arith.constant 80 : i32
        %add3A_1162 = arith.addi %mul3A_1133, %add3A_1161 : i32
        %get3A_1163 = arith.index_cast %add3A_1162 : i32 to index
        %get3A_1164 = tpu.vector_load %arg7[%get3A_1163] {strides = array<i32>} : memref<100352xf32, #tpu.memory_space<vmem>>, vector<16xf32>,
        %get3A_1165 = vector.shape_cast %get3A_1164 : vector<16xf32> to vector<16xf32>
        %min3A_1166 = arith.minimumf %min3A_1160, %get3A_1165 : vector<16xf32>
        %add3A_1167 = arith.constant 96 : i32
        %add3A_1168 = arith.addi %mul3A_1133, %add3A_1167 : i32
        %get3A_1169 = arith.index_cast %add3A_1168 : i32 to index
        %get3A_1170 = tpu.vector_load %arg7[%get3A_1169] {strides = array<i32>} : memref<100352xf32, #tpu.memory_space<vmem>>, vector<16xf32>,
        %get3A_1171 = vector.shape_cast %get3A_1170 : vector<16xf32> to vector<16xf32>
        %min3A_1172 = arith.minimumf %min3A_1166, %get3A_1171 : vector<16xf32>
        %add3A_1173 = arith.constant 112 : i32
        %add3A_1174 = arith.addi %mul3A_1133, %add3A_1173 : i32
        %get3A_1175 = arith.index_cast %add3A_1174 : i32 to index
        %get3A_1176 = tpu.vector_load %arg7[%get3A_1175] {strides = array<i32>} : memref<100352xf32, #tpu.memory_space<vmem>>, vector<16xf32>,
        %get3A_1177 = vector.shape_cast %get3A_1176 : vector<16xf32> to vector<16xf32>
        %min3A_1178 = arith.minimumf %min3A_1172, %get3A_1177 : vector<16xf32>
        %eq3A_1179 = arith.constant 13 : i32
        %eq3A_1180 = vector.broadcast %eq3A_1179 : i32 to vector<16xi32>
        %eq3A_1181 = arith.cmpi eq, %iota3A, %eq3A_1180 : vector<16xi32>
        %xor3A_1182 = arith.constant 8 : i32
        %xor3A_1183 = vector.broadcast %xor3A_1182 : i32 to vector<16xi32>
        %xor3A_1184 = arith.xori %iota3A, %xor3A_1183 : vector<16xi32>
        %broadcast_in_dim3A_1185 = vector.shape_cast %xor3A_1184 : vector<16xi32> to vector<16x1xi32>
        %gather3A_1186 = vector.shape_cast %broadcast_in_dim3A_1185 : vector<16x1xi32> to vector<16xi32>
        %gather3A_1187 = tpu.dynamic_gather %min3A_1178[%gather3A_1186] in [0] : vector<16xf32>, vector<16xi32> -> vector<16xf32>
        %min3A_1188 = arith.minimumf %min3A_1178, %gather3A_1187 : vector<16xf32>
        %xor3A_1189 = arith.constant 4 : i32
        %xor3A_1190 = vector.broadcast %xor3A_1189 : i32 to vector<16xi32>
        %xor3A_1191 = arith.xori %iota3A, %xor3A_1190 : vector<16xi32>
        %broadcast_in_dim3A_1192 = vector.shape_cast %xor3A_1191 : vector<16xi32> to vector<16x1xi32>
        %gather3A_1193 = vector.shape_cast %broadcast_in_dim3A_1192 : vector<16x1xi32> to vector<16xi32>
        %gather3A_1194 = tpu.dynamic_gather %min3A_1188[%gather3A_1193] in [0] : vector<16xf32>, vector<16xi32> -> vector<16xf32>
        %min3A_1195 = arith.minimumf %min3A_1188, %gather3A_1194 : vector<16xf32>
        %xor3A_1196 = arith.constant 2 : i32
        %xor3A_1197 = vector.broadcast %xor3A_1196 : i32 to vector<16xi32>
        %xor3A_1198 = arith.xori %iota3A, %xor3A_1197 : vector<16xi32>
        %broadcast_in_dim3A_1199 = vector.shape_cast %xor3A_1198 : vector<16xi32> to vector<16x1xi32>
        %gather3A_1200 = vector.shape_cast %broadcast_in_dim3A_1199 : vector<16x1xi32> to vector<16xi32>
        %gather3A_1201 = tpu.dynamic_gather %min3A_1195[%gather3A_1200] in [0] : vector<16xf32>, vector<16xi32> -> vector<16xf32>
        %min3A_1202 = arith.minimumf %min3A_1195, %gather3A_1201 : vector<16xf32>
        %xor3A_1203 = arith.constant 1 : i32
        %xor3A_1204 = vector.broadcast %xor3A_1203 : i32 to vector<16xi32>
        %xor3A_1205 = arith.xori %iota3A, %xor3A_1204 : vector<16xi32>
        %broadcast_in_dim3A_1206 = vector.shape_cast %xor3A_1205 : vector<16xi32> to vector<16x1xi32>
        %gather3A_1207 = vector.shape_cast %broadcast_in_dim3A_1206 : vector<16x1xi32> to vector<16xi32>
        %gather3A_1208 = tpu.dynamic_gather %min3A_1202[%gather3A_1207] in [0] : vector<16xf32>, vector<16xi32> -> vector<16xf32>
        %min3A_1209 = arith.minimumf %min3A_1202, %gather3A_1208 : vector<16xf32>
        %select_n3A_1210 = arith.select %eq3A_1181, %min3A_1209, %select_n3A_1127 : vector<16xi1>, vector<16xf32>
        %mul3A_1211 = arith.constant 16 : i32
        %mul3A_1212 = arith.muli %scan3A_51, %mul3A_1211 : i32
        %add3A_1213 = arith.constant 14 : i32
        %add3A_1214 = arith.addi %mul3A_1212, %add3A_1213 : i32
        %mul3A_1215 = arith.constant 128 : i32
        %mul3A_1216 = arith.muli %add3A_1214, %mul3A_1215 : i32
        %get3A_1217 = arith.index_cast %mul3A_1216 : i32 to index
        %get3A_1218 = tpu.vector_load %arg7[%get3A_1217] {strides = array<i32>} : memref<100352xf32, #tpu.memory_space<vmem>>, vector<16xf32>,
        %get3A_1219 = vector.shape_cast %get3A_1218 : vector<16xf32> to vector<16xf32>
        %add3A_1220 = arith.constant 16 : i32
        %add3A_1221 = arith.addi %mul3A_1216, %add3A_1220 : i32
        %get3A_1222 = arith.index_cast %add3A_1221 : i32 to index
        %get3A_1223 = tpu.vector_load %arg7[%get3A_1222] {strides = array<i32>} : memref<100352xf32, #tpu.memory_space<vmem>>, vector<16xf32>,
        %get3A_1224 = vector.shape_cast %get3A_1223 : vector<16xf32> to vector<16xf32>
        %min3A_1225 = arith.minimumf %get3A_1219, %get3A_1224 : vector<16xf32>
        %add3A_1226 = arith.constant 32 : i32
        %add3A_1227 = arith.addi %mul3A_1216, %add3A_1226 : i32
        %get3A_1228 = arith.index_cast %add3A_1227 : i32 to index
        %get3A_1229 = tpu.vector_load %arg7[%get3A_1228] {strides = array<i32>} : memref<100352xf32, #tpu.memory_space<vmem>>, vector<16xf32>,
        %get3A_1230 = vector.shape_cast %get3A_1229 : vector<16xf32> to vector<16xf32>
        %min3A_1231 = arith.minimumf %min3A_1225, %get3A_1230 : vector<16xf32>
        %add3A_1232 = arith.constant 48 : i32
        %add3A_1233 = arith.addi %mul3A_1216, %add3A_1232 : i32
        %get3A_1234 = arith.index_cast %add3A_1233 : i32 to index
        %get3A_1235 = tpu.vector_load %arg7[%get3A_1234] {strides = array<i32>} : memref<100352xf32, #tpu.memory_space<vmem>>, vector<16xf32>,
        %get3A_1236 = vector.shape_cast %get3A_1235 : vector<16xf32> to vector<16xf32>
        %min3A_1237 = arith.minimumf %min3A_1231, %get3A_1236 : vector<16xf32>
        %add3A_1238 = arith.constant 64 : i32
        %add3A_1239 = arith.addi %mul3A_1216, %add3A_1238 : i32
        %get3A_1240 = arith.index_cast %add3A_1239 : i32 to index
        %get3A_1241 = tpu.vector_load %arg7[%get3A_1240] {strides = array<i32>} : memref<100352xf32, #tpu.memory_space<vmem>>, vector<16xf32>,
        %get3A_1242 = vector.shape_cast %get3A_1241 : vector<16xf32> to vector<16xf32>
        %min3A_1243 = arith.minimumf %min3A_1237, %get3A_1242 : vector<16xf32>
        %add3A_1244 = arith.constant 80 : i32
        %add3A_1245 = arith.addi %mul3A_1216, %add3A_1244 : i32
        %get3A_1246 = arith.index_cast %add3A_1245 : i32 to index
        %get3A_1247 = tpu.vector_load %arg7[%get3A_1246] {strides = array<i32>} : memref<100352xf32, #tpu.memory_space<vmem>>, vector<16xf32>,
        %get3A_1248 = vector.shape_cast %get3A_1247 : vector<16xf32> to vector<16xf32>
        %min3A_1249 = arith.minimumf %min3A_1243, %get3A_1248 : vector<16xf32>
        %add3A_1250 = arith.constant 96 : i32
        %add3A_1251 = arith.addi %mul3A_1216, %add3A_1250 : i32
        %get3A_1252 = arith.index_cast %add3A_1251 : i32 to index
        %get3A_1253 = tpu.vector_load %arg7[%get3A_1252] {strides = array<i32>} : memref<100352xf32, #tpu.memory_space<vmem>>, vector<16xf32>,
        %get3A_1254 = vector.shape_cast %get3A_1253 : vector<16xf32> to vector<16xf32>
        %min3A_1255 = arith.minimumf %min3A_1249, %get3A_1254 : vector<16xf32>
        %add3A_1256 = arith.constant 112 : i32
        %add3A_1257 = arith.addi %mul3A_1216, %add3A_1256 : i32
        %get3A_1258 = arith.index_cast %add3A_1257 : i32 to index
        %get3A_1259 = tpu.vector_load %arg7[%get3A_1258] {strides = array<i32>} : memref<100352xf32, #tpu.memory_space<vmem>>, vector<16xf32>,
        %get3A_1260 = vector.shape_cast %get3A_1259 : vector<16xf32> to vector<16xf32>
        %min3A_1261 = arith.minimumf %min3A_1255, %get3A_1260 : vector<16xf32>
        %eq3A_1262 = arith.constant 14 : i32
        %eq3A_1263 = vector.broadcast %eq3A_1262 : i32 to vector<16xi32>
        %eq3A_1264 = arith.cmpi eq, %iota3A, %eq3A_1263 : vector<16xi32>
        %xor3A_1265 = arith.constant 8 : i32
        %xor3A_1266 = vector.broadcast %xor3A_1265 : i32 to vector<16xi32>
        %xor3A_1267 = arith.xori %iota3A, %xor3A_1266 : vector<16xi32>
        %broadcast_in_dim3A_1268 = vector.shape_cast %xor3A_1267 : vector<16xi32> to vector<16x1xi32>
        %gather3A_1269 = vector.shape_cast %broadcast_in_dim3A_1268 : vector<16x1xi32> to vector<16xi32>
        %gather3A_1270 = tpu.dynamic_gather %min3A_1261[%gather3A_1269] in [0] : vector<16xf32>, vector<16xi32> -> vector<16xf32>
        %min3A_1271 = arith.minimumf %min3A_1261, %gather3A_1270 : vector<16xf32>
        %xor3A_1272 = arith.constant 4 : i32
        %xor3A_1273 = vector.broadcast %xor3A_1272 : i32 to vector<16xi32>
        %xor3A_1274 = arith.xori %iota3A, %xor3A_1273 : vector<16xi32>
        %broadcast_in_dim3A_1275 = vector.shape_cast %xor3A_1274 : vector<16xi32> to vector<16x1xi32>
        %gather3A_1276 = vector.shape_cast %broadcast_in_dim3A_1275 : vector<16x1xi32> to vector<16xi32>
        %gather3A_1277 = tpu.dynamic_gather %min3A_1271[%gather3A_1276] in [0] : vector<16xf32>, vector<16xi32> -> vector<16xf32>
        %min3A_1278 = arith.minimumf %min3A_1271, %gather3A_1277 : vector<16xf32>
        %xor3A_1279 = arith.constant 2 : i32
        %xor3A_1280 = vector.broadcast %xor3A_1279 : i32 to vector<16xi32>
        %xor3A_1281 = arith.xori %iota3A, %xor3A_1280 : vector<16xi32>
        %broadcast_in_dim3A_1282 = vector.shape_cast %xor3A_1281 : vector<16xi32> to vector<16x1xi32>
        %gather3A_1283 = vector.shape_cast %broadcast_in_dim3A_1282 : vector<16x1xi32> to vector<16xi32>
        %gather3A_1284 = tpu.dynamic_gather %min3A_1278[%gather3A_1283] in [0] : vector<16xf32>, vector<16xi32> -> vector<16xf32>
        %min3A_1285 = arith.minimumf %min3A_1278, %gather3A_1284 : vector<16xf32>
        %xor3A_1286 = arith.constant 1 : i32
        %xor3A_1287 = vector.broadcast %xor3A_1286 : i32 to vector<16xi32>
        %xor3A_1288 = arith.xori %iota3A, %xor3A_1287 : vector<16xi32>
        %broadcast_in_dim3A_1289 = vector.shape_cast %xor3A_1288 : vector<16xi32> to vector<16x1xi32>
        %gather3A_1290 = vector.shape_cast %broadcast_in_dim3A_1289 : vector<16x1xi32> to vector<16xi32>
        %gather3A_1291 = tpu.dynamic_gather %min3A_1285[%gather3A_1290] in [0] : vector<16xf32>, vector<16xi32> -> vector<16xf32>
        %min3A_1292 = arith.minimumf %min3A_1285, %gather3A_1291 : vector<16xf32>
        %select_n3A_1293 = arith.select %eq3A_1264, %min3A_1292, %select_n3A_1210 : vector<16xi1>, vector<16xf32>
        %mul3A_1294 = arith.constant 16 : i32
        %mul3A_1295 = arith.muli %scan3A_51, %mul3A_1294 : i32
        %add3A_1296 = arith.constant 15 : i32
        %add3A_1297 = arith.addi %mul3A_1295, %add3A_1296 : i32
        %mul3A_1298 = arith.constant 128 : i32
        %mul3A_1299 = arith.muli %add3A_1297, %mul3A_1298 : i32
        %get3A_1300 = arith.index_cast %mul3A_1299 : i32 to index
        %get3A_1301 = tpu.vector_load %arg7[%get3A_1300] {strides = array<i32>} : memref<100352xf32, #tpu.memory_space<vmem>>, vector<16xf32>,
        %get3A_1302 = vector.shape_cast %get3A_1301 : vector<16xf32> to vector<16xf32>
        %add3A_1303 = arith.constant 16 : i32
        %add3A_1304 = arith.addi %mul3A_1299, %add3A_1303 : i32
        %get3A_1305 = arith.index_cast %add3A_1304 : i32 to index
        %get3A_1306 = tpu.vector_load %arg7[%get3A_1305] {strides = array<i32>} : memref<100352xf32, #tpu.memory_space<vmem>>, vector<16xf32>,
        %get3A_1307 = vector.shape_cast %get3A_1306 : vector<16xf32> to vector<16xf32>
        %min3A_1308 = arith.minimumf %get3A_1302, %get3A_1307 : vector<16xf32>
        %add3A_1309 = arith.constant 32 : i32
        %add3A_1310 = arith.addi %mul3A_1299, %add3A_1309 : i32
        %get3A_1311 = arith.index_cast %add3A_1310 : i32 to index
        %get3A_1312 = tpu.vector_load %arg7[%get3A_1311] {strides = array<i32>} : memref<100352xf32, #tpu.memory_space<vmem>>, vector<16xf32>,
        %get3A_1313 = vector.shape_cast %get3A_1312 : vector<16xf32> to vector<16xf32>
        %min3A_1314 = arith.minimumf %min3A_1308, %get3A_1313 : vector<16xf32>
        %add3A_1315 = arith.constant 48 : i32
        %add3A_1316 = arith.addi %mul3A_1299, %add3A_1315 : i32
        %get3A_1317 = arith.index_cast %add3A_1316 : i32 to index
        %get3A_1318 = tpu.vector_load %arg7[%get3A_1317] {strides = array<i32>} : memref<100352xf32, #tpu.memory_space<vmem>>, vector<16xf32>,
        %get3A_1319 = vector.shape_cast %get3A_1318 : vector<16xf32> to vector<16xf32>
        %min3A_1320 = arith.minimumf %min3A_1314, %get3A_1319 : vector<16xf32>
        %add3A_1321 = arith.constant 64 : i32
        %add3A_1322 = arith.addi %mul3A_1299, %add3A_1321 : i32
        %get3A_1323 = arith.index_cast %add3A_1322 : i32 to index
        %get3A_1324 = tpu.vector_load %arg7[%get3A_1323] {strides = array<i32>} : memref<100352xf32, #tpu.memory_space<vmem>>, vector<16xf32>,
        %get3A_1325 = vector.shape_cast %get3A_1324 : vector<16xf32> to vector<16xf32>
        %min3A_1326 = arith.minimumf %min3A_1320, %get3A_1325 : vector<16xf32>
        %add3A_1327 = arith.constant 80 : i32
        %add3A_1328 = arith.addi %mul3A_1299, %add3A_1327 : i32
        %get3A_1329 = arith.index_cast %add3A_1328 : i32 to index
        %get3A_1330 = tpu.vector_load %arg7[%get3A_1329] {strides = array<i32>} : memref<100352xf32, #tpu.memory_space<vmem>>, vector<16xf32>,
        %get3A_1331 = vector.shape_cast %get3A_1330 : vector<16xf32> to vector<16xf32>
        %min3A_1332 = arith.minimumf %min3A_1326, %get3A_1331 : vector<16xf32>
        %add3A_1333 = arith.constant 96 : i32
        %add3A_1334 = arith.addi %mul3A_1299, %add3A_1333 : i32
        %get3A_1335 = arith.index_cast %add3A_1334 : i32 to index
        %get3A_1336 = tpu.vector_load %arg7[%get3A_1335] {strides = array<i32>} : memref<100352xf32, #tpu.memory_space<vmem>>, vector<16xf32>,
        %get3A_1337 = vector.shape_cast %get3A_1336 : vector<16xf32> to vector<16xf32>
        %min3A_1338 = arith.minimumf %min3A_1332, %get3A_1337 : vector<16xf32>
        %add3A_1339 = arith.constant 112 : i32
        %add3A_1340 = arith.addi %mul3A_1299, %add3A_1339 : i32
        %get3A_1341 = arith.index_cast %add3A_1340 : i32 to index
        %get3A_1342 = tpu.vector_load %arg7[%get3A_1341] {strides = array<i32>} : memref<100352xf32, #tpu.memory_space<vmem>>, vector<16xf32>,
        %get3A_1343 = vector.shape_cast %get3A_1342 : vector<16xf32> to vector<16xf32>
        %min3A_1344 = arith.minimumf %min3A_1338, %get3A_1343 : vector<16xf32>
        %eq3A_1345 = arith.constant 15 : i32
        %eq3A_1346 = vector.broadcast %eq3A_1345 : i32 to vector<16xi32>
        %eq3A_1347 = arith.cmpi eq, %iota3A, %eq3A_1346 : vector<16xi32>
        %xor3A_1348 = arith.constant 8 : i32
        %xor3A_1349 = vector.broadcast %xor3A_1348 : i32 to vector<16xi32>
        %xor3A_1350 = arith.xori %iota3A, %xor3A_1349 : vector<16xi32>
        %broadcast_in_dim3A_1351 = vector.shape_cast %xor3A_1350 : vector<16xi32> to vector<16x1xi32>
        %gather3A_1352 = vector.shape_cast %broadcast_in_dim3A_1351 : vector<16x1xi32> to vector<16xi32>
        %gather3A_1353 = tpu.dynamic_gather %min3A_1344[%gather3A_1352] in [0] : vector<16xf32>, vector<16xi32> -> vector<16xf32>
        %min3A_1354 = arith.minimumf %min3A_1344, %gather3A_1353 : vector<16xf32>
        %xor3A_1355 = arith.constant 4 : i32
        %xor3A_1356 = vector.broadcast %xor3A_1355 : i32 to vector<16xi32>
        %xor3A_1357 = arith.xori %iota3A, %xor3A_1356 : vector<16xi32>
        %broadcast_in_dim3A_1358 = vector.shape_cast %xor3A_1357 : vector<16xi32> to vector<16x1xi32>
        %gather3A_1359 = vector.shape_cast %broadcast_in_dim3A_1358 : vector<16x1xi32> to vector<16xi32>
        %gather3A_1360 = tpu.dynamic_gather %min3A_1354[%gather3A_1359] in [0] : vector<16xf32>, vector<16xi32> -> vector<16xf32>
        %min3A_1361 = arith.minimumf %min3A_1354, %gather3A_1360 : vector<16xf32>
        %xor3A_1362 = arith.constant 2 : i32
        %xor3A_1363 = vector.broadcast %xor3A_1362 : i32 to vector<16xi32>
        %xor3A_1364 = arith.xori %iota3A, %xor3A_1363 : vector<16xi32>
        %broadcast_in_dim3A_1365 = vector.shape_cast %xor3A_1364 : vector<16xi32> to vector<16x1xi32>
        %gather3A_1366 = vector.shape_cast %broadcast_in_dim3A_1365 : vector<16x1xi32> to vector<16xi32>
        %gather3A_1367 = tpu.dynamic_gather %min3A_1361[%gather3A_1366] in [0] : vector<16xf32>, vector<16xi32> -> vector<16xf32>
        %min3A_1368 = arith.minimumf %min3A_1361, %gather3A_1367 : vector<16xf32>
        %xor3A_1369 = arith.constant 1 : i32
        %xor3A_1370 = vector.broadcast %xor3A_1369 : i32 to vector<16xi32>
        %xor3A_1371 = arith.xori %iota3A, %xor3A_1370 : vector<16xi32>
        %broadcast_in_dim3A_1372 = vector.shape_cast %xor3A_1371 : vector<16xi32> to vector<16x1xi32>
        %gather3A_1373 = vector.shape_cast %broadcast_in_dim3A_1372 : vector<16x1xi32> to vector<16xi32>
        %gather3A_1374 = tpu.dynamic_gather %min3A_1368[%gather3A_1373] in [0] : vector<16xf32>, vector<16xi32> -> vector<16xf32>
        %min3A_1375 = arith.minimumf %min3A_1368, %gather3A_1374 : vector<16xf32>
        %select_n3A_1376 = arith.select %eq3A_1347, %min3A_1375, %select_n3A_1293 : vector<16xi1>, vector<16xf32>
        %mul3A_1377 = arith.constant 16 : i32
        %mul3A_1378 = arith.muli %scan3A_51, %mul3A_1377 : i32
        %swap3A_1379 = arith.index_cast %mul3A_1378 : i32 to index
        %swap3A_1380 = tpu.vector_load %arg8[%swap3A_1379] {strides = array<i32>} : memref<784xf32, #tpu.memory_space<vmem>>, vector<16xf32>,
        %swap3A_1381 = vector.shape_cast %swap3A_1380 : vector<16xf32> to vector<16xf32>
        %swap3A_1382 = vector.shape_cast %select_n3A_1376 : vector<16xf32> to vector<16xf32>
        tpu.vector_store %arg8[%swap3A_1379], %swap3A_1382 {strides = array<i32>} : memref<784xf32, #tpu.memory_space<vmem>>, vector<16xf32>,
        %scan3A_1383 = arith.constant 0 : i32
        scf.yield %scan3A_1383 : i32
      }
      %scan3A_40 = arith.constant 49 : i32
      %scan3A_41 = arith.constant 0 : i32
      %scan3A_42 = arith.constant 0 : i32
      %scan3A_43 = arith.constant 50 : i32
      %scan3A_44 = arith.addi %scan3A_42, %scan3A_43 : i32
      %scan3A_45 = arith.constant 1 : i32
      %scan3A_46 = scf.for %scan3A_51 = %scan3A_42 to %scan3A_44 step %scan3A_45 iter_args(%scan3A_52 = %scan3A_41) -> (i32)  : i32 {
        %get3A = arith.constant 0 : index
        %get3A_53 = tpu.vector_load %arg8[%get3A] {strides = array<i32>} : memref<784xf32, #tpu.memory_space<vmem>>, vector<16xf32>,
        %get3A_54 = vector.shape_cast %get3A_53 : vector<16xf32> to vector<16xf32>
        %get3A_55 = arith.constant 16 : index
        %get3A_56 = tpu.vector_load %arg8[%get3A_55] {strides = array<i32>} : memref<784xf32, #tpu.memory_space<vmem>>, vector<16xf32>,
        %get3A_57 = vector.shape_cast %get3A_56 : vector<16xf32> to vector<16xf32>
        %min3A = arith.minimumf %get3A_54, %get3A_57 : vector<16xf32>
        %get3A_58 = arith.constant 32 : index
        %get3A_59 = tpu.vector_load %arg8[%get3A_58] {strides = array<i32>} : memref<784xf32, #tpu.memory_space<vmem>>, vector<16xf32>,
        %get3A_60 = vector.shape_cast %get3A_59 : vector<16xf32> to vector<16xf32>
        %min3A_61 = arith.minimumf %min3A, %get3A_60 : vector<16xf32>
        %get3A_62 = arith.constant 48 : index
        %get3A_63 = tpu.vector_load %arg8[%get3A_62] {strides = array<i32>} : memref<784xf32, #tpu.memory_space<vmem>>, vector<16xf32>,
        %get3A_64 = vector.shape_cast %get3A_63 : vector<16xf32> to vector<16xf32>
        %min3A_65 = arith.minimumf %min3A_61, %get3A_64 : vector<16xf32>
        %get3A_66 = arith.constant 64 : index
        %get3A_67 = tpu.vector_load %arg8[%get3A_66] {strides = array<i32>} : memref<784xf32, #tpu.memory_space<vmem>>, vector<16xf32>,
        %get3A_68 = vector.shape_cast %get3A_67 : vector<16xf32> to vector<16xf32>
        %min3A_69 = arith.minimumf %min3A_65, %get3A_68 : vector<16xf32>
        %get3A_70 = arith.constant 80 : index
        %get3A_71 = tpu.vector_load %arg8[%get3A_70] {strides = array<i32>} : memref<784xf32, #tpu.memory_space<vmem>>, vector<16xf32>,
        %get3A_72 = vector.shape_cast %get3A_71 : vector<16xf32> to vector<16xf32>
        %min3A_73 = arith.minimumf %min3A_69, %get3A_72 : vector<16xf32>
        %get3A_74 = arith.constant 96 : index
        %get3A_75 = tpu.vector_load %arg8[%get3A_74] {strides = array<i32>} : memref<784xf32, #tpu.memory_space<vmem>>, vector<16xf32>,
        %get3A_76 = vector.shape_cast %get3A_75 : vector<16xf32> to vector<16xf32>
        %min3A_77 = arith.minimumf %min3A_73, %get3A_76 : vector<16xf32>
        %get3A_78 = arith.constant 112 : index
        %get3A_79 = tpu.vector_load %arg8[%get3A_78] {strides = array<i32>} : memref<784xf32, #tpu.memory_space<vmem>>, vector<16xf32>,
        %get3A_80 = vector.shape_cast %get3A_79 : vector<16xf32> to vector<16xf32>
        %min3A_81 = arith.minimumf %min3A_77, %get3A_80 : vector<16xf32>
        %get3A_82 = arith.constant 128 : index
        %get3A_83 = tpu.vector_load %arg8[%get3A_82] {strides = array<i32>} : memref<784xf32, #tpu.memory_space<vmem>>, vector<16xf32>,
        %get3A_84 = vector.shape_cast %get3A_83 : vector<16xf32> to vector<16xf32>
        %min3A_85 = arith.minimumf %min3A_81, %get3A_84 : vector<16xf32>
        %get3A_86 = arith.constant 144 : index
        %get3A_87 = tpu.vector_load %arg8[%get3A_86] {strides = array<i32>} : memref<784xf32, #tpu.memory_space<vmem>>, vector<16xf32>,
        %get3A_88 = vector.shape_cast %get3A_87 : vector<16xf32> to vector<16xf32>
        %min3A_89 = arith.minimumf %min3A_85, %get3A_88 : vector<16xf32>
        %get3A_90 = arith.constant 160 : index
        %get3A_91 = tpu.vector_load %arg8[%get3A_90] {strides = array<i32>} : memref<784xf32, #tpu.memory_space<vmem>>, vector<16xf32>,
        %get3A_92 = vector.shape_cast %get3A_91 : vector<16xf32> to vector<16xf32>
        %min3A_93 = arith.minimumf %min3A_89, %get3A_92 : vector<16xf32>
        %get3A_94 = arith.constant 176 : index
        %get3A_95 = tpu.vector_load %arg8[%get3A_94] {strides = array<i32>} : memref<784xf32, #tpu.memory_space<vmem>>, vector<16xf32>,
        %get3A_96 = vector.shape_cast %get3A_95 : vector<16xf32> to vector<16xf32>
        %min3A_97 = arith.minimumf %min3A_93, %get3A_96 : vector<16xf32>
        %get3A_98 = arith.constant 192 : index
        %get3A_99 = tpu.vector_load %arg8[%get3A_98] {strides = array<i32>} : memref<784xf32, #tpu.memory_space<vmem>>, vector<16xf32>,
        %get3A_100 = vector.shape_cast %get3A_99 : vector<16xf32> to vector<16xf32>
        %min3A_101 = arith.minimumf %min3A_97, %get3A_100 : vector<16xf32>
        %get3A_102 = arith.constant 208 : index
        %get3A_103 = tpu.vector_load %arg8[%get3A_102] {strides = array<i32>} : memref<784xf32, #tpu.memory_space<vmem>>, vector<16xf32>,
        %get3A_104 = vector.shape_cast %get3A_103 : vector<16xf32> to vector<16xf32>
        %min3A_105 = arith.minimumf %min3A_101, %get3A_104 : vector<16xf32>
        %get3A_106 = arith.constant 224 : index
        %get3A_107 = tpu.vector_load %arg8[%get3A_106] {strides = array<i32>} : memref<784xf32, #tpu.memory_space<vmem>>, vector<16xf32>,
        %get3A_108 = vector.shape_cast %get3A_107 : vector<16xf32> to vector<16xf32>
        %min3A_109 = arith.minimumf %min3A_105, %get3A_108 : vector<16xf32>
        %get3A_110 = arith.constant 240 : index
        %get3A_111 = tpu.vector_load %arg8[%get3A_110] {strides = array<i32>} : memref<784xf32, #tpu.memory_space<vmem>>, vector<16xf32>,
        %get3A_112 = vector.shape_cast %get3A_111 : vector<16xf32> to vector<16xf32>
        %min3A_113 = arith.minimumf %min3A_109, %get3A_112 : vector<16xf32>
        %get3A_114 = arith.constant 256 : index
        %get3A_115 = tpu.vector_load %arg8[%get3A_114] {strides = array<i32>} : memref<784xf32, #tpu.memory_space<vmem>>, vector<16xf32>,
        %get3A_116 = vector.shape_cast %get3A_115 : vector<16xf32> to vector<16xf32>
        %min3A_117 = arith.minimumf %min3A_113, %get3A_116 : vector<16xf32>
        %get3A_118 = arith.constant 272 : index
        %get3A_119 = tpu.vector_load %arg8[%get3A_118] {strides = array<i32>} : memref<784xf32, #tpu.memory_space<vmem>>, vector<16xf32>,
        %get3A_120 = vector.shape_cast %get3A_119 : vector<16xf32> to vector<16xf32>
        %min3A_121 = arith.minimumf %min3A_117, %get3A_120 : vector<16xf32>
        %get3A_122 = arith.constant 288 : index
        %get3A_123 = tpu.vector_load %arg8[%get3A_122] {strides = array<i32>} : memref<784xf32, #tpu.memory_space<vmem>>, vector<16xf32>,
        %get3A_124 = vector.shape_cast %get3A_123 : vector<16xf32> to vector<16xf32>
        %min3A_125 = arith.minimumf %min3A_121, %get3A_124 : vector<16xf32>
        %get3A_126 = arith.constant 304 : index
        %get3A_127 = tpu.vector_load %arg8[%get3A_126] {strides = array<i32>} : memref<784xf32, #tpu.memory_space<vmem>>, vector<16xf32>,
        %get3A_128 = vector.shape_cast %get3A_127 : vector<16xf32> to vector<16xf32>
        %min3A_129 = arith.minimumf %min3A_125, %get3A_128 : vector<16xf32>
        %get3A_130 = arith.constant 320 : index
        %get3A_131 = tpu.vector_load %arg8[%get3A_130] {strides = array<i32>} : memref<784xf32, #tpu.memory_space<vmem>>, vector<16xf32>,
        %get3A_132 = vector.shape_cast %get3A_131 : vector<16xf32> to vector<16xf32>
        %min3A_133 = arith.minimumf %min3A_129, %get3A_132 : vector<16xf32>
        %get3A_134 = arith.constant 336 : index
        %get3A_135 = tpu.vector_load %arg8[%get3A_134] {strides = array<i32>} : memref<784xf32, #tpu.memory_space<vmem>>, vector<16xf32>,
        %get3A_136 = vector.shape_cast %get3A_135 : vector<16xf32> to vector<16xf32>
        %min3A_137 = arith.minimumf %min3A_133, %get3A_136 : vector<16xf32>
        %get3A_138 = arith.constant 352 : index
        %get3A_139 = tpu.vector_load %arg8[%get3A_138] {strides = array<i32>} : memref<784xf32, #tpu.memory_space<vmem>>, vector<16xf32>,
        %get3A_140 = vector.shape_cast %get3A_139 : vector<16xf32> to vector<16xf32>
        %min3A_141 = arith.minimumf %min3A_137, %get3A_140 : vector<16xf32>
        %get3A_142 = arith.constant 368 : index
        %get3A_143 = tpu.vector_load %arg8[%get3A_142] {strides = array<i32>} : memref<784xf32, #tpu.memory_space<vmem>>, vector<16xf32>,
        %get3A_144 = vector.shape_cast %get3A_143 : vector<16xf32> to vector<16xf32>
        %min3A_145 = arith.minimumf %min3A_141, %get3A_144 : vector<16xf32>
        %get3A_146 = arith.constant 384 : index
        %get3A_147 = tpu.vector_load %arg8[%get3A_146] {strides = array<i32>} : memref<784xf32, #tpu.memory_space<vmem>>, vector<16xf32>,
        %get3A_148 = vector.shape_cast %get3A_147 : vector<16xf32> to vector<16xf32>
        %min3A_149 = arith.minimumf %min3A_145, %get3A_148 : vector<16xf32>
        %get3A_150 = arith.constant 400 : index
        %get3A_151 = tpu.vector_load %arg8[%get3A_150] {strides = array<i32>} : memref<784xf32, #tpu.memory_space<vmem>>, vector<16xf32>,
        %get3A_152 = vector.shape_cast %get3A_151 : vector<16xf32> to vector<16xf32>
        %min3A_153 = arith.minimumf %min3A_149, %get3A_152 : vector<16xf32>
        %get3A_154 = arith.constant 416 : index
        %get3A_155 = tpu.vector_load %arg8[%get3A_154] {strides = array<i32>} : memref<784xf32, #tpu.memory_space<vmem>>, vector<16xf32>,
        %get3A_156 = vector.shape_cast %get3A_155 : vector<16xf32> to vector<16xf32>
        %min3A_157 = arith.minimumf %min3A_153, %get3A_156 : vector<16xf32>
        %get3A_158 = arith.constant 432 : index
        %get3A_159 = tpu.vector_load %arg8[%get3A_158] {strides = array<i32>} : memref<784xf32, #tpu.memory_space<vmem>>, vector<16xf32>,
        %get3A_160 = vector.shape_cast %get3A_159 : vector<16xf32> to vector<16xf32>
        %min3A_161 = arith.minimumf %min3A_157, %get3A_160 : vector<16xf32>
        %get3A_162 = arith.constant 448 : index
        %get3A_163 = tpu.vector_load %arg8[%get3A_162] {strides = array<i32>} : memref<784xf32, #tpu.memory_space<vmem>>, vector<16xf32>,
        %get3A_164 = vector.shape_cast %get3A_163 : vector<16xf32> to vector<16xf32>
        %min3A_165 = arith.minimumf %min3A_161, %get3A_164 : vector<16xf32>
        %get3A_166 = arith.constant 464 : index
        %get3A_167 = tpu.vector_load %arg8[%get3A_166] {strides = array<i32>} : memref<784xf32, #tpu.memory_space<vmem>>, vector<16xf32>,
        %get3A_168 = vector.shape_cast %get3A_167 : vector<16xf32> to vector<16xf32>
        %min3A_169 = arith.minimumf %min3A_165, %get3A_168 : vector<16xf32>
        %get3A_170 = arith.constant 480 : index
        %get3A_171 = tpu.vector_load %arg8[%get3A_170] {strides = array<i32>} : memref<784xf32, #tpu.memory_space<vmem>>, vector<16xf32>,
        %get3A_172 = vector.shape_cast %get3A_171 : vector<16xf32> to vector<16xf32>
        %min3A_173 = arith.minimumf %min3A_169, %get3A_172 : vector<16xf32>
        %get3A_174 = arith.constant 496 : index
        %get3A_175 = tpu.vector_load %arg8[%get3A_174] {strides = array<i32>} : memref<784xf32, #tpu.memory_space<vmem>>, vector<16xf32>,
        %get3A_176 = vector.shape_cast %get3A_175 : vector<16xf32> to vector<16xf32>
        %min3A_177 = arith.minimumf %min3A_173, %get3A_176 : vector<16xf32>
        %get3A_178 = arith.constant 512 : index
        %get3A_179 = tpu.vector_load %arg8[%get3A_178] {strides = array<i32>} : memref<784xf32, #tpu.memory_space<vmem>>, vector<16xf32>,
        %get3A_180 = vector.shape_cast %get3A_179 : vector<16xf32> to vector<16xf32>
        %min3A_181 = arith.minimumf %min3A_177, %get3A_180 : vector<16xf32>
        %get3A_182 = arith.constant 528 : index
        %get3A_183 = tpu.vector_load %arg8[%get3A_182] {strides = array<i32>} : memref<784xf32, #tpu.memory_space<vmem>>, vector<16xf32>,
        %get3A_184 = vector.shape_cast %get3A_183 : vector<16xf32> to vector<16xf32>
        %min3A_185 = arith.minimumf %min3A_181, %get3A_184 : vector<16xf32>
        %get3A_186 = arith.constant 544 : index
        %get3A_187 = tpu.vector_load %arg8[%get3A_186] {strides = array<i32>} : memref<784xf32, #tpu.memory_space<vmem>>, vector<16xf32>,
        %get3A_188 = vector.shape_cast %get3A_187 : vector<16xf32> to vector<16xf32>
        %min3A_189 = arith.minimumf %min3A_185, %get3A_188 : vector<16xf32>
        %get3A_190 = arith.constant 560 : index
        %get3A_191 = tpu.vector_load %arg8[%get3A_190] {strides = array<i32>} : memref<784xf32, #tpu.memory_space<vmem>>, vector<16xf32>,
        %get3A_192 = vector.shape_cast %get3A_191 : vector<16xf32> to vector<16xf32>
        %min3A_193 = arith.minimumf %min3A_189, %get3A_192 : vector<16xf32>
        %get3A_194 = arith.constant 576 : index
        %get3A_195 = tpu.vector_load %arg8[%get3A_194] {strides = array<i32>} : memref<784xf32, #tpu.memory_space<vmem>>, vector<16xf32>,
        %get3A_196 = vector.shape_cast %get3A_195 : vector<16xf32> to vector<16xf32>
        %min3A_197 = arith.minimumf %min3A_193, %get3A_196 : vector<16xf32>
        %get3A_198 = arith.constant 592 : index
        %get3A_199 = tpu.vector_load %arg8[%get3A_198] {strides = array<i32>} : memref<784xf32, #tpu.memory_space<vmem>>, vector<16xf32>,
        %get3A_200 = vector.shape_cast %get3A_199 : vector<16xf32> to vector<16xf32>
        %min3A_201 = arith.minimumf %min3A_197, %get3A_200 : vector<16xf32>
        %get3A_202 = arith.constant 608 : index
        %get3A_203 = tpu.vector_load %arg8[%get3A_202] {strides = array<i32>} : memref<784xf32, #tpu.memory_space<vmem>>, vector<16xf32>,
        %get3A_204 = vector.shape_cast %get3A_203 : vector<16xf32> to vector<16xf32>
        %min3A_205 = arith.minimumf %min3A_201, %get3A_204 : vector<16xf32>
        %get3A_206 = arith.constant 624 : index
        %get3A_207 = tpu.vector_load %arg8[%get3A_206] {strides = array<i32>} : memref<784xf32, #tpu.memory_space<vmem>>, vector<16xf32>,
        %get3A_208 = vector.shape_cast %get3A_207 : vector<16xf32> to vector<16xf32>
        %min3A_209 = arith.minimumf %min3A_205, %get3A_208 : vector<16xf32>
        %get3A_210 = arith.constant 640 : index
        %get3A_211 = tpu.vector_load %arg8[%get3A_210] {strides = array<i32>} : memref<784xf32, #tpu.memory_space<vmem>>, vector<16xf32>,
        %get3A_212 = vector.shape_cast %get3A_211 : vector<16xf32> to vector<16xf32>
        %min3A_213 = arith.minimumf %min3A_209, %get3A_212 : vector<16xf32>
        %get3A_214 = arith.constant 656 : index
        %get3A_215 = tpu.vector_load %arg8[%get3A_214] {strides = array<i32>} : memref<784xf32, #tpu.memory_space<vmem>>, vector<16xf32>,
        %get3A_216 = vector.shape_cast %get3A_215 : vector<16xf32> to vector<16xf32>
        %min3A_217 = arith.minimumf %min3A_213, %get3A_216 : vector<16xf32>
        %get3A_218 = arith.constant 672 : index
        %get3A_219 = tpu.vector_load %arg8[%get3A_218] {strides = array<i32>} : memref<784xf32, #tpu.memory_space<vmem>>, vector<16xf32>,
        %get3A_220 = vector.shape_cast %get3A_219 : vector<16xf32> to vector<16xf32>
        %min3A_221 = arith.minimumf %min3A_217, %get3A_220 : vector<16xf32>
        %get3A_222 = arith.constant 688 : index
        %get3A_223 = tpu.vector_load %arg8[%get3A_222] {strides = array<i32>} : memref<784xf32, #tpu.memory_space<vmem>>, vector<16xf32>,
        %get3A_224 = vector.shape_cast %get3A_223 : vector<16xf32> to vector<16xf32>
        %min3A_225 = arith.minimumf %min3A_221, %get3A_224 : vector<16xf32>
        %get3A_226 = arith.constant 704 : index
        %get3A_227 = tpu.vector_load %arg8[%get3A_226] {strides = array<i32>} : memref<784xf32, #tpu.memory_space<vmem>>, vector<16xf32>,
        %get3A_228 = vector.shape_cast %get3A_227 : vector<16xf32> to vector<16xf32>
        %min3A_229 = arith.minimumf %min3A_225, %get3A_228 : vector<16xf32>
        %get3A_230 = arith.constant 720 : index
        %get3A_231 = tpu.vector_load %arg8[%get3A_230] {strides = array<i32>} : memref<784xf32, #tpu.memory_space<vmem>>, vector<16xf32>,
        %get3A_232 = vector.shape_cast %get3A_231 : vector<16xf32> to vector<16xf32>
        %min3A_233 = arith.minimumf %min3A_229, %get3A_232 : vector<16xf32>
        %get3A_234 = arith.constant 736 : index
        %get3A_235 = tpu.vector_load %arg8[%get3A_234] {strides = array<i32>} : memref<784xf32, #tpu.memory_space<vmem>>, vector<16xf32>,
        %get3A_236 = vector.shape_cast %get3A_235 : vector<16xf32> to vector<16xf32>
        %min3A_237 = arith.minimumf %min3A_233, %get3A_236 : vector<16xf32>
        %get3A_238 = arith.constant 752 : index
        %get3A_239 = tpu.vector_load %arg8[%get3A_238] {strides = array<i32>} : memref<784xf32, #tpu.memory_space<vmem>>, vector<16xf32>,
        %get3A_240 = vector.shape_cast %get3A_239 : vector<16xf32> to vector<16xf32>
        %min3A_241 = arith.minimumf %min3A_237, %get3A_240 : vector<16xf32>
        %get3A_242 = arith.constant 768 : index
        %get3A_243 = tpu.vector_load %arg8[%get3A_242] {strides = array<i32>} : memref<784xf32, #tpu.memory_space<vmem>>, vector<16xf32>,
        %get3A_244 = vector.shape_cast %get3A_243 : vector<16xf32> to vector<16xf32>
        %min3A_245 = arith.minimumf %min3A_241, %get3A_244 : vector<16xf32>
        %xor3A = arith.constant 8 : i32
        %xor3A_246 = vector.broadcast %xor3A : i32 to vector<16xi32>
        %xor3A_247 = arith.xori %iota3A, %xor3A_246 : vector<16xi32>
        %broadcast_in_dim3A_248 = vector.shape_cast %xor3A_247 : vector<16xi32> to vector<16x1xi32>
        %gather3A = vector.shape_cast %broadcast_in_dim3A_248 : vector<16x1xi32> to vector<16xi32>
        %gather3A_249 = tpu.dynamic_gather %min3A_245[%gather3A] in [0] : vector<16xf32>, vector<16xi32> -> vector<16xf32>
        %min3A_250 = arith.minimumf %min3A_245, %gather3A_249 : vector<16xf32>
        %xor3A_251 = arith.constant 4 : i32
        %xor3A_252 = vector.broadcast %xor3A_251 : i32 to vector<16xi32>
        %xor3A_253 = arith.xori %iota3A, %xor3A_252 : vector<16xi32>
        %broadcast_in_dim3A_254 = vector.shape_cast %xor3A_253 : vector<16xi32> to vector<16x1xi32>
        %gather3A_255 = vector.shape_cast %broadcast_in_dim3A_254 : vector<16x1xi32> to vector<16xi32>
        %gather3A_256 = tpu.dynamic_gather %min3A_250[%gather3A_255] in [0] : vector<16xf32>, vector<16xi32> -> vector<16xf32>
        %min3A_257 = arith.minimumf %min3A_250, %gather3A_256 : vector<16xf32>
        %xor3A_258 = arith.constant 2 : i32
        %xor3A_259 = vector.broadcast %xor3A_258 : i32 to vector<16xi32>
        %xor3A_260 = arith.xori %iota3A, %xor3A_259 : vector<16xi32>
        %broadcast_in_dim3A_261 = vector.shape_cast %xor3A_260 : vector<16xi32> to vector<16x1xi32>
        %gather3A_262 = vector.shape_cast %broadcast_in_dim3A_261 : vector<16x1xi32> to vector<16xi32>
        %gather3A_263 = tpu.dynamic_gather %min3A_257[%gather3A_262] in [0] : vector<16xf32>, vector<16xi32> -> vector<16xf32>
        %min3A_264 = arith.minimumf %min3A_257, %gather3A_263 : vector<16xf32>
        %xor3A_265 = arith.constant 1 : i32
        %xor3A_266 = vector.broadcast %xor3A_265 : i32 to vector<16xi32>
        %xor3A_267 = arith.xori %iota3A, %xor3A_266 : vector<16xi32>
        %broadcast_in_dim3A_268 = vector.shape_cast %xor3A_267 : vector<16xi32> to vector<16x1xi32>
        %gather3A_269 = vector.shape_cast %broadcast_in_dim3A_268 : vector<16x1xi32> to vector<16xi32>
        %gather3A_270 = tpu.dynamic_gather %min3A_264[%gather3A_269] in [0] : vector<16xf32>, vector<16xi32> -> vector<16xf32>
        %min3A_271 = arith.minimumf %min3A_264, %gather3A_270 : vector<16xf32>
        %broadcast_in_dim3A_272 = arith.constant 1073741824 : i32
        %broadcast_in_dim3A_273 = vector.broadcast %broadcast_in_dim3A_272 : i32 to vector<16xi32>
        %get3A_274 = arith.constant 0 : index
        %get3A_275 = tpu.vector_load %arg8[%get3A_274] {strides = array<i32>} : memref<784xf32, #tpu.memory_space<vmem>>, vector<16xf32>,
        %get3A_276 = vector.shape_cast %get3A_275 : vector<16xf32> to vector<16xf32>
        %eq3A = arith.cmpf oeq, %get3A_276, %min3A_271 : vector<16xf32>
        %add3A_277 = arith.constant 0 : i32
        %add3A_278 = vector.broadcast %add3A_277 : i32 to vector<16xi32>
        %add3A_279 = arith.addi %add3A_278, %iota3A : vector<16xi32>
        %jit3A = arith.constant 1073741824 : i32
        %broadcast_in_dim3A_280 = vector.broadcast %jit3A : i32 to vector<16xi32>
        %select_n3A = arith.select %eq3A, %add3A_279, %broadcast_in_dim3A_280 : vector<16xi1>, vector<16xi32>
        %min3A_281 = arith.minsi %broadcast_in_dim3A_273, %select_n3A : vector<16xi32>
        %get3A_282 = arith.constant 16 : index
        %get3A_283 = tpu.vector_load %arg8[%get3A_282] {strides = array<i32>} : memref<784xf32, #tpu.memory_space<vmem>>, vector<16xf32>,
        %get3A_284 = vector.shape_cast %get3A_283 : vector<16xf32> to vector<16xf32>
        %eq3A_285 = arith.cmpf oeq, %get3A_284, %min3A_271 : vector<16xf32>
        %add3A_286 = arith.constant 16 : i32
        %add3A_287 = vector.broadcast %add3A_286 : i32 to vector<16xi32>
        %add3A_288 = arith.addi %add3A_287, %iota3A : vector<16xi32>
        %jit3A_289 = arith.constant 1073741824 : i32
        %broadcast_in_dim3A_290 = vector.broadcast %jit3A_289 : i32 to vector<16xi32>
        %select_n3A_291 = arith.select %eq3A_285, %add3A_288, %broadcast_in_dim3A_290 : vector<16xi1>, vector<16xi32>
        %min3A_292 = arith.minsi %min3A_281, %select_n3A_291 : vector<16xi32>
        %get3A_293 = arith.constant 32 : index
        %get3A_294 = tpu.vector_load %arg8[%get3A_293] {strides = array<i32>} : memref<784xf32, #tpu.memory_space<vmem>>, vector<16xf32>,
        %get3A_295 = vector.shape_cast %get3A_294 : vector<16xf32> to vector<16xf32>
        %eq3A_296 = arith.cmpf oeq, %get3A_295, %min3A_271 : vector<16xf32>
        %add3A_297 = arith.constant 32 : i32
        %add3A_298 = vector.broadcast %add3A_297 : i32 to vector<16xi32>
        %add3A_299 = arith.addi %add3A_298, %iota3A : vector<16xi32>
        %jit3A_300 = arith.constant 1073741824 : i32
        %broadcast_in_dim3A_301 = vector.broadcast %jit3A_300 : i32 to vector<16xi32>
        %select_n3A_302 = arith.select %eq3A_296, %add3A_299, %broadcast_in_dim3A_301 : vector<16xi1>, vector<16xi32>
        %min3A_303 = arith.minsi %min3A_292, %select_n3A_302 : vector<16xi32>
        %get3A_304 = arith.constant 48 : index
        %get3A_305 = tpu.vector_load %arg8[%get3A_304] {strides = array<i32>} : memref<784xf32, #tpu.memory_space<vmem>>, vector<16xf32>,
        %get3A_306 = vector.shape_cast %get3A_305 : vector<16xf32> to vector<16xf32>
        %eq3A_307 = arith.cmpf oeq, %get3A_306, %min3A_271 : vector<16xf32>
        %add3A_308 = arith.constant 48 : i32
        %add3A_309 = vector.broadcast %add3A_308 : i32 to vector<16xi32>
        %add3A_310 = arith.addi %add3A_309, %iota3A : vector<16xi32>
        %jit3A_311 = arith.constant 1073741824 : i32
        %broadcast_in_dim3A_312 = vector.broadcast %jit3A_311 : i32 to vector<16xi32>
        %select_n3A_313 = arith.select %eq3A_307, %add3A_310, %broadcast_in_dim3A_312 : vector<16xi1>, vector<16xi32>
        %min3A_314 = arith.minsi %min3A_303, %select_n3A_313 : vector<16xi32>
        %get3A_315 = arith.constant 64 : index
        %get3A_316 = tpu.vector_load %arg8[%get3A_315] {strides = array<i32>} : memref<784xf32, #tpu.memory_space<vmem>>, vector<16xf32>,
        %get3A_317 = vector.shape_cast %get3A_316 : vector<16xf32> to vector<16xf32>
        %eq3A_318 = arith.cmpf oeq, %get3A_317, %min3A_271 : vector<16xf32>
        %add3A_319 = arith.constant 64 : i32
        %add3A_320 = vector.broadcast %add3A_319 : i32 to vector<16xi32>
        %add3A_321 = arith.addi %add3A_320, %iota3A : vector<16xi32>
        %jit3A_322 = arith.constant 1073741824 : i32
        %broadcast_in_dim3A_323 = vector.broadcast %jit3A_322 : i32 to vector<16xi32>
        %select_n3A_324 = arith.select %eq3A_318, %add3A_321, %broadcast_in_dim3A_323 : vector<16xi1>, vector<16xi32>
        %min3A_325 = arith.minsi %min3A_314, %select_n3A_324 : vector<16xi32>
        %get3A_326 = arith.constant 80 : index
        %get3A_327 = tpu.vector_load %arg8[%get3A_326] {strides = array<i32>} : memref<784xf32, #tpu.memory_space<vmem>>, vector<16xf32>,
        %get3A_328 = vector.shape_cast %get3A_327 : vector<16xf32> to vector<16xf32>
        %eq3A_329 = arith.cmpf oeq, %get3A_328, %min3A_271 : vector<16xf32>
        %add3A_330 = arith.constant 80 : i32
        %add3A_331 = vector.broadcast %add3A_330 : i32 to vector<16xi32>
        %add3A_332 = arith.addi %add3A_331, %iota3A : vector<16xi32>
        %jit3A_333 = arith.constant 1073741824 : i32
        %broadcast_in_dim3A_334 = vector.broadcast %jit3A_333 : i32 to vector<16xi32>
        %select_n3A_335 = arith.select %eq3A_329, %add3A_332, %broadcast_in_dim3A_334 : vector<16xi1>, vector<16xi32>
        %min3A_336 = arith.minsi %min3A_325, %select_n3A_335 : vector<16xi32>
        %get3A_337 = arith.constant 96 : index
        %get3A_338 = tpu.vector_load %arg8[%get3A_337] {strides = array<i32>} : memref<784xf32, #tpu.memory_space<vmem>>, vector<16xf32>,
        %get3A_339 = vector.shape_cast %get3A_338 : vector<16xf32> to vector<16xf32>
        %eq3A_340 = arith.cmpf oeq, %get3A_339, %min3A_271 : vector<16xf32>
        %add3A_341 = arith.constant 96 : i32
        %add3A_342 = vector.broadcast %add3A_341 : i32 to vector<16xi32>
        %add3A_343 = arith.addi %add3A_342, %iota3A : vector<16xi32>
        %jit3A_344 = arith.constant 1073741824 : i32
        %broadcast_in_dim3A_345 = vector.broadcast %jit3A_344 : i32 to vector<16xi32>
        %select_n3A_346 = arith.select %eq3A_340, %add3A_343, %broadcast_in_dim3A_345 : vector<16xi1>, vector<16xi32>
        %min3A_347 = arith.minsi %min3A_336, %select_n3A_346 : vector<16xi32>
        %get3A_348 = arith.constant 112 : index
        %get3A_349 = tpu.vector_load %arg8[%get3A_348] {strides = array<i32>} : memref<784xf32, #tpu.memory_space<vmem>>, vector<16xf32>,
        %get3A_350 = vector.shape_cast %get3A_349 : vector<16xf32> to vector<16xf32>
        %eq3A_351 = arith.cmpf oeq, %get3A_350, %min3A_271 : vector<16xf32>
        %add3A_352 = arith.constant 112 : i32
        %add3A_353 = vector.broadcast %add3A_352 : i32 to vector<16xi32>
        %add3A_354 = arith.addi %add3A_353, %iota3A : vector<16xi32>
        %jit3A_355 = arith.constant 1073741824 : i32
        %broadcast_in_dim3A_356 = vector.broadcast %jit3A_355 : i32 to vector<16xi32>
        %select_n3A_357 = arith.select %eq3A_351, %add3A_354, %broadcast_in_dim3A_356 : vector<16xi1>, vector<16xi32>
        %min3A_358 = arith.minsi %min3A_347, %select_n3A_357 : vector<16xi32>
        %get3A_359 = arith.constant 128 : index
        %get3A_360 = tpu.vector_load %arg8[%get3A_359] {strides = array<i32>} : memref<784xf32, #tpu.memory_space<vmem>>, vector<16xf32>,
        %get3A_361 = vector.shape_cast %get3A_360 : vector<16xf32> to vector<16xf32>
        %eq3A_362 = arith.cmpf oeq, %get3A_361, %min3A_271 : vector<16xf32>
        %add3A_363 = arith.constant 128 : i32
        %add3A_364 = vector.broadcast %add3A_363 : i32 to vector<16xi32>
        %add3A_365 = arith.addi %add3A_364, %iota3A : vector<16xi32>
        %jit3A_366 = arith.constant 1073741824 : i32
        %broadcast_in_dim3A_367 = vector.broadcast %jit3A_366 : i32 to vector<16xi32>
        %select_n3A_368 = arith.select %eq3A_362, %add3A_365, %broadcast_in_dim3A_367 : vector<16xi1>, vector<16xi32>
        %min3A_369 = arith.minsi %min3A_358, %select_n3A_368 : vector<16xi32>
        %get3A_370 = arith.constant 144 : index
        %get3A_371 = tpu.vector_load %arg8[%get3A_370] {strides = array<i32>} : memref<784xf32, #tpu.memory_space<vmem>>, vector<16xf32>,
        %get3A_372 = vector.shape_cast %get3A_371 : vector<16xf32> to vector<16xf32>
        %eq3A_373 = arith.cmpf oeq, %get3A_372, %min3A_271 : vector<16xf32>
        %add3A_374 = arith.constant 144 : i32
        %add3A_375 = vector.broadcast %add3A_374 : i32 to vector<16xi32>
        %add3A_376 = arith.addi %add3A_375, %iota3A : vector<16xi32>
        %jit3A_377 = arith.constant 1073741824 : i32
        %broadcast_in_dim3A_378 = vector.broadcast %jit3A_377 : i32 to vector<16xi32>
        %select_n3A_379 = arith.select %eq3A_373, %add3A_376, %broadcast_in_dim3A_378 : vector<16xi1>, vector<16xi32>
        %min3A_380 = arith.minsi %min3A_369, %select_n3A_379 : vector<16xi32>
        %get3A_381 = arith.constant 160 : index
        %get3A_382 = tpu.vector_load %arg8[%get3A_381] {strides = array<i32>} : memref<784xf32, #tpu.memory_space<vmem>>, vector<16xf32>,
        %get3A_383 = vector.shape_cast %get3A_382 : vector<16xf32> to vector<16xf32>
        %eq3A_384 = arith.cmpf oeq, %get3A_383, %min3A_271 : vector<16xf32>
        %add3A_385 = arith.constant 160 : i32
        %add3A_386 = vector.broadcast %add3A_385 : i32 to vector<16xi32>
        %add3A_387 = arith.addi %add3A_386, %iota3A : vector<16xi32>
        %jit3A_388 = arith.constant 1073741824 : i32
        %broadcast_in_dim3A_389 = vector.broadcast %jit3A_388 : i32 to vector<16xi32>
        %select_n3A_390 = arith.select %eq3A_384, %add3A_387, %broadcast_in_dim3A_389 : vector<16xi1>, vector<16xi32>
        %min3A_391 = arith.minsi %min3A_380, %select_n3A_390 : vector<16xi32>
        %get3A_392 = arith.constant 176 : index
        %get3A_393 = tpu.vector_load %arg8[%get3A_392] {strides = array<i32>} : memref<784xf32, #tpu.memory_space<vmem>>, vector<16xf32>,
        %get3A_394 = vector.shape_cast %get3A_393 : vector<16xf32> to vector<16xf32>
        %eq3A_395 = arith.cmpf oeq, %get3A_394, %min3A_271 : vector<16xf32>
        %add3A_396 = arith.constant 176 : i32
        %add3A_397 = vector.broadcast %add3A_396 : i32 to vector<16xi32>
        %add3A_398 = arith.addi %add3A_397, %iota3A : vector<16xi32>
        %jit3A_399 = arith.constant 1073741824 : i32
        %broadcast_in_dim3A_400 = vector.broadcast %jit3A_399 : i32 to vector<16xi32>
        %select_n3A_401 = arith.select %eq3A_395, %add3A_398, %broadcast_in_dim3A_400 : vector<16xi1>, vector<16xi32>
        %min3A_402 = arith.minsi %min3A_391, %select_n3A_401 : vector<16xi32>
        %get3A_403 = arith.constant 192 : index
        %get3A_404 = tpu.vector_load %arg8[%get3A_403] {strides = array<i32>} : memref<784xf32, #tpu.memory_space<vmem>>, vector<16xf32>,
        %get3A_405 = vector.shape_cast %get3A_404 : vector<16xf32> to vector<16xf32>
        %eq3A_406 = arith.cmpf oeq, %get3A_405, %min3A_271 : vector<16xf32>
        %add3A_407 = arith.constant 192 : i32
        %add3A_408 = vector.broadcast %add3A_407 : i32 to vector<16xi32>
        %add3A_409 = arith.addi %add3A_408, %iota3A : vector<16xi32>
        %jit3A_410 = arith.constant 1073741824 : i32
        %broadcast_in_dim3A_411 = vector.broadcast %jit3A_410 : i32 to vector<16xi32>
        %select_n3A_412 = arith.select %eq3A_406, %add3A_409, %broadcast_in_dim3A_411 : vector<16xi1>, vector<16xi32>
        %min3A_413 = arith.minsi %min3A_402, %select_n3A_412 : vector<16xi32>
        %get3A_414 = arith.constant 208 : index
        %get3A_415 = tpu.vector_load %arg8[%get3A_414] {strides = array<i32>} : memref<784xf32, #tpu.memory_space<vmem>>, vector<16xf32>,
        %get3A_416 = vector.shape_cast %get3A_415 : vector<16xf32> to vector<16xf32>
        %eq3A_417 = arith.cmpf oeq, %get3A_416, %min3A_271 : vector<16xf32>
        %add3A_418 = arith.constant 208 : i32
        %add3A_419 = vector.broadcast %add3A_418 : i32 to vector<16xi32>
        %add3A_420 = arith.addi %add3A_419, %iota3A : vector<16xi32>
        %jit3A_421 = arith.constant 1073741824 : i32
        %broadcast_in_dim3A_422 = vector.broadcast %jit3A_421 : i32 to vector<16xi32>
        %select_n3A_423 = arith.select %eq3A_417, %add3A_420, %broadcast_in_dim3A_422 : vector<16xi1>, vector<16xi32>
        %min3A_424 = arith.minsi %min3A_413, %select_n3A_423 : vector<16xi32>
        %get3A_425 = arith.constant 224 : index
        %get3A_426 = tpu.vector_load %arg8[%get3A_425] {strides = array<i32>} : memref<784xf32, #tpu.memory_space<vmem>>, vector<16xf32>,
        %get3A_427 = vector.shape_cast %get3A_426 : vector<16xf32> to vector<16xf32>
        %eq3A_428 = arith.cmpf oeq, %get3A_427, %min3A_271 : vector<16xf32>
        %add3A_429 = arith.constant 224 : i32
        %add3A_430 = vector.broadcast %add3A_429 : i32 to vector<16xi32>
        %add3A_431 = arith.addi %add3A_430, %iota3A : vector<16xi32>
        %jit3A_432 = arith.constant 1073741824 : i32
        %broadcast_in_dim3A_433 = vector.broadcast %jit3A_432 : i32 to vector<16xi32>
        %select_n3A_434 = arith.select %eq3A_428, %add3A_431, %broadcast_in_dim3A_433 : vector<16xi1>, vector<16xi32>
        %min3A_435 = arith.minsi %min3A_424, %select_n3A_434 : vector<16xi32>
        %get3A_436 = arith.constant 240 : index
        %get3A_437 = tpu.vector_load %arg8[%get3A_436] {strides = array<i32>} : memref<784xf32, #tpu.memory_space<vmem>>, vector<16xf32>,
        %get3A_438 = vector.shape_cast %get3A_437 : vector<16xf32> to vector<16xf32>
        %eq3A_439 = arith.cmpf oeq, %get3A_438, %min3A_271 : vector<16xf32>
        %add3A_440 = arith.constant 240 : i32
        %add3A_441 = vector.broadcast %add3A_440 : i32 to vector<16xi32>
        %add3A_442 = arith.addi %add3A_441, %iota3A : vector<16xi32>
        %jit3A_443 = arith.constant 1073741824 : i32
        %broadcast_in_dim3A_444 = vector.broadcast %jit3A_443 : i32 to vector<16xi32>
        %select_n3A_445 = arith.select %eq3A_439, %add3A_442, %broadcast_in_dim3A_444 : vector<16xi1>, vector<16xi32>
        %min3A_446 = arith.minsi %min3A_435, %select_n3A_445 : vector<16xi32>
        %get3A_447 = arith.constant 256 : index
        %get3A_448 = tpu.vector_load %arg8[%get3A_447] {strides = array<i32>} : memref<784xf32, #tpu.memory_space<vmem>>, vector<16xf32>,
        %get3A_449 = vector.shape_cast %get3A_448 : vector<16xf32> to vector<16xf32>
        %eq3A_450 = arith.cmpf oeq, %get3A_449, %min3A_271 : vector<16xf32>
        %add3A_451 = arith.constant 256 : i32
        %add3A_452 = vector.broadcast %add3A_451 : i32 to vector<16xi32>
        %add3A_453 = arith.addi %add3A_452, %iota3A : vector<16xi32>
        %jit3A_454 = arith.constant 1073741824 : i32
        %broadcast_in_dim3A_455 = vector.broadcast %jit3A_454 : i32 to vector<16xi32>
        %select_n3A_456 = arith.select %eq3A_450, %add3A_453, %broadcast_in_dim3A_455 : vector<16xi1>, vector<16xi32>
        %min3A_457 = arith.minsi %min3A_446, %select_n3A_456 : vector<16xi32>
        %get3A_458 = arith.constant 272 : index
        %get3A_459 = tpu.vector_load %arg8[%get3A_458] {strides = array<i32>} : memref<784xf32, #tpu.memory_space<vmem>>, vector<16xf32>,
        %get3A_460 = vector.shape_cast %get3A_459 : vector<16xf32> to vector<16xf32>
        %eq3A_461 = arith.cmpf oeq, %get3A_460, %min3A_271 : vector<16xf32>
        %add3A_462 = arith.constant 272 : i32
        %add3A_463 = vector.broadcast %add3A_462 : i32 to vector<16xi32>
        %add3A_464 = arith.addi %add3A_463, %iota3A : vector<16xi32>
        %jit3A_465 = arith.constant 1073741824 : i32
        %broadcast_in_dim3A_466 = vector.broadcast %jit3A_465 : i32 to vector<16xi32>
        %select_n3A_467 = arith.select %eq3A_461, %add3A_464, %broadcast_in_dim3A_466 : vector<16xi1>, vector<16xi32>
        %min3A_468 = arith.minsi %min3A_457, %select_n3A_467 : vector<16xi32>
        %get3A_469 = arith.constant 288 : index
        %get3A_470 = tpu.vector_load %arg8[%get3A_469] {strides = array<i32>} : memref<784xf32, #tpu.memory_space<vmem>>, vector<16xf32>,
        %get3A_471 = vector.shape_cast %get3A_470 : vector<16xf32> to vector<16xf32>
        %eq3A_472 = arith.cmpf oeq, %get3A_471, %min3A_271 : vector<16xf32>
        %add3A_473 = arith.constant 288 : i32
        %add3A_474 = vector.broadcast %add3A_473 : i32 to vector<16xi32>
        %add3A_475 = arith.addi %add3A_474, %iota3A : vector<16xi32>
        %jit3A_476 = arith.constant 1073741824 : i32
        %broadcast_in_dim3A_477 = vector.broadcast %jit3A_476 : i32 to vector<16xi32>
        %select_n3A_478 = arith.select %eq3A_472, %add3A_475, %broadcast_in_dim3A_477 : vector<16xi1>, vector<16xi32>
        %min3A_479 = arith.minsi %min3A_468, %select_n3A_478 : vector<16xi32>
        %get3A_480 = arith.constant 304 : index
        %get3A_481 = tpu.vector_load %arg8[%get3A_480] {strides = array<i32>} : memref<784xf32, #tpu.memory_space<vmem>>, vector<16xf32>,
        %get3A_482 = vector.shape_cast %get3A_481 : vector<16xf32> to vector<16xf32>
        %eq3A_483 = arith.cmpf oeq, %get3A_482, %min3A_271 : vector<16xf32>
        %add3A_484 = arith.constant 304 : i32
        %add3A_485 = vector.broadcast %add3A_484 : i32 to vector<16xi32>
        %add3A_486 = arith.addi %add3A_485, %iota3A : vector<16xi32>
        %jit3A_487 = arith.constant 1073741824 : i32
        %broadcast_in_dim3A_488 = vector.broadcast %jit3A_487 : i32 to vector<16xi32>
        %select_n3A_489 = arith.select %eq3A_483, %add3A_486, %broadcast_in_dim3A_488 : vector<16xi1>, vector<16xi32>
        %min3A_490 = arith.minsi %min3A_479, %select_n3A_489 : vector<16xi32>
        %get3A_491 = arith.constant 320 : index
        %get3A_492 = tpu.vector_load %arg8[%get3A_491] {strides = array<i32>} : memref<784xf32, #tpu.memory_space<vmem>>, vector<16xf32>,
        %get3A_493 = vector.shape_cast %get3A_492 : vector<16xf32> to vector<16xf32>
        %eq3A_494 = arith.cmpf oeq, %get3A_493, %min3A_271 : vector<16xf32>
        %add3A_495 = arith.constant 320 : i32
        %add3A_496 = vector.broadcast %add3A_495 : i32 to vector<16xi32>
        %add3A_497 = arith.addi %add3A_496, %iota3A : vector<16xi32>
        %jit3A_498 = arith.constant 1073741824 : i32
        %broadcast_in_dim3A_499 = vector.broadcast %jit3A_498 : i32 to vector<16xi32>
        %select_n3A_500 = arith.select %eq3A_494, %add3A_497, %broadcast_in_dim3A_499 : vector<16xi1>, vector<16xi32>
        %min3A_501 = arith.minsi %min3A_490, %select_n3A_500 : vector<16xi32>
        %get3A_502 = arith.constant 336 : index
        %get3A_503 = tpu.vector_load %arg8[%get3A_502] {strides = array<i32>} : memref<784xf32, #tpu.memory_space<vmem>>, vector<16xf32>,
        %get3A_504 = vector.shape_cast %get3A_503 : vector<16xf32> to vector<16xf32>
        %eq3A_505 = arith.cmpf oeq, %get3A_504, %min3A_271 : vector<16xf32>
        %add3A_506 = arith.constant 336 : i32
        %add3A_507 = vector.broadcast %add3A_506 : i32 to vector<16xi32>
        %add3A_508 = arith.addi %add3A_507, %iota3A : vector<16xi32>
        %jit3A_509 = arith.constant 1073741824 : i32
        %broadcast_in_dim3A_510 = vector.broadcast %jit3A_509 : i32 to vector<16xi32>
        %select_n3A_511 = arith.select %eq3A_505, %add3A_508, %broadcast_in_dim3A_510 : vector<16xi1>, vector<16xi32>
        %min3A_512 = arith.minsi %min3A_501, %select_n3A_511 : vector<16xi32>
        %get3A_513 = arith.constant 352 : index
        %get3A_514 = tpu.vector_load %arg8[%get3A_513] {strides = array<i32>} : memref<784xf32, #tpu.memory_space<vmem>>, vector<16xf32>,
        %get3A_515 = vector.shape_cast %get3A_514 : vector<16xf32> to vector<16xf32>
        %eq3A_516 = arith.cmpf oeq, %get3A_515, %min3A_271 : vector<16xf32>
        %add3A_517 = arith.constant 352 : i32
        %add3A_518 = vector.broadcast %add3A_517 : i32 to vector<16xi32>
        %add3A_519 = arith.addi %add3A_518, %iota3A : vector<16xi32>
        %jit3A_520 = arith.constant 1073741824 : i32
        %broadcast_in_dim3A_521 = vector.broadcast %jit3A_520 : i32 to vector<16xi32>
        %select_n3A_522 = arith.select %eq3A_516, %add3A_519, %broadcast_in_dim3A_521 : vector<16xi1>, vector<16xi32>
        %min3A_523 = arith.minsi %min3A_512, %select_n3A_522 : vector<16xi32>
        %get3A_524 = arith.constant 368 : index
        %get3A_525 = tpu.vector_load %arg8[%get3A_524] {strides = array<i32>} : memref<784xf32, #tpu.memory_space<vmem>>, vector<16xf32>,
        %get3A_526 = vector.shape_cast %get3A_525 : vector<16xf32> to vector<16xf32>
        %eq3A_527 = arith.cmpf oeq, %get3A_526, %min3A_271 : vector<16xf32>
        %add3A_528 = arith.constant 368 : i32
        %add3A_529 = vector.broadcast %add3A_528 : i32 to vector<16xi32>
        %add3A_530 = arith.addi %add3A_529, %iota3A : vector<16xi32>
        %jit3A_531 = arith.constant 1073741824 : i32
        %broadcast_in_dim3A_532 = vector.broadcast %jit3A_531 : i32 to vector<16xi32>
        %select_n3A_533 = arith.select %eq3A_527, %add3A_530, %broadcast_in_dim3A_532 : vector<16xi1>, vector<16xi32>
        %min3A_534 = arith.minsi %min3A_523, %select_n3A_533 : vector<16xi32>
        %get3A_535 = arith.constant 384 : index
        %get3A_536 = tpu.vector_load %arg8[%get3A_535] {strides = array<i32>} : memref<784xf32, #tpu.memory_space<vmem>>, vector<16xf32>,
        %get3A_537 = vector.shape_cast %get3A_536 : vector<16xf32> to vector<16xf32>
        %eq3A_538 = arith.cmpf oeq, %get3A_537, %min3A_271 : vector<16xf32>
        %add3A_539 = arith.constant 384 : i32
        %add3A_540 = vector.broadcast %add3A_539 : i32 to vector<16xi32>
        %add3A_541 = arith.addi %add3A_540, %iota3A : vector<16xi32>
        %jit3A_542 = arith.constant 1073741824 : i32
        %broadcast_in_dim3A_543 = vector.broadcast %jit3A_542 : i32 to vector<16xi32>
        %select_n3A_544 = arith.select %eq3A_538, %add3A_541, %broadcast_in_dim3A_543 : vector<16xi1>, vector<16xi32>
        %min3A_545 = arith.minsi %min3A_534, %select_n3A_544 : vector<16xi32>
        %get3A_546 = arith.constant 400 : index
        %get3A_547 = tpu.vector_load %arg8[%get3A_546] {strides = array<i32>} : memref<784xf32, #tpu.memory_space<vmem>>, vector<16xf32>,
        %get3A_548 = vector.shape_cast %get3A_547 : vector<16xf32> to vector<16xf32>
        %eq3A_549 = arith.cmpf oeq, %get3A_548, %min3A_271 : vector<16xf32>
        %add3A_550 = arith.constant 400 : i32
        %add3A_551 = vector.broadcast %add3A_550 : i32 to vector<16xi32>
        %add3A_552 = arith.addi %add3A_551, %iota3A : vector<16xi32>
        %jit3A_553 = arith.constant 1073741824 : i32
        %broadcast_in_dim3A_554 = vector.broadcast %jit3A_553 : i32 to vector<16xi32>
        %select_n3A_555 = arith.select %eq3A_549, %add3A_552, %broadcast_in_dim3A_554 : vector<16xi1>, vector<16xi32>
        %min3A_556 = arith.minsi %min3A_545, %select_n3A_555 : vector<16xi32>
        %get3A_557 = arith.constant 416 : index
        %get3A_558 = tpu.vector_load %arg8[%get3A_557] {strides = array<i32>} : memref<784xf32, #tpu.memory_space<vmem>>, vector<16xf32>,
        %get3A_559 = vector.shape_cast %get3A_558 : vector<16xf32> to vector<16xf32>
        %eq3A_560 = arith.cmpf oeq, %get3A_559, %min3A_271 : vector<16xf32>
        %add3A_561 = arith.constant 416 : i32
        %add3A_562 = vector.broadcast %add3A_561 : i32 to vector<16xi32>
        %add3A_563 = arith.addi %add3A_562, %iota3A : vector<16xi32>
        %jit3A_564 = arith.constant 1073741824 : i32
        %broadcast_in_dim3A_565 = vector.broadcast %jit3A_564 : i32 to vector<16xi32>
        %select_n3A_566 = arith.select %eq3A_560, %add3A_563, %broadcast_in_dim3A_565 : vector<16xi1>, vector<16xi32>
        %min3A_567 = arith.minsi %min3A_556, %select_n3A_566 : vector<16xi32>
        %get3A_568 = arith.constant 432 : index
        %get3A_569 = tpu.vector_load %arg8[%get3A_568] {strides = array<i32>} : memref<784xf32, #tpu.memory_space<vmem>>, vector<16xf32>,
        %get3A_570 = vector.shape_cast %get3A_569 : vector<16xf32> to vector<16xf32>
        %eq3A_571 = arith.cmpf oeq, %get3A_570, %min3A_271 : vector<16xf32>
        %add3A_572 = arith.constant 432 : i32
        %add3A_573 = vector.broadcast %add3A_572 : i32 to vector<16xi32>
        %add3A_574 = arith.addi %add3A_573, %iota3A : vector<16xi32>
        %jit3A_575 = arith.constant 1073741824 : i32
        %broadcast_in_dim3A_576 = vector.broadcast %jit3A_575 : i32 to vector<16xi32>
        %select_n3A_577 = arith.select %eq3A_571, %add3A_574, %broadcast_in_dim3A_576 : vector<16xi1>, vector<16xi32>
        %min3A_578 = arith.minsi %min3A_567, %select_n3A_577 : vector<16xi32>
        %get3A_579 = arith.constant 448 : index
        %get3A_580 = tpu.vector_load %arg8[%get3A_579] {strides = array<i32>} : memref<784xf32, #tpu.memory_space<vmem>>, vector<16xf32>,
        %get3A_581 = vector.shape_cast %get3A_580 : vector<16xf32> to vector<16xf32>
        %eq3A_582 = arith.cmpf oeq, %get3A_581, %min3A_271 : vector<16xf32>
        %add3A_583 = arith.constant 448 : i32
        %add3A_584 = vector.broadcast %add3A_583 : i32 to vector<16xi32>
        %add3A_585 = arith.addi %add3A_584, %iota3A : vector<16xi32>
        %jit3A_586 = arith.constant 1073741824 : i32
        %broadcast_in_dim3A_587 = vector.broadcast %jit3A_586 : i32 to vector<16xi32>
        %select_n3A_588 = arith.select %eq3A_582, %add3A_585, %broadcast_in_dim3A_587 : vector<16xi1>, vector<16xi32>
        %min3A_589 = arith.minsi %min3A_578, %select_n3A_588 : vector<16xi32>
        %get3A_590 = arith.constant 464 : index
        %get3A_591 = tpu.vector_load %arg8[%get3A_590] {strides = array<i32>} : memref<784xf32, #tpu.memory_space<vmem>>, vector<16xf32>,
        %get3A_592 = vector.shape_cast %get3A_591 : vector<16xf32> to vector<16xf32>
        %eq3A_593 = arith.cmpf oeq, %get3A_592, %min3A_271 : vector<16xf32>
        %add3A_594 = arith.constant 464 : i32
        %add3A_595 = vector.broadcast %add3A_594 : i32 to vector<16xi32>
        %add3A_596 = arith.addi %add3A_595, %iota3A : vector<16xi32>
        %jit3A_597 = arith.constant 1073741824 : i32
        %broadcast_in_dim3A_598 = vector.broadcast %jit3A_597 : i32 to vector<16xi32>
        %select_n3A_599 = arith.select %eq3A_593, %add3A_596, %broadcast_in_dim3A_598 : vector<16xi1>, vector<16xi32>
        %min3A_600 = arith.minsi %min3A_589, %select_n3A_599 : vector<16xi32>
        %get3A_601 = arith.constant 480 : index
        %get3A_602 = tpu.vector_load %arg8[%get3A_601] {strides = array<i32>} : memref<784xf32, #tpu.memory_space<vmem>>, vector<16xf32>,
        %get3A_603 = vector.shape_cast %get3A_602 : vector<16xf32> to vector<16xf32>
        %eq3A_604 = arith.cmpf oeq, %get3A_603, %min3A_271 : vector<16xf32>
        %add3A_605 = arith.constant 480 : i32
        %add3A_606 = vector.broadcast %add3A_605 : i32 to vector<16xi32>
        %add3A_607 = arith.addi %add3A_606, %iota3A : vector<16xi32>
        %jit3A_608 = arith.constant 1073741824 : i32
        %broadcast_in_dim3A_609 = vector.broadcast %jit3A_608 : i32 to vector<16xi32>
        %select_n3A_610 = arith.select %eq3A_604, %add3A_607, %broadcast_in_dim3A_609 : vector<16xi1>, vector<16xi32>
        %min3A_611 = arith.minsi %min3A_600, %select_n3A_610 : vector<16xi32>
        %get3A_612 = arith.constant 496 : index
        %get3A_613 = tpu.vector_load %arg8[%get3A_612] {strides = array<i32>} : memref<784xf32, #tpu.memory_space<vmem>>, vector<16xf32>,
        %get3A_614 = vector.shape_cast %get3A_613 : vector<16xf32> to vector<16xf32>
        %eq3A_615 = arith.cmpf oeq, %get3A_614, %min3A_271 : vector<16xf32>
        %add3A_616 = arith.constant 496 : i32
        %add3A_617 = vector.broadcast %add3A_616 : i32 to vector<16xi32>
        %add3A_618 = arith.addi %add3A_617, %iota3A : vector<16xi32>
        %jit3A_619 = arith.constant 1073741824 : i32
        %broadcast_in_dim3A_620 = vector.broadcast %jit3A_619 : i32 to vector<16xi32>
        %select_n3A_621 = arith.select %eq3A_615, %add3A_618, %broadcast_in_dim3A_620 : vector<16xi1>, vector<16xi32>
        %min3A_622 = arith.minsi %min3A_611, %select_n3A_621 : vector<16xi32>
        %get3A_623 = arith.constant 512 : index
        %get3A_624 = tpu.vector_load %arg8[%get3A_623] {strides = array<i32>} : memref<784xf32, #tpu.memory_space<vmem>>, vector<16xf32>,
        %get3A_625 = vector.shape_cast %get3A_624 : vector<16xf32> to vector<16xf32>
        %eq3A_626 = arith.cmpf oeq, %get3A_625, %min3A_271 : vector<16xf32>
        %add3A_627 = arith.constant 512 : i32
        %add3A_628 = vector.broadcast %add3A_627 : i32 to vector<16xi32>
        %add3A_629 = arith.addi %add3A_628, %iota3A : vector<16xi32>
        %jit3A_630 = arith.constant 1073741824 : i32
        %broadcast_in_dim3A_631 = vector.broadcast %jit3A_630 : i32 to vector<16xi32>
        %select_n3A_632 = arith.select %eq3A_626, %add3A_629, %broadcast_in_dim3A_631 : vector<16xi1>, vector<16xi32>
        %min3A_633 = arith.minsi %min3A_622, %select_n3A_632 : vector<16xi32>
        %get3A_634 = arith.constant 528 : index
        %get3A_635 = tpu.vector_load %arg8[%get3A_634] {strides = array<i32>} : memref<784xf32, #tpu.memory_space<vmem>>, vector<16xf32>,
        %get3A_636 = vector.shape_cast %get3A_635 : vector<16xf32> to vector<16xf32>
        %eq3A_637 = arith.cmpf oeq, %get3A_636, %min3A_271 : vector<16xf32>
        %add3A_638 = arith.constant 528 : i32
        %add3A_639 = vector.broadcast %add3A_638 : i32 to vector<16xi32>
        %add3A_640 = arith.addi %add3A_639, %iota3A : vector<16xi32>
        %jit3A_641 = arith.constant 1073741824 : i32
        %broadcast_in_dim3A_642 = vector.broadcast %jit3A_641 : i32 to vector<16xi32>
        %select_n3A_643 = arith.select %eq3A_637, %add3A_640, %broadcast_in_dim3A_642 : vector<16xi1>, vector<16xi32>
        %min3A_644 = arith.minsi %min3A_633, %select_n3A_643 : vector<16xi32>
        %get3A_645 = arith.constant 544 : index
        %get3A_646 = tpu.vector_load %arg8[%get3A_645] {strides = array<i32>} : memref<784xf32, #tpu.memory_space<vmem>>, vector<16xf32>,
        %get3A_647 = vector.shape_cast %get3A_646 : vector<16xf32> to vector<16xf32>
        %eq3A_648 = arith.cmpf oeq, %get3A_647, %min3A_271 : vector<16xf32>
        %add3A_649 = arith.constant 544 : i32
        %add3A_650 = vector.broadcast %add3A_649 : i32 to vector<16xi32>
        %add3A_651 = arith.addi %add3A_650, %iota3A : vector<16xi32>
        %jit3A_652 = arith.constant 1073741824 : i32
        %broadcast_in_dim3A_653 = vector.broadcast %jit3A_652 : i32 to vector<16xi32>
        %select_n3A_654 = arith.select %eq3A_648, %add3A_651, %broadcast_in_dim3A_653 : vector<16xi1>, vector<16xi32>
        %min3A_655 = arith.minsi %min3A_644, %select_n3A_654 : vector<16xi32>
        %get3A_656 = arith.constant 560 : index
        %get3A_657 = tpu.vector_load %arg8[%get3A_656] {strides = array<i32>} : memref<784xf32, #tpu.memory_space<vmem>>, vector<16xf32>,
        %get3A_658 = vector.shape_cast %get3A_657 : vector<16xf32> to vector<16xf32>
        %eq3A_659 = arith.cmpf oeq, %get3A_658, %min3A_271 : vector<16xf32>
        %add3A_660 = arith.constant 560 : i32
        %add3A_661 = vector.broadcast %add3A_660 : i32 to vector<16xi32>
        %add3A_662 = arith.addi %add3A_661, %iota3A : vector<16xi32>
        %jit3A_663 = arith.constant 1073741824 : i32
        %broadcast_in_dim3A_664 = vector.broadcast %jit3A_663 : i32 to vector<16xi32>
        %select_n3A_665 = arith.select %eq3A_659, %add3A_662, %broadcast_in_dim3A_664 : vector<16xi1>, vector<16xi32>
        %min3A_666 = arith.minsi %min3A_655, %select_n3A_665 : vector<16xi32>
        %get3A_667 = arith.constant 576 : index
        %get3A_668 = tpu.vector_load %arg8[%get3A_667] {strides = array<i32>} : memref<784xf32, #tpu.memory_space<vmem>>, vector<16xf32>,
        %get3A_669 = vector.shape_cast %get3A_668 : vector<16xf32> to vector<16xf32>
        %eq3A_670 = arith.cmpf oeq, %get3A_669, %min3A_271 : vector<16xf32>
        %add3A_671 = arith.constant 576 : i32
        %add3A_672 = vector.broadcast %add3A_671 : i32 to vector<16xi32>
        %add3A_673 = arith.addi %add3A_672, %iota3A : vector<16xi32>
        %jit3A_674 = arith.constant 1073741824 : i32
        %broadcast_in_dim3A_675 = vector.broadcast %jit3A_674 : i32 to vector<16xi32>
        %select_n3A_676 = arith.select %eq3A_670, %add3A_673, %broadcast_in_dim3A_675 : vector<16xi1>, vector<16xi32>
        %min3A_677 = arith.minsi %min3A_666, %select_n3A_676 : vector<16xi32>
        %get3A_678 = arith.constant 592 : index
        %get3A_679 = tpu.vector_load %arg8[%get3A_678] {strides = array<i32>} : memref<784xf32, #tpu.memory_space<vmem>>, vector<16xf32>,
        %get3A_680 = vector.shape_cast %get3A_679 : vector<16xf32> to vector<16xf32>
        %eq3A_681 = arith.cmpf oeq, %get3A_680, %min3A_271 : vector<16xf32>
        %add3A_682 = arith.constant 592 : i32
        %add3A_683 = vector.broadcast %add3A_682 : i32 to vector<16xi32>
        %add3A_684 = arith.addi %add3A_683, %iota3A : vector<16xi32>
        %jit3A_685 = arith.constant 1073741824 : i32
        %broadcast_in_dim3A_686 = vector.broadcast %jit3A_685 : i32 to vector<16xi32>
        %select_n3A_687 = arith.select %eq3A_681, %add3A_684, %broadcast_in_dim3A_686 : vector<16xi1>, vector<16xi32>
        %min3A_688 = arith.minsi %min3A_677, %select_n3A_687 : vector<16xi32>
        %get3A_689 = arith.constant 608 : index
        %get3A_690 = tpu.vector_load %arg8[%get3A_689] {strides = array<i32>} : memref<784xf32, #tpu.memory_space<vmem>>, vector<16xf32>,
        %get3A_691 = vector.shape_cast %get3A_690 : vector<16xf32> to vector<16xf32>
        %eq3A_692 = arith.cmpf oeq, %get3A_691, %min3A_271 : vector<16xf32>
        %add3A_693 = arith.constant 608 : i32
        %add3A_694 = vector.broadcast %add3A_693 : i32 to vector<16xi32>
        %add3A_695 = arith.addi %add3A_694, %iota3A : vector<16xi32>
        %jit3A_696 = arith.constant 1073741824 : i32
        %broadcast_in_dim3A_697 = vector.broadcast %jit3A_696 : i32 to vector<16xi32>
        %select_n3A_698 = arith.select %eq3A_692, %add3A_695, %broadcast_in_dim3A_697 : vector<16xi1>, vector<16xi32>
        %min3A_699 = arith.minsi %min3A_688, %select_n3A_698 : vector<16xi32>
        %get3A_700 = arith.constant 624 : index
        %get3A_701 = tpu.vector_load %arg8[%get3A_700] {strides = array<i32>} : memref<784xf32, #tpu.memory_space<vmem>>, vector<16xf32>,
        %get3A_702 = vector.shape_cast %get3A_701 : vector<16xf32> to vector<16xf32>
        %eq3A_703 = arith.cmpf oeq, %get3A_702, %min3A_271 : vector<16xf32>
        %add3A_704 = arith.constant 624 : i32
        %add3A_705 = vector.broadcast %add3A_704 : i32 to vector<16xi32>
        %add3A_706 = arith.addi %add3A_705, %iota3A : vector<16xi32>
        %jit3A_707 = arith.constant 1073741824 : i32
        %broadcast_in_dim3A_708 = vector.broadcast %jit3A_707 : i32 to vector<16xi32>
        %select_n3A_709 = arith.select %eq3A_703, %add3A_706, %broadcast_in_dim3A_708 : vector<16xi1>, vector<16xi32>
        %min3A_710 = arith.minsi %min3A_699, %select_n3A_709 : vector<16xi32>
        %get3A_711 = arith.constant 640 : index
        %get3A_712 = tpu.vector_load %arg8[%get3A_711] {strides = array<i32>} : memref<784xf32, #tpu.memory_space<vmem>>, vector<16xf32>,
        %get3A_713 = vector.shape_cast %get3A_712 : vector<16xf32> to vector<16xf32>
        %eq3A_714 = arith.cmpf oeq, %get3A_713, %min3A_271 : vector<16xf32>
        %add3A_715 = arith.constant 640 : i32
        %add3A_716 = vector.broadcast %add3A_715 : i32 to vector<16xi32>
        %add3A_717 = arith.addi %add3A_716, %iota3A : vector<16xi32>
        %jit3A_718 = arith.constant 1073741824 : i32
        %broadcast_in_dim3A_719 = vector.broadcast %jit3A_718 : i32 to vector<16xi32>
        %select_n3A_720 = arith.select %eq3A_714, %add3A_717, %broadcast_in_dim3A_719 : vector<16xi1>, vector<16xi32>
        %min3A_721 = arith.minsi %min3A_710, %select_n3A_720 : vector<16xi32>
        %get3A_722 = arith.constant 656 : index
        %get3A_723 = tpu.vector_load %arg8[%get3A_722] {strides = array<i32>} : memref<784xf32, #tpu.memory_space<vmem>>, vector<16xf32>,
        %get3A_724 = vector.shape_cast %get3A_723 : vector<16xf32> to vector<16xf32>
        %eq3A_725 = arith.cmpf oeq, %get3A_724, %min3A_271 : vector<16xf32>
        %add3A_726 = arith.constant 656 : i32
        %add3A_727 = vector.broadcast %add3A_726 : i32 to vector<16xi32>
        %add3A_728 = arith.addi %add3A_727, %iota3A : vector<16xi32>
        %jit3A_729 = arith.constant 1073741824 : i32
        %broadcast_in_dim3A_730 = vector.broadcast %jit3A_729 : i32 to vector<16xi32>
        %select_n3A_731 = arith.select %eq3A_725, %add3A_728, %broadcast_in_dim3A_730 : vector<16xi1>, vector<16xi32>
        %min3A_732 = arith.minsi %min3A_721, %select_n3A_731 : vector<16xi32>
        %get3A_733 = arith.constant 672 : index
        %get3A_734 = tpu.vector_load %arg8[%get3A_733] {strides = array<i32>} : memref<784xf32, #tpu.memory_space<vmem>>, vector<16xf32>,
        %get3A_735 = vector.shape_cast %get3A_734 : vector<16xf32> to vector<16xf32>
        %eq3A_736 = arith.cmpf oeq, %get3A_735, %min3A_271 : vector<16xf32>
        %add3A_737 = arith.constant 672 : i32
        %add3A_738 = vector.broadcast %add3A_737 : i32 to vector<16xi32>
        %add3A_739 = arith.addi %add3A_738, %iota3A : vector<16xi32>
        %jit3A_740 = arith.constant 1073741824 : i32
        %broadcast_in_dim3A_741 = vector.broadcast %jit3A_740 : i32 to vector<16xi32>
        %select_n3A_742 = arith.select %eq3A_736, %add3A_739, %broadcast_in_dim3A_741 : vector<16xi1>, vector<16xi32>
        %min3A_743 = arith.minsi %min3A_732, %select_n3A_742 : vector<16xi32>
        %get3A_744 = arith.constant 688 : index
        %get3A_745 = tpu.vector_load %arg8[%get3A_744] {strides = array<i32>} : memref<784xf32, #tpu.memory_space<vmem>>, vector<16xf32>,
        %get3A_746 = vector.shape_cast %get3A_745 : vector<16xf32> to vector<16xf32>
        %eq3A_747 = arith.cmpf oeq, %get3A_746, %min3A_271 : vector<16xf32>
        %add3A_748 = arith.constant 688 : i32
        %add3A_749 = vector.broadcast %add3A_748 : i32 to vector<16xi32>
        %add3A_750 = arith.addi %add3A_749, %iota3A : vector<16xi32>
        %jit3A_751 = arith.constant 1073741824 : i32
        %broadcast_in_dim3A_752 = vector.broadcast %jit3A_751 : i32 to vector<16xi32>
        %select_n3A_753 = arith.select %eq3A_747, %add3A_750, %broadcast_in_dim3A_752 : vector<16xi1>, vector<16xi32>
        %min3A_754 = arith.minsi %min3A_743, %select_n3A_753 : vector<16xi32>
        %get3A_755 = arith.constant 704 : index
        %get3A_756 = tpu.vector_load %arg8[%get3A_755] {strides = array<i32>} : memref<784xf32, #tpu.memory_space<vmem>>, vector<16xf32>,
        %get3A_757 = vector.shape_cast %get3A_756 : vector<16xf32> to vector<16xf32>
        %eq3A_758 = arith.cmpf oeq, %get3A_757, %min3A_271 : vector<16xf32>
        %add3A_759 = arith.constant 704 : i32
        %add3A_760 = vector.broadcast %add3A_759 : i32 to vector<16xi32>
        %add3A_761 = arith.addi %add3A_760, %iota3A : vector<16xi32>
        %jit3A_762 = arith.constant 1073741824 : i32
        %broadcast_in_dim3A_763 = vector.broadcast %jit3A_762 : i32 to vector<16xi32>
        %select_n3A_764 = arith.select %eq3A_758, %add3A_761, %broadcast_in_dim3A_763 : vector<16xi1>, vector<16xi32>
        %min3A_765 = arith.minsi %min3A_754, %select_n3A_764 : vector<16xi32>
        %get3A_766 = arith.constant 720 : index
        %get3A_767 = tpu.vector_load %arg8[%get3A_766] {strides = array<i32>} : memref<784xf32, #tpu.memory_space<vmem>>, vector<16xf32>,
        %get3A_768 = vector.shape_cast %get3A_767 : vector<16xf32> to vector<16xf32>
        %eq3A_769 = arith.cmpf oeq, %get3A_768, %min3A_271 : vector<16xf32>
        %add3A_770 = arith.constant 720 : i32
        %add3A_771 = vector.broadcast %add3A_770 : i32 to vector<16xi32>
        %add3A_772 = arith.addi %add3A_771, %iota3A : vector<16xi32>
        %jit3A_773 = arith.constant 1073741824 : i32
        %broadcast_in_dim3A_774 = vector.broadcast %jit3A_773 : i32 to vector<16xi32>
        %select_n3A_775 = arith.select %eq3A_769, %add3A_772, %broadcast_in_dim3A_774 : vector<16xi1>, vector<16xi32>
        %min3A_776 = arith.minsi %min3A_765, %select_n3A_775 : vector<16xi32>
        %get3A_777 = arith.constant 736 : index
        %get3A_778 = tpu.vector_load %arg8[%get3A_777] {strides = array<i32>} : memref<784xf32, #tpu.memory_space<vmem>>, vector<16xf32>,
        %get3A_779 = vector.shape_cast %get3A_778 : vector<16xf32> to vector<16xf32>
        %eq3A_780 = arith.cmpf oeq, %get3A_779, %min3A_271 : vector<16xf32>
        %add3A_781 = arith.constant 736 : i32
        %add3A_782 = vector.broadcast %add3A_781 : i32 to vector<16xi32>
        %add3A_783 = arith.addi %add3A_782, %iota3A : vector<16xi32>
        %jit3A_784 = arith.constant 1073741824 : i32
        %broadcast_in_dim3A_785 = vector.broadcast %jit3A_784 : i32 to vector<16xi32>
        %select_n3A_786 = arith.select %eq3A_780, %add3A_783, %broadcast_in_dim3A_785 : vector<16xi1>, vector<16xi32>
        %min3A_787 = arith.minsi %min3A_776, %select_n3A_786 : vector<16xi32>
        %get3A_788 = arith.constant 752 : index
        %get3A_789 = tpu.vector_load %arg8[%get3A_788] {strides = array<i32>} : memref<784xf32, #tpu.memory_space<vmem>>, vector<16xf32>,
        %get3A_790 = vector.shape_cast %get3A_789 : vector<16xf32> to vector<16xf32>
        %eq3A_791 = arith.cmpf oeq, %get3A_790, %min3A_271 : vector<16xf32>
        %add3A_792 = arith.constant 752 : i32
        %add3A_793 = vector.broadcast %add3A_792 : i32 to vector<16xi32>
        %add3A_794 = arith.addi %add3A_793, %iota3A : vector<16xi32>
        %jit3A_795 = arith.constant 1073741824 : i32
        %broadcast_in_dim3A_796 = vector.broadcast %jit3A_795 : i32 to vector<16xi32>
        %select_n3A_797 = arith.select %eq3A_791, %add3A_794, %broadcast_in_dim3A_796 : vector<16xi1>, vector<16xi32>
        %min3A_798 = arith.minsi %min3A_787, %select_n3A_797 : vector<16xi32>
        %get3A_799 = arith.constant 768 : index
        %get3A_800 = tpu.vector_load %arg8[%get3A_799] {strides = array<i32>} : memref<784xf32, #tpu.memory_space<vmem>>, vector<16xf32>,
        %get3A_801 = vector.shape_cast %get3A_800 : vector<16xf32> to vector<16xf32>
        %eq3A_802 = arith.cmpf oeq, %get3A_801, %min3A_271 : vector<16xf32>
        %add3A_803 = arith.constant 768 : i32
        %add3A_804 = vector.broadcast %add3A_803 : i32 to vector<16xi32>
        %add3A_805 = arith.addi %add3A_804, %iota3A : vector<16xi32>
        %jit3A_806 = arith.constant 1073741824 : i32
        %broadcast_in_dim3A_807 = vector.broadcast %jit3A_806 : i32 to vector<16xi32>
        %select_n3A_808 = arith.select %eq3A_802, %add3A_805, %broadcast_in_dim3A_807 : vector<16xi1>, vector<16xi32>
        %min3A_809 = arith.minsi %min3A_798, %select_n3A_808 : vector<16xi32>
        %xor3A_810 = arith.constant 8 : i32
        %xor3A_811 = vector.broadcast %xor3A_810 : i32 to vector<16xi32>
        %xor3A_812 = arith.xori %iota3A, %xor3A_811 : vector<16xi32>
        %broadcast_in_dim3A_813 = vector.shape_cast %xor3A_812 : vector<16xi32> to vector<16x1xi32>
        %gather3A_814 = vector.shape_cast %broadcast_in_dim3A_813 : vector<16x1xi32> to vector<16xi32>
        %gather3A_815 = tpu.dynamic_gather %min3A_809[%gather3A_814] in [0] : vector<16xi32>, vector<16xi32> -> vector<16xi32>
        %min3A_816 = arith.minsi %min3A_809, %gather3A_815 : vector<16xi32>
        %xor3A_817 = arith.constant 4 : i32
        %xor3A_818 = vector.broadcast %xor3A_817 : i32 to vector<16xi32>
        %xor3A_819 = arith.xori %iota3A, %xor3A_818 : vector<16xi32>
        %broadcast_in_dim3A_820 = vector.shape_cast %xor3A_819 : vector<16xi32> to vector<16x1xi32>
        %gather3A_821 = vector.shape_cast %broadcast_in_dim3A_820 : vector<16x1xi32> to vector<16xi32>
        %gather3A_822 = tpu.dynamic_gather %min3A_816[%gather3A_821] in [0] : vector<16xi32>, vector<16xi32> -> vector<16xi32>
        %min3A_823 = arith.minsi %min3A_816, %gather3A_822 : vector<16xi32>
        %xor3A_824 = arith.constant 2 : i32
        %xor3A_825 = vector.broadcast %xor3A_824 : i32 to vector<16xi32>
        %xor3A_826 = arith.xori %iota3A, %xor3A_825 : vector<16xi32>
        %broadcast_in_dim3A_827 = vector.shape_cast %xor3A_826 : vector<16xi32> to vector<16x1xi32>
        %gather3A_828 = vector.shape_cast %broadcast_in_dim3A_827 : vector<16x1xi32> to vector<16xi32>
        %gather3A_829 = tpu.dynamic_gather %min3A_823[%gather3A_828] in [0] : vector<16xi32>, vector<16xi32> -> vector<16xi32>
        %min3A_830 = arith.minsi %min3A_823, %gather3A_829 : vector<16xi32>
        %xor3A_831 = arith.constant 1 : i32
        %xor3A_832 = vector.broadcast %xor3A_831 : i32 to vector<16xi32>
        %xor3A_833 = arith.xori %iota3A, %xor3A_832 : vector<16xi32>
        %broadcast_in_dim3A_834 = vector.shape_cast %xor3A_833 : vector<16xi32> to vector<16x1xi32>
        %gather3A_835 = vector.shape_cast %broadcast_in_dim3A_834 : vector<16x1xi32> to vector<16xi32>
        %gather3A_836 = tpu.dynamic_gather %min3A_830[%gather3A_835] in [0] : vector<16xi32>, vector<16xi32> -> vector<16xi32>
        %min3A_837 = arith.minsi %min3A_830, %gather3A_836 : vector<16xi32>
        %slice3A = vector.extract_strided_slice %min3A_837 {offsets = [0], sizes = [1], strides = [1]} : vector<16xi32> to vector<1xi32>
        %squeeze3A = vector.extract %slice3A[0] : i32 from vector<1xi32>
        %mul3A_838 = arith.constant 128 : i32
        %mul3A_839 = arith.muli %squeeze3A, %mul3A_838 : i32
        %broadcast_in_dim3A_840 = arith.constant 1073741824 : i32
        %broadcast_in_dim3A_841 = vector.broadcast %broadcast_in_dim3A_840 : i32 to vector<16xi32>
        %add3A_842 = arith.constant 0 : i32
        %add3A_843 = arith.addi %mul3A_839, %add3A_842 : i32
        %get3A_844 = arith.index_cast %add3A_843 : i32 to index
        %get3A_845 = tpu.vector_load %arg7[%get3A_844] {strides = array<i32>} : memref<100352xf32, #tpu.memory_space<vmem>>, vector<16xf32>,
        %get3A_846 = vector.shape_cast %get3A_845 : vector<16xf32> to vector<16xf32>
        %eq3A_847 = arith.cmpf oeq, %get3A_846, %min3A_271 : vector<16xf32>
        %add3A_848 = arith.constant 0 : i32
        %add3A_849 = vector.broadcast %add3A_848 : i32 to vector<16xi32>
        %add3A_850 = arith.addi %add3A_849, %iota3A : vector<16xi32>
        %jit3A_851 = arith.constant 1073741824 : i32
        %broadcast_in_dim3A_852 = vector.broadcast %jit3A_851 : i32 to vector<16xi32>
        %select_n3A_853 = arith.select %eq3A_847, %add3A_850, %broadcast_in_dim3A_852 : vector<16xi1>, vector<16xi32>
        %min3A_854 = arith.minsi %broadcast_in_dim3A_841, %select_n3A_853 : vector<16xi32>
        %add3A_855 = arith.constant 16 : i32
        %add3A_856 = arith.addi %mul3A_839, %add3A_855 : i32
        %get3A_857 = arith.index_cast %add3A_856 : i32 to index
        %get3A_858 = tpu.vector_load %arg7[%get3A_857] {strides = array<i32>} : memref<100352xf32, #tpu.memory_space<vmem>>, vector<16xf32>,
        %get3A_859 = vector.shape_cast %get3A_858 : vector<16xf32> to vector<16xf32>
        %eq3A_860 = arith.cmpf oeq, %get3A_859, %min3A_271 : vector<16xf32>
        %add3A_861 = arith.constant 16 : i32
        %add3A_862 = vector.broadcast %add3A_861 : i32 to vector<16xi32>
        %add3A_863 = arith.addi %add3A_862, %iota3A : vector<16xi32>
        %jit3A_864 = arith.constant 1073741824 : i32
        %broadcast_in_dim3A_865 = vector.broadcast %jit3A_864 : i32 to vector<16xi32>
        %select_n3A_866 = arith.select %eq3A_860, %add3A_863, %broadcast_in_dim3A_865 : vector<16xi1>, vector<16xi32>
        %min3A_867 = arith.minsi %min3A_854, %select_n3A_866 : vector<16xi32>
        %add3A_868 = arith.constant 32 : i32
        %add3A_869 = arith.addi %mul3A_839, %add3A_868 : i32
        %get3A_870 = arith.index_cast %add3A_869 : i32 to index
        %get3A_871 = tpu.vector_load %arg7[%get3A_870] {strides = array<i32>} : memref<100352xf32, #tpu.memory_space<vmem>>, vector<16xf32>,
        %get3A_872 = vector.shape_cast %get3A_871 : vector<16xf32> to vector<16xf32>
        %eq3A_873 = arith.cmpf oeq, %get3A_872, %min3A_271 : vector<16xf32>
        %add3A_874 = arith.constant 32 : i32
        %add3A_875 = vector.broadcast %add3A_874 : i32 to vector<16xi32>
        %add3A_876 = arith.addi %add3A_875, %iota3A : vector<16xi32>
        %jit3A_877 = arith.constant 1073741824 : i32
        %broadcast_in_dim3A_878 = vector.broadcast %jit3A_877 : i32 to vector<16xi32>
        %select_n3A_879 = arith.select %eq3A_873, %add3A_876, %broadcast_in_dim3A_878 : vector<16xi1>, vector<16xi32>
        %min3A_880 = arith.minsi %min3A_867, %select_n3A_879 : vector<16xi32>
        %add3A_881 = arith.constant 48 : i32
        %add3A_882 = arith.addi %mul3A_839, %add3A_881 : i32
        %get3A_883 = arith.index_cast %add3A_882 : i32 to index
        %get3A_884 = tpu.vector_load %arg7[%get3A_883] {strides = array<i32>} : memref<100352xf32, #tpu.memory_space<vmem>>, vector<16xf32>,
        %get3A_885 = vector.shape_cast %get3A_884 : vector<16xf32> to vector<16xf32>
        %eq3A_886 = arith.cmpf oeq, %get3A_885, %min3A_271 : vector<16xf32>
        %add3A_887 = arith.constant 48 : i32
        %add3A_888 = vector.broadcast %add3A_887 : i32 to vector<16xi32>
        %add3A_889 = arith.addi %add3A_888, %iota3A : vector<16xi32>
        %jit3A_890 = arith.constant 1073741824 : i32
        %broadcast_in_dim3A_891 = vector.broadcast %jit3A_890 : i32 to vector<16xi32>
        %select_n3A_892 = arith.select %eq3A_886, %add3A_889, %broadcast_in_dim3A_891 : vector<16xi1>, vector<16xi32>
        %min3A_893 = arith.minsi %min3A_880, %select_n3A_892 : vector<16xi32>
        %add3A_894 = arith.constant 64 : i32
        %add3A_895 = arith.addi %mul3A_839, %add3A_894 : i32
        %get3A_896 = arith.index_cast %add3A_895 : i32 to index
        %get3A_897 = tpu.vector_load %arg7[%get3A_896] {strides = array<i32>} : memref<100352xf32, #tpu.memory_space<vmem>>, vector<16xf32>,
        %get3A_898 = vector.shape_cast %get3A_897 : vector<16xf32> to vector<16xf32>
        %eq3A_899 = arith.cmpf oeq, %get3A_898, %min3A_271 : vector<16xf32>
        %add3A_900 = arith.constant 64 : i32
        %add3A_901 = vector.broadcast %add3A_900 : i32 to vector<16xi32>
        %add3A_902 = arith.addi %add3A_901, %iota3A : vector<16xi32>
        %jit3A_903 = arith.constant 1073741824 : i32
        %broadcast_in_dim3A_904 = vector.broadcast %jit3A_903 : i32 to vector<16xi32>
        %select_n3A_905 = arith.select %eq3A_899, %add3A_902, %broadcast_in_dim3A_904 : vector<16xi1>, vector<16xi32>
        %min3A_906 = arith.minsi %min3A_893, %select_n3A_905 : vector<16xi32>
        %add3A_907 = arith.constant 80 : i32
        %add3A_908 = arith.addi %mul3A_839, %add3A_907 : i32
        %get3A_909 = arith.index_cast %add3A_908 : i32 to index
        %get3A_910 = tpu.vector_load %arg7[%get3A_909] {strides = array<i32>} : memref<100352xf32, #tpu.memory_space<vmem>>, vector<16xf32>,
        %get3A_911 = vector.shape_cast %get3A_910 : vector<16xf32> to vector<16xf32>
        %eq3A_912 = arith.cmpf oeq, %get3A_911, %min3A_271 : vector<16xf32>
        %add3A_913 = arith.constant 80 : i32
        %add3A_914 = vector.broadcast %add3A_913 : i32 to vector<16xi32>
        %add3A_915 = arith.addi %add3A_914, %iota3A : vector<16xi32>
        %jit3A_916 = arith.constant 1073741824 : i32
        %broadcast_in_dim3A_917 = vector.broadcast %jit3A_916 : i32 to vector<16xi32>
        %select_n3A_918 = arith.select %eq3A_912, %add3A_915, %broadcast_in_dim3A_917 : vector<16xi1>, vector<16xi32>
        %min3A_919 = arith.minsi %min3A_906, %select_n3A_918 : vector<16xi32>
        %add3A_920 = arith.constant 96 : i32
        %add3A_921 = arith.addi %mul3A_839, %add3A_920 : i32
        %get3A_922 = arith.index_cast %add3A_921 : i32 to index
        %get3A_923 = tpu.vector_load %arg7[%get3A_922] {strides = array<i32>} : memref<100352xf32, #tpu.memory_space<vmem>>, vector<16xf32>,
        %get3A_924 = vector.shape_cast %get3A_923 : vector<16xf32> to vector<16xf32>
        %eq3A_925 = arith.cmpf oeq, %get3A_924, %min3A_271 : vector<16xf32>
        %add3A_926 = arith.constant 96 : i32
        %add3A_927 = vector.broadcast %add3A_926 : i32 to vector<16xi32>
        %add3A_928 = arith.addi %add3A_927, %iota3A : vector<16xi32>
        %jit3A_929 = arith.constant 1073741824 : i32
        %broadcast_in_dim3A_930 = vector.broadcast %jit3A_929 : i32 to vector<16xi32>
        %select_n3A_931 = arith.select %eq3A_925, %add3A_928, %broadcast_in_dim3A_930 : vector<16xi1>, vector<16xi32>
        %min3A_932 = arith.minsi %min3A_919, %select_n3A_931 : vector<16xi32>
        %add3A_933 = arith.constant 112 : i32
        %add3A_934 = arith.addi %mul3A_839, %add3A_933 : i32
        %get3A_935 = arith.index_cast %add3A_934 : i32 to index
        %get3A_936 = tpu.vector_load %arg7[%get3A_935] {strides = array<i32>} : memref<100352xf32, #tpu.memory_space<vmem>>, vector<16xf32>,
        %get3A_937 = vector.shape_cast %get3A_936 : vector<16xf32> to vector<16xf32>
        %eq3A_938 = arith.cmpf oeq, %get3A_937, %min3A_271 : vector<16xf32>
        %add3A_939 = arith.constant 112 : i32
        %add3A_940 = vector.broadcast %add3A_939 : i32 to vector<16xi32>
        %add3A_941 = arith.addi %add3A_940, %iota3A : vector<16xi32>
        %jit3A_942 = arith.constant 1073741824 : i32
        %broadcast_in_dim3A_943 = vector.broadcast %jit3A_942 : i32 to vector<16xi32>
        %select_n3A_944 = arith.select %eq3A_938, %add3A_941, %broadcast_in_dim3A_943 : vector<16xi1>, vector<16xi32>
        %min3A_945 = arith.minsi %min3A_932, %select_n3A_944 : vector<16xi32>
        %xor3A_946 = arith.constant 8 : i32
        %xor3A_947 = vector.broadcast %xor3A_946 : i32 to vector<16xi32>
        %xor3A_948 = arith.xori %iota3A, %xor3A_947 : vector<16xi32>
        %broadcast_in_dim3A_949 = vector.shape_cast %xor3A_948 : vector<16xi32> to vector<16x1xi32>
        %gather3A_950 = vector.shape_cast %broadcast_in_dim3A_949 : vector<16x1xi32> to vector<16xi32>
        %gather3A_951 = tpu.dynamic_gather %min3A_945[%gather3A_950] in [0] : vector<16xi32>, vector<16xi32> -> vector<16xi32>
        %min3A_952 = arith.minsi %min3A_945, %gather3A_951 : vector<16xi32>
        %xor3A_953 = arith.constant 4 : i32
        %xor3A_954 = vector.broadcast %xor3A_953 : i32 to vector<16xi32>
        %xor3A_955 = arith.xori %iota3A, %xor3A_954 : vector<16xi32>
        %broadcast_in_dim3A_956 = vector.shape_cast %xor3A_955 : vector<16xi32> to vector<16x1xi32>
        %gather3A_957 = vector.shape_cast %broadcast_in_dim3A_956 : vector<16x1xi32> to vector<16xi32>
        %gather3A_958 = tpu.dynamic_gather %min3A_952[%gather3A_957] in [0] : vector<16xi32>, vector<16xi32> -> vector<16xi32>
        %min3A_959 = arith.minsi %min3A_952, %gather3A_958 : vector<16xi32>
        %xor3A_960 = arith.constant 2 : i32
        %xor3A_961 = vector.broadcast %xor3A_960 : i32 to vector<16xi32>
        %xor3A_962 = arith.xori %iota3A, %xor3A_961 : vector<16xi32>
        %broadcast_in_dim3A_963 = vector.shape_cast %xor3A_962 : vector<16xi32> to vector<16x1xi32>
        %gather3A_964 = vector.shape_cast %broadcast_in_dim3A_963 : vector<16x1xi32> to vector<16xi32>
        %gather3A_965 = tpu.dynamic_gather %min3A_959[%gather3A_964] in [0] : vector<16xi32>, vector<16xi32> -> vector<16xi32>
        %min3A_966 = arith.minsi %min3A_959, %gather3A_965 : vector<16xi32>
        %xor3A_967 = arith.constant 1 : i32
        %xor3A_968 = vector.broadcast %xor3A_967 : i32 to vector<16xi32>
        %xor3A_969 = arith.xori %iota3A, %xor3A_968 : vector<16xi32>
        %broadcast_in_dim3A_970 = vector.shape_cast %xor3A_969 : vector<16xi32> to vector<16x1xi32>
        %gather3A_971 = vector.shape_cast %broadcast_in_dim3A_970 : vector<16x1xi32> to vector<16xi32>
        %gather3A_972 = tpu.dynamic_gather %min3A_966[%gather3A_971] in [0] : vector<16xi32>, vector<16xi32> -> vector<16xi32>
        %min3A_973 = arith.minsi %min3A_966, %gather3A_972 : vector<16xi32>
        %slice3A_974 = vector.extract_strided_slice %min3A_973 {offsets = [0], sizes = [1], strides = [1]} : vector<16xi32> to vector<1xi32>
        %squeeze3A_975 = vector.extract %slice3A_974[0] : i32 from vector<1xi32>
        %add3A_976 = arith.addi %mul3A_839, %squeeze3A_975 : i32
        %shift_right_arithmetic3A = arith.constant 4 : i32
        %shift_right_arithmetic3A_977 = arith.shrsi %scan3A_51, %shift_right_arithmetic3A : i32
        %shift_left3A = arith.constant 4 : i32
        %shift_left3A_978 = arith.shli %shift_right_arithmetic3A_977, %shift_left3A : i32
        %sub3A = arith.subi %scan3A_51, %shift_left3A_978 : i32
        %eq3A_979 = vector.broadcast %sub3A : i32 to vector<16xi32>
        %eq3A_980 = arith.cmpi eq, %iota3A, %eq3A_979 : vector<16xi32>
        %get3A_981 = arith.index_cast %shift_left3A_978 : i32 to index
        %get3A_982 = tpu.vector_load %arg9[%get3A_981] {strides = array<i32>} : memref<64xf32, #tpu.memory_space<vmem>>, vector<16xf32>,
        %get3A_983 = vector.shape_cast %get3A_982 : vector<16xf32> to vector<16xf32>
        %select_n3A_984 = arith.select %eq3A_980, %min3A_271, %get3A_983 : vector<16xi1>, vector<16xf32>
        %swap3A_985 = arith.index_cast %shift_left3A_978 : i32 to index
        %swap3A_986 = tpu.vector_load %arg9[%swap3A_985] {strides = array<i32>} : memref<64xf32, #tpu.memory_space<vmem>>, vector<16xf32>,
        %swap3A_987 = vector.shape_cast %swap3A_986 : vector<16xf32> to vector<16xf32>
        %swap3A_988 = vector.shape_cast %select_n3A_984 : vector<16xf32> to vector<16xf32>
        tpu.vector_store %arg9[%swap3A_985], %swap3A_988 {strides = array<i32>} : memref<64xf32, #tpu.memory_space<vmem>>, vector<16xf32>,
        %sub3A_989 = arith.subi %scan3A_51, %shift_left3A_978 : i32
        %eq3A_990 = vector.broadcast %sub3A_989 : i32 to vector<16xi32>
        %eq3A_991 = arith.cmpi eq, %iota3A, %eq3A_990 : vector<16xi32>
        %add3A_992 = vector.broadcast %mul3A_839 : i32 to vector<16xi32>
        %add3A_993 = arith.addi %min3A_973, %add3A_992 : vector<16xi32>
        %get3A_994 = arith.index_cast %shift_left3A_978 : i32 to index
        %get3A_995 = tpu.vector_load %arg10[%get3A_994] {strides = array<i32>} : memref<64xi32, #tpu.memory_space<vmem>>, vector<16xi32>,
        %get3A_996 = vector.shape_cast %get3A_995 : vector<16xi32> to vector<16xi32>
        %select_n3A_997 = arith.select %eq3A_991, %add3A_993, %get3A_996 : vector<16xi1>, vector<16xi32>
        %swap3A_998 = arith.index_cast %shift_left3A_978 : i32 to index
        %swap3A_999 = tpu.vector_load %arg10[%swap3A_998] {strides = array<i32>} : memref<64xi32, #tpu.memory_space<vmem>>, vector<16xi32>,
        %swap3A_1000 = vector.shape_cast %swap3A_999 : vector<16xi32> to vector<16xi32>
        %swap3A_1001 = vector.shape_cast %select_n3A_997 : vector<16xi32> to vector<16xi32>
        tpu.vector_store %arg10[%swap3A_998], %swap3A_1001 {strides = array<i32>} : memref<64xi32, #tpu.memory_space<vmem>>, vector<16xi32>,
        %shift_right_arithmetic3A_1002 = arith.constant 4 : i32
        %shift_right_arithmetic3A_1003 = arith.shrsi %add3A_976, %shift_right_arithmetic3A_1002 : i32
        %shift_left3A_1004 = arith.constant 4 : i32
        %shift_left3A_1005 = arith.shli %shift_right_arithmetic3A_1003, %shift_left3A_1004 : i32
        %get3A_1006 = arith.index_cast %shift_left3A_1005 : i32 to index
        %get3A_1007 = tpu.vector_load %arg7[%get3A_1006] {strides = array<i32>} : memref<100352xf32, #tpu.memory_space<vmem>>, vector<16xf32>,
        %get3A_1008 = vector.shape_cast %get3A_1007 : vector<16xf32> to vector<16xf32>
        %sub3A_1009 = arith.subi %add3A_976, %shift_left3A_1005 : i32
        %eq3A_1010 = vector.broadcast %sub3A_1009 : i32 to vector<16xi32>
        %eq3A_1011 = arith.cmpi eq, %iota3A, %eq3A_1010 : vector<16xi32>
        %jit3A_1012 = arith.constant 3.000000e+38 : f32
        %broadcast_in_dim3A_1013 = vector.broadcast %jit3A_1012 : f32 to vector<16xf32>
        %select_n3A_1014 = arith.select %eq3A_1011, %broadcast_in_dim3A_1013, %get3A_1008 : vector<16xi1>, vector<16xf32>
        %swap3A_1015 = arith.index_cast %shift_left3A_1005 : i32 to index
        %swap3A_1016 = tpu.vector_load %arg7[%swap3A_1015] {strides = array<i32>} : memref<100352xf32, #tpu.memory_space<vmem>>, vector<16xf32>,
        %swap3A_1017 = vector.shape_cast %swap3A_1016 : vector<16xf32> to vector<16xf32>
        %swap3A_1018 = vector.shape_cast %select_n3A_1014 : vector<16xf32> to vector<16xf32>
        tpu.vector_store %arg7[%swap3A_1015], %swap3A_1018 {strides = array<i32>} : memref<100352xf32, #tpu.memory_space<vmem>>, vector<16xf32>,
        %get3A_1019 = arith.index_cast %mul3A_839 : i32 to index
        %get3A_1020 = tpu.vector_load %arg7[%get3A_1019] {strides = array<i32>} : memref<100352xf32, #tpu.memory_space<vmem>>, vector<16xf32>,
        %get3A_1021 = vector.shape_cast %get3A_1020 : vector<16xf32> to vector<16xf32>
        %add3A_1022 = arith.constant 16 : i32
        %add3A_1023 = arith.addi %mul3A_839, %add3A_1022 : i32
        %get3A_1024 = arith.index_cast %add3A_1023 : i32 to index
        %get3A_1025 = tpu.vector_load %arg7[%get3A_1024] {strides = array<i32>} : memref<100352xf32, #tpu.memory_space<vmem>>, vector<16xf32>,
        %get3A_1026 = vector.shape_cast %get3A_1025 : vector<16xf32> to vector<16xf32>
        %min3A_1027 = arith.minimumf %get3A_1021, %get3A_1026 : vector<16xf32>
        %add3A_1028 = arith.constant 32 : i32
        %add3A_1029 = arith.addi %mul3A_839, %add3A_1028 : i32
        %get3A_1030 = arith.index_cast %add3A_1029 : i32 to index
        %get3A_1031 = tpu.vector_load %arg7[%get3A_1030] {strides = array<i32>} : memref<100352xf32, #tpu.memory_space<vmem>>, vector<16xf32>,
        %get3A_1032 = vector.shape_cast %get3A_1031 : vector<16xf32> to vector<16xf32>
        %min3A_1033 = arith.minimumf %min3A_1027, %get3A_1032 : vector<16xf32>
        %add3A_1034 = arith.constant 48 : i32
        %add3A_1035 = arith.addi %mul3A_839, %add3A_1034 : i32
        %get3A_1036 = arith.index_cast %add3A_1035 : i32 to index
        %get3A_1037 = tpu.vector_load %arg7[%get3A_1036] {strides = array<i32>} : memref<100352xf32, #tpu.memory_space<vmem>>, vector<16xf32>,
        %get3A_1038 = vector.shape_cast %get3A_1037 : vector<16xf32> to vector<16xf32>
        %min3A_1039 = arith.minimumf %min3A_1033, %get3A_1038 : vector<16xf32>
        %add3A_1040 = arith.constant 64 : i32
        %add3A_1041 = arith.addi %mul3A_839, %add3A_1040 : i32
        %get3A_1042 = arith.index_cast %add3A_1041 : i32 to index
        %get3A_1043 = tpu.vector_load %arg7[%get3A_1042] {strides = array<i32>} : memref<100352xf32, #tpu.memory_space<vmem>>, vector<16xf32>,
        %get3A_1044 = vector.shape_cast %get3A_1043 : vector<16xf32> to vector<16xf32>
        %min3A_1045 = arith.minimumf %min3A_1039, %get3A_1044 : vector<16xf32>
        %add3A_1046 = arith.constant 80 : i32
        %add3A_1047 = arith.addi %mul3A_839, %add3A_1046 : i32
        %get3A_1048 = arith.index_cast %add3A_1047 : i32 to index
        %get3A_1049 = tpu.vector_load %arg7[%get3A_1048] {strides = array<i32>} : memref<100352xf32, #tpu.memory_space<vmem>>, vector<16xf32>,
        %get3A_1050 = vector.shape_cast %get3A_1049 : vector<16xf32> to vector<16xf32>
        %min3A_1051 = arith.minimumf %min3A_1045, %get3A_1050 : vector<16xf32>
        %add3A_1052 = arith.constant 96 : i32
        %add3A_1053 = arith.addi %mul3A_839, %add3A_1052 : i32
        %get3A_1054 = arith.index_cast %add3A_1053 : i32 to index
        %get3A_1055 = tpu.vector_load %arg7[%get3A_1054] {strides = array<i32>} : memref<100352xf32, #tpu.memory_space<vmem>>, vector<16xf32>,
        %get3A_1056 = vector.shape_cast %get3A_1055 : vector<16xf32> to vector<16xf32>
        %min3A_1057 = arith.minimumf %min3A_1051, %get3A_1056 : vector<16xf32>
        %add3A_1058 = arith.constant 112 : i32
        %add3A_1059 = arith.addi %mul3A_839, %add3A_1058 : i32
        %get3A_1060 = arith.index_cast %add3A_1059 : i32 to index
        %get3A_1061 = tpu.vector_load %arg7[%get3A_1060] {strides = array<i32>} : memref<100352xf32, #tpu.memory_space<vmem>>, vector<16xf32>,
        %get3A_1062 = vector.shape_cast %get3A_1061 : vector<16xf32> to vector<16xf32>
        %min3A_1063 = arith.minimumf %min3A_1057, %get3A_1062 : vector<16xf32>
        %shift_right_arithmetic3A_1064 = arith.constant 4 : i32
        %shift_right_arithmetic3A_1065 = arith.shrsi %squeeze3A, %shift_right_arithmetic3A_1064 : i32
        %shift_left3A_1066 = arith.constant 4 : i32
        %shift_left3A_1067 = arith.shli %shift_right_arithmetic3A_1065, %shift_left3A_1066 : i32
        %sub3A_1068 = arith.subi %squeeze3A, %shift_left3A_1067 : i32
        %eq3A_1069 = vector.broadcast %sub3A_1068 : i32 to vector<16xi32>
        %eq3A_1070 = arith.cmpi eq, %iota3A, %eq3A_1069 : vector<16xi32>
        %xor3A_1071 = arith.constant 8 : i32
        %xor3A_1072 = vector.broadcast %xor3A_1071 : i32 to vector<16xi32>
        %xor3A_1073 = arith.xori %iota3A, %xor3A_1072 : vector<16xi32>
        %broadcast_in_dim3A_1074 = vector.shape_cast %xor3A_1073 : vector<16xi32> to vector<16x1xi32>
        %gather3A_1075 = vector.shape_cast %broadcast_in_dim3A_1074 : vector<16x1xi32> to vector<16xi32>
        %gather3A_1076 = tpu.dynamic_gather %min3A_1063[%gather3A_1075] in [0] : vector<16xf32>, vector<16xi32> -> vector<16xf32>
        %min3A_1077 = arith.minimumf %min3A_1063, %gather3A_1076 : vector<16xf32>
        %xor3A_1078 = arith.constant 4 : i32
        %xor3A_1079 = vector.broadcast %xor3A_1078 : i32 to vector<16xi32>
        %xor3A_1080 = arith.xori %iota3A, %xor3A_1079 : vector<16xi32>
        %broadcast_in_dim3A_1081 = vector.shape_cast %xor3A_1080 : vector<16xi32> to vector<16x1xi32>
        %gather3A_1082 = vector.shape_cast %broadcast_in_dim3A_1081 : vector<16x1xi32> to vector<16xi32>
        %gather3A_1083 = tpu.dynamic_gather %min3A_1077[%gather3A_1082] in [0] : vector<16xf32>, vector<16xi32> -> vector<16xf32>
        %min3A_1084 = arith.minimumf %min3A_1077, %gather3A_1083 : vector<16xf32>
        %xor3A_1085 = arith.constant 2 : i32
        %xor3A_1086 = vector.broadcast %xor3A_1085 : i32 to vector<16xi32>
        %xor3A_1087 = arith.xori %iota3A, %xor3A_1086 : vector<16xi32>
        %broadcast_in_dim3A_1088 = vector.shape_cast %xor3A_1087 : vector<16xi32> to vector<16x1xi32>
        %gather3A_1089 = vector.shape_cast %broadcast_in_dim3A_1088 : vector<16x1xi32> to vector<16xi32>
        %gather3A_1090 = tpu.dynamic_gather %min3A_1084[%gather3A_1089] in [0] : vector<16xf32>, vector<16xi32> -> vector<16xf32>
        %min3A_1091 = arith.minimumf %min3A_1084, %gather3A_1090 : vector<16xf32>
        %xor3A_1092 = arith.constant 1 : i32
        %xor3A_1093 = vector.broadcast %xor3A_1092 : i32 to vector<16xi32>
        %xor3A_1094 = arith.xori %iota3A, %xor3A_1093 : vector<16xi32>
        %broadcast_in_dim3A_1095 = vector.shape_cast %xor3A_1094 : vector<16xi32> to vector<16x1xi32>
        %gather3A_1096 = vector.shape_cast %broadcast_in_dim3A_1095 : vector<16x1xi32> to vector<16xi32>
        %gather3A_1097 = tpu.dynamic_gather %min3A_1091[%gather3A_1096] in [0] : vector<16xf32>, vector<16xi32> -> vector<16xf32>
        %min3A_1098 = arith.minimumf %min3A_1091, %gather3A_1097 : vector<16xf32>
        %get3A_1099 = arith.index_cast %shift_left3A_1067 : i32 to index
        %get3A_1100 = tpu.vector_load %arg8[%get3A_1099] {strides = array<i32>} : memref<784xf32, #tpu.memory_space<vmem>>, vector<16xf32>,
        %get3A_1101 = vector.shape_cast %get3A_1100 : vector<16xf32> to vector<16xf32>
        %select_n3A_1102 = arith.select %eq3A_1070, %min3A_1098, %get3A_1101 : vector<16xi1>, vector<16xf32>
        %swap3A_1103 = arith.index_cast %shift_left3A_1067 : i32 to index
        %swap3A_1104 = tpu.vector_load %arg8[%swap3A_1103] {strides = array<i32>} : memref<784xf32, #tpu.memory_space<vmem>>, vector<16xf32>,
        %swap3A_1105 = vector.shape_cast %swap3A_1104 : vector<16xf32> to vector<16xf32>
        %swap3A_1106 = vector.shape_cast %select_n3A_1102 : vector<16xf32> to vector<16xf32>
        tpu.vector_store %arg8[%swap3A_1103], %swap3A_1106 {strides = array<i32>} : memref<784xf32, #tpu.memory_space<vmem>>, vector<16xf32>,
        %scan3A_1107 = arith.constant 0 : i32
        scf.yield %scan3A_1107 : i32
      }
      %scan3A_47 = arith.constant 50 : i32
      %dma_start3A = arith.constant 0 : i32
      %dma_start3A_48 = tpu.memref_slice %arg3[%dma_start3A] : memref<100000xi32, #tpu.memory_space<hbm>> -> memref<100000xi32, #tpu.memory_space<hbm>>
      tpu.enqueue_indirect_dma source(%dma_start3A_48 : memref<100000xi32, #tpu.memory_space<hbm>>) target(%arg11 : memref<64xi32, #tpu.memory_space<vmem>>) offsets(%arg10 : memref<64xi32, #tpu.memory_space<vmem>>) semaphore(%arg12 : memref<!tpu.dma_semaphore, #tpu.memory_space<semaphore_mem>>)
      %dma_wait3A = arith.constant 0 : i32
      %dma_wait3A_49 = tpu.memref_slice %arg3[%dma_wait3A] : memref<100000xi32, #tpu.memory_space<hbm>> -> memref<100000xi32, #tpu.memory_space<hbm>>
      tpu.wait_indirect_dma semaphore(%arg12 : memref<!tpu.dma_semaphore, #tpu.memory_space<semaphore_mem>>) src(%dma_wait3A_49 : memref<100000xi32, #tpu.memory_space<hbm>>) dst(%arg11 : memref<64xi32, #tpu.memory_space<vmem>>)
      "tpu.region"() ({
        %run_scoped3A = tpu.sem_alloc : memref<!tpu.dma_semaphore, #tpu.memory_space<semaphore_mem>>
        %dma_start3A_51 = arith.constant 0 : i32
        %dma_start3A_52 = tpu.memref_slice %arg4[%add3A_11, %dma_start3A_51] : memref<1024x64xf32, #tpu.memory_space<hbm>> -> memref<1x64xf32, #tpu.memory_space<hbm>>
        %dma_start3A_53 = tpu.memref_squeeze %dma_start3A_52 : memref<1x64xf32, #tpu.memory_space<hbm>> -> memref<64xf32, #tpu.memory_space<hbm>>
        %dma_start3A_54 = arith.constant 0 : i32
        %dma_start3A_55 = tpu.memref_slice %arg4[%add3A_11, %dma_start3A_54] : memref<1024x64xf32, #tpu.memory_space<hbm>> -> memref<1x64xf32, #tpu.memory_space<hbm>>
        %dma_start3A_56 = tpu.memref_squeeze %dma_start3A_55 : memref<1x64xf32, #tpu.memory_space<hbm>> -> memref<64xf32, #tpu.memory_space<hbm>>
        tpu.enqueue_dma source(%arg9 : memref<64xf32, #tpu.memory_space<vmem>>) target(%dma_start3A_56 : memref<64xf32, #tpu.memory_space<hbm>>) target_semaphore(%run_scoped3A : memref<!tpu.dma_semaphore, #tpu.memory_space<semaphore_mem>>)
        %dma_wait3A_57 = arith.constant 0 : i32
        %dma_wait3A_58 = tpu.memref_slice %arg4[%add3A_11, %dma_wait3A_57] : memref<1024x64xf32, #tpu.memory_space<hbm>> -> memref<1x64xf32, #tpu.memory_space<hbm>>
        %dma_wait3A_59 = tpu.memref_squeeze %dma_wait3A_58 : memref<1x64xf32, #tpu.memory_space<hbm>> -> memref<64xf32, #tpu.memory_space<hbm>>
        %dma_wait3A_60 = arith.constant 0 : i32
        %dma_wait3A_61 = tpu.memref_slice %arg4[%add3A_11, %dma_wait3A_60] : memref<1024x64xf32, #tpu.memory_space<hbm>> -> memref<1x64xf32, #tpu.memory_space<hbm>>
        %dma_wait3A_62 = tpu.memref_squeeze %dma_wait3A_61 : memref<1x64xf32, #tpu.memory_space<hbm>> -> memref<64xf32, #tpu.memory_space<hbm>>
        tpu.wait_dma2 semaphore(%run_scoped3A : memref<!tpu.dma_semaphore, #tpu.memory_space<semaphore_mem>>) src(%arg9 : memref<64xf32, #tpu.memory_space<vmem>>) dst(%dma_wait3A_62 : memref<64xf32, #tpu.memory_space<hbm>>)
        tpu.yield
      }) : () -> ()
      "tpu.region"() ({
        %run_scoped3A = tpu.sem_alloc : memref<!tpu.dma_semaphore, #tpu.memory_space<semaphore_mem>>
        %dma_start3A_51 = arith.constant 0 : i32
        %dma_start3A_52 = tpu.memref_slice %arg5[%add3A_11, %dma_start3A_51] : memref<1024x64xi32, #tpu.memory_space<hbm>> -> memref<1x64xi32, #tpu.memory_space<hbm>>
        %dma_start3A_53 = tpu.memref_squeeze %dma_start3A_52 : memref<1x64xi32, #tpu.memory_space<hbm>> -> memref<64xi32, #tpu.memory_space<hbm>>
        %dma_start3A_54 = arith.constant 0 : i32
        %dma_start3A_55 = tpu.memref_slice %arg5[%add3A_11, %dma_start3A_54] : memref<1024x64xi32, #tpu.memory_space<hbm>> -> memref<1x64xi32, #tpu.memory_space<hbm>>
        %dma_start3A_56 = tpu.memref_squeeze %dma_start3A_55 : memref<1x64xi32, #tpu.memory_space<hbm>> -> memref<64xi32, #tpu.memory_space<hbm>>
        tpu.enqueue_dma source(%arg10 : memref<64xi32, #tpu.memory_space<vmem>>) target(%dma_start3A_56 : memref<64xi32, #tpu.memory_space<hbm>>) target_semaphore(%run_scoped3A : memref<!tpu.dma_semaphore, #tpu.memory_space<semaphore_mem>>)
        %dma_wait3A_57 = arith.constant 0 : i32
        %dma_wait3A_58 = tpu.memref_slice %arg5[%add3A_11, %dma_wait3A_57] : memref<1024x64xi32, #tpu.memory_space<hbm>> -> memref<1x64xi32, #tpu.memory_space<hbm>>
        %dma_wait3A_59 = tpu.memref_squeeze %dma_wait3A_58 : memref<1x64xi32, #tpu.memory_space<hbm>> -> memref<64xi32, #tpu.memory_space<hbm>>
        %dma_wait3A_60 = arith.constant 0 : i32
        %dma_wait3A_61 = tpu.memref_slice %arg5[%add3A_11, %dma_wait3A_60] : memref<1024x64xi32, #tpu.memory_space<hbm>> -> memref<1x64xi32, #tpu.memory_space<hbm>>
        %dma_wait3A_62 = tpu.memref_squeeze %dma_wait3A_61 : memref<1x64xi32, #tpu.memory_space<hbm>> -> memref<64xi32, #tpu.memory_space<hbm>>
        tpu.wait_dma2 semaphore(%run_scoped3A : memref<!tpu.dma_semaphore, #tpu.memory_space<semaphore_mem>>) src(%arg10 : memref<64xi32, #tpu.memory_space<vmem>>) dst(%dma_wait3A_62 : memref<64xi32, #tpu.memory_space<hbm>>)
        tpu.yield
      }) : () -> ()
      "tpu.region"() ({
        %run_scoped3A = tpu.sem_alloc : memref<!tpu.dma_semaphore, #tpu.memory_space<semaphore_mem>>
        %dma_start3A_51 = arith.constant 0 : i32
        %dma_start3A_52 = tpu.memref_slice %arg6[%add3A_11, %dma_start3A_51] : memref<1024x64xi32, #tpu.memory_space<hbm>> -> memref<1x64xi32, #tpu.memory_space<hbm>>
        %dma_start3A_53 = tpu.memref_squeeze %dma_start3A_52 : memref<1x64xi32, #tpu.memory_space<hbm>> -> memref<64xi32, #tpu.memory_space<hbm>>
        %dma_start3A_54 = arith.constant 0 : i32
        %dma_start3A_55 = tpu.memref_slice %arg6[%add3A_11, %dma_start3A_54] : memref<1024x64xi32, #tpu.memory_space<hbm>> -> memref<1x64xi32, #tpu.memory_space<hbm>>
        %dma_start3A_56 = tpu.memref_squeeze %dma_start3A_55 : memref<1x64xi32, #tpu.memory_space<hbm>> -> memref<64xi32, #tpu.memory_space<hbm>>
        tpu.enqueue_dma source(%arg11 : memref<64xi32, #tpu.memory_space<vmem>>) target(%dma_start3A_56 : memref<64xi32, #tpu.memory_space<hbm>>) target_semaphore(%run_scoped3A : memref<!tpu.dma_semaphore, #tpu.memory_space<semaphore_mem>>)
        %dma_wait3A_57 = arith.constant 0 : i32
        %dma_wait3A_58 = tpu.memref_slice %arg6[%add3A_11, %dma_wait3A_57] : memref<1024x64xi32, #tpu.memory_space<hbm>> -> memref<1x64xi32, #tpu.memory_space<hbm>>
        %dma_wait3A_59 = tpu.memref_squeeze %dma_wait3A_58 : memref<1x64xi32, #tpu.memory_space<hbm>> -> memref<64xi32, #tpu.memory_space<hbm>>
        %dma_wait3A_60 = arith.constant 0 : i32
        %dma_wait3A_61 = tpu.memref_slice %arg6[%add3A_11, %dma_wait3A_60] : memref<1024x64xi32, #tpu.memory_space<hbm>> -> memref<1x64xi32, #tpu.memory_space<hbm>>
        %dma_wait3A_62 = tpu.memref_squeeze %dma_wait3A_61 : memref<1x64xi32, #tpu.memory_space<hbm>> -> memref<64xi32, #tpu.memory_space<hbm>>
        tpu.wait_dma2 semaphore(%run_scoped3A : memref<!tpu.dma_semaphore, #tpu.memory_space<semaphore_mem>>) src(%arg11 : memref<64xi32, #tpu.memory_space<vmem>>) dst(%dma_wait3A_62 : memref<64xi32, #tpu.memory_space<hbm>>)
        tpu.yield
      }) : () -> ()
      %scan3A_50 = arith.constant 0 : i32
      scf.yield %scan3A_50 : i32
    }
    %scan3A_6 = arith.constant 32 : i32
    return
  }
}

module attributes {stable_mosaic.version = 14 : i64} {
  func.func @_tc_dist_body(%arg0: i32, %arg1: memref<1024x128xf32, #tpu.memory_space<vmem>>, %arg2: memref<2048x128xf32, #tpu.memory_space<vmem>>, %arg3: memref<1024x128xf32, #tpu.memory_space<vmem>>, %arg4: memref<8x2048xf32, #tpu.memory_space<vmem>>, %arg5: memref<1024x2048xf32, #tpu.memory_space<vmem>>) attributes {dimension_semantics = [#tpu.dimension_semantics<arbitrary>], iteration_bounds = array<i64: 49>, scalar_prefetch = 0 : i64, scratch_operands = 0 : i64, tpu.core_type = #tpu.core_type<tc>, window_params = [{pipeline_mode = #tpu.pipeline_mode<synchronous>, transform_indices = @transform_0, window_bounds = array<i64: 1024, 128>}, {transform_indices = @transform_1, window_bounds = array<i64: 2048, 128>}, {pipeline_mode = #tpu.pipeline_mode<synchronous>, transform_indices = @transform_2, window_bounds = array<i64: 1024, 128>}, {transform_indices = @transform_3, window_bounds = array<i64: 8, 2048>}, {transform_indices = @transform_4, window_bounds = array<i64: 1024, 2048>}]} {
    %get3A = arith.constant 0 : index
    %get3A_0 = arith.constant 0 : index
    %get3A_1 = vector.load %arg1[%get3A, %get3A_0] : memref<1024x128xf32, #tpu.memory_space<vmem>>, vector<1024x128xf32>
    %get3A_2 = arith.constant 0 : index
    %get3A_3 = arith.constant 0 : index
    %get3A_4 = vector.load %arg2[%get3A_2, %get3A_3] : memref<2048x128xf32, #tpu.memory_space<vmem>>, vector<2048x128xf32>
    %get3A_5 = arith.constant 0 : index
    %get3A_6 = arith.constant 0 : index
    %get3A_7 = vector.load %arg3[%get3A_5, %get3A_6] : memref<1024x128xf32, #tpu.memory_space<vmem>>, vector<1024x128xf32>
    %slice3A = vector.extract_strided_slice %get3A_7 {offsets = [0, 0], sizes = [1024, 1], strides = [1, 1]} : vector<1024x128xf32> to vector<1024x1xf32>
    %get3A_8 = arith.constant 0 : index
    %get3A_9 = arith.constant 0 : index
    %get3A_10 = vector.load %arg4[%get3A_8, %get3A_9] : memref<8x2048xf32, #tpu.memory_space<vmem>>, vector<8x2048xf32>
    %slice3A_11 = vector.extract_strided_slice %get3A_10 {offsets = [0, 0], sizes = [1, 2048], strides = [1, 1]} : vector<8x2048xf32> to vector<1x2048xf32>
    %dot_general3A = arith.constant dense<0.000000e+00> : vector<1024x2048xf32>
    %dot_general3A_12 = tpu.matmul %get3A_1, %get3A_4, %dot_general3A {dimension_numbers = #tpu.dot_dimension_numbers<[1], [1], [0], [0], [0, 0, 1, 0], [], []>, transpose_lhs_hint = false} : vector<1024x128xf32>, vector<2048x128xf32>, vector<1024x2048xf32> -> vector<1024x2048xf32>
    %add3A = vector.broadcast %slice3A : vector<1024x1xf32> to vector<1024x2048xf32>
    %add3A_13 = vector.broadcast %slice3A_11 : vector<1x2048xf32> to vector<1024x2048xf32>
    %add3A_14 = arith.addf %add3A, %add3A_13 : vector<1024x2048xf32>
    %mul3A = arith.constant 2.000000e+00 : f32
    %mul3A_15 = vector.broadcast %mul3A : f32 to vector<1024x2048xf32>
    %mul3A_16 = arith.mulf %mul3A_15, %dot_general3A_12 : vector<1024x2048xf32>
    %sub3A = arith.subf %add3A_14, %mul3A_16 : vector<1024x2048xf32>
    %mul3A_17 = arith.constant 2048 : i32
    %mul3A_18 = arith.muli %arg0, %mul3A_17 : i32
    %iota3A = tpu.iota {dimensions = array<i32: 1>} : vector<1024x2048xi32>
    %add3A_19 = vector.broadcast %mul3A_18 : i32 to vector<1024x2048xi32>
    %add3A_20 = arith.addi %add3A_19, %iota3A : vector<1024x2048xi32>
    %lt3A = arith.constant 100000 : i32
    %lt3A_21 = vector.broadcast %lt3A : i32 to vector<1024x2048xi32>
    %lt3A_22 = arith.cmpi slt, %add3A_20, %lt3A_21 : vector<1024x2048xi32>
    %jit3A = arith.constant 1.000000e+30 : f32
    %broadcast_in_dim3A = vector.broadcast %jit3A : f32 to vector<1024x2048xf32>
    %select_n3A = arith.select %lt3A_22, %sub3A, %broadcast_in_dim3A : vector<1024x2048xi1>, vector<1024x2048xf32>
    %swap3A = arith.constant 0 : index
    %swap3A_23 = arith.constant 0 : index
    %swap3A_24 = vector.load %arg5[%swap3A, %swap3A_23] : memref<1024x2048xf32, #tpu.memory_space<vmem>>, vector<1024x2048xf32>
    tpu.vector_store %arg5[%swap3A, %swap3A_23], %select_n3A {strides = array<i32>} : memref<1024x2048xf32, #tpu.memory_space<vmem>>, vector<1024x2048xf32>,
    return
  }
  func.func @transform_0(%arg0: i32) -> (i32, i32) {
    %c0_i32 = arith.constant 0 : i32
    %c0_i32_0 = arith.constant 0 : i32
    %c0_i32_1 = arith.constant 0 : i32
    return %c0_i32, %c0_i32_0 : i32, i32
  }
  func.func @transform_1(%arg0: i32) -> (i32, i32) {
    %c0_i32 = arith.constant 0 : i32
    %c0_i32_0 = arith.constant 0 : i32
    return %arg0, %c0_i32 : i32, i32
  }
  func.func @transform_2(%arg0: i32) -> (i32, i32) {
    %c0_i32 = arith.constant 0 : i32
    %c0_i32_0 = arith.constant 0 : i32
    %c0_i32_1 = arith.constant 0 : i32
    return %c0_i32, %c0_i32_0 : i32, i32
  }
  func.func @transform_3(%arg0: i32) -> (i32, i32) {
    %c0_i32 = arith.constant 0 : i32
    %c0_i32_0 = arith.constant 0 : i32
    return %c0_i32, %arg0 : i32, i32
  }
  func.func @transform_4(%arg0: i32) -> (i32, i32) {
    %c0_i32 = arith.constant 0 : i32
    %c0_i32_0 = arith.constant 0 : i32
    return %c0_i32, %arg0 : i32, i32
  }
}

</mosaic_0001>

<sc_bundles>
// kernel: kernel.4.cloned.1.call-start
scs
__scs_entry_jumppad:
0x0: {  	(pc) =	sbr.rel $0x88, $3  }
0x1: {  	(tag) =	ssettag $0x0;
	lr =	simm.s32 $0x1  }
0x2: {  	[smem:$0x3F9E] =	sst lr;
	_ =	strace $0xD0000000  }
0x3: {  	_ = 	snop  }
0x4: {  	_ = 	snop  }
0x5: {  	_ = 	snop  }
0x6: {  	_ = 	snop  }
0x7: {  	_ = 	snop  }
__scs_overlays_trampoline_lowered:
0x8: {  	[smem:$0x3FAD] =	sst s0  }
0x9: {  	[smem:$0x3FAE] =	sst s1  }
0xa: {  	[smem:$0x3FAF] =	sst s2  }
0xb: {  	[smem:$0x3FB0] =	sst s3  }
0xc: {  	[smem:$0x3FB1] =	sst s4  }
0xd: {  	[smem:$0x3FB2] =	sst s5  }
0xe: {  	[smem:$0x3FB3] =	sst s6  }
0xf: {  	[smem:$0x3FB4] =	sst s7  }
0x10: {  	[smem:$0x3FB5] =	sst s8  }
0x11: {  	[smem:$0x3FB6] =	sst s9;
	s0 =	simm.s32 @!p0 $0x0  }
0x12: {  	s1 =	sld [smem:$0x3F9C];
	s0 =	simm.s32 @p0 $0x1  }
0x13: {  	[smem:$0x3FB7] =	sst s0;
	s0 =	simm.s32 @!p1 $0x0  }
0x14: {  	s2 =	sld [smem:$0x3F9B];
	s0 =	simm.s32 @p1 $0x1  }
0x15: {  	[smem:$0x3FB8] =	sst s0;
	s0 =	simm.s32 @!p2 $0x0  }
0x16: {  	s3 =	sld [smem:$0x3FDB];
	s0 =	simm.s32 @p2 $0x1  }
0x17: {  	s4 =	simm.s32 $0x1BF5;
	[smem:$0x3FBA] =	sst s0  }
0x18: {  	s0 =	sld [smem:$0x3F9D];
	_ =	swait.ge [sflag:s4], $0x0  }
0x19: {  	s7 =	sld [smem:$0x3F9E]  }
0x1a: {  	s8 =	sadd.s32 $0xFFFFE003, lr  }
0x1b: {  	s9 =	sadd.s32 $0xFFFFFEF7, lr;
	s5 =	simm.s32 $0xFFFFFFFF;
	p2 =	slt.u32 s8, $0xFFFFF086  }
0x1c: {  	p1 =	slt.u32 s9, $0xF7A;
	s5 =	simm.s32 @!p2 $0x0  }
0x1d: {  	s5 =	simm.s32 @p1 $0x1;
	p0 =	seq.s32 s7, s2  }
0x1e: {  	s7 =	smul.u32 @!p0 $0xF7A, s2;
	p2 =	seq.s32 @!p0 s5, $0x0  }
0x1f: {  	s9 =	smul.u32 $0xF7A, s1;
	s8 =	simm.s32 @!p0 $0x1BF5;
	p2 =	por !p2, p0  }
0x20: {  	[sflag:s8] =	ssyncset.s32 @!p0 $0xFFFFF086;
	s6 =	sadd.s32 @!p0 s3, s7;
	s7 =	simm.s32 @!p0 $0x108  }
0x21: {  	s3 =	sadd.s32 s3, s9;
	s6 =	sadd.s32 @!p0 $0x88, s6;
	s7 =	simm.s32 @p2 $0x1082  }
0x22: {  	[simem:s7], [sflag:s8] =	dma.local @!p0 [hbm:s6], $0xF7A  }
0x23: {  	s9 =	sor.u32 $0xD0000000, s2;
	s6 =	simm.s32 $0x108;
	_ =	swait.ge @!p0 [sflag:s8], $0x0  }
0x24: {  	s3 =	sadd.s32 $0x88, s3;
	s6 =	simm.s32 @!p1 $0x1082;
	[sflag:s4] =	ssyncset.s32 $0xFFFFF086  }
0x25: {  	[simem:s6], [sflag:s4] =	dma.local [hbm:s3], $0xF7A  }
0x26: {  	[smem:$0x3F9E] =	sst s1;
	(tag) =	ssettag s2;
	_ =	strace s9  }
0x27: {  	s1 =	sld [smem:$0x3FAE]  }
0x28: {  	s2 =	sld [smem:$0x3FAF]  }
0x29: {  	s4 =	sld [smem:$0x3FB1]  }
0x2a: {  	p0 =	seq.s32 s5, $0x0;
	s5 =	sld [smem:$0x3FB2]  }
0x2b: {  	s6 =	sld [smem:$0x3FB3]  }
0x2c: {  	s7 =	sld [smem:$0x3FB4]  }
0x2d: {  	s3 =	simm.s32 $0x108;
	s8 =	sld [smem:$0x3FB5]  }
0x2e: {  	s3 =	simm.s32 @!p0 $0x1082;
	s9 =	sld [smem:$0x3FB6]  }
0x2f: {  	lr =	sadd.s32 s0, s3;
	s0 =	sld [smem:$0x3FAD]  }
0x30: {  	s3 =	sld [smem:$0x3FB0]  }
0x31: {  	[smem:$0x3FB9] =	sst s10  }
0x32: {  	s10 =	sld [smem:$0x3FB7];
	_ =	sdelay $0x3  }
0x33: {  	p0 =	seq.s32 s10, $0x1;
	s10 =	sld [smem:$0x3FB9];
	_ =	sdelay $0x3  }
0x34: {  	[smem:$0x3FB9] =	sst s10  }
0x35: {  	s10 =	sld [smem:$0x3FB8];
	_ =	sdelay $0x3  }
0x36: {  	p1 =	seq.s32 s10, $0x1;
	s10 =	sld [smem:$0x3FB9];
	_ =	sdelay $0x3  }
0x37: {  	[smem:$0x3FB9] =	sst s10  }
0x38: {  	s10 =	sld [smem:$0x3FBA]  }
0x39: {  	_ = 	snop;
	(pc) =	sbr.ind lr, $3  }
0x3a: {  	_ = 	snop  }
0x3b: {  	_ = 	snop  }
0x3c: {  	p2 =	seq.s32 s10, $0x1;
	s10 =	sld [smem:$0x3FB9]  }
0x3d: {  	_ =	shalt  }
0x3e: {  	_ =	shalt  }
0x3f: {  	_ =	shalt  }
0x40: {  	_ =	shalt  }
0x41: {  	_ =	shalt  }
0x42: {  	_ =	shalt  }
0x43: {  	_ =	shalt  }
0x44: {  	_ =	shalt  }
0x45: {  	_ =	shalt  }
0x46: {  	_ =	shalt  }
0x47: {  	_ =	shalt  }
0x48: {  	_ =	shalt  }
0x49: {  	_ =	shalt  }
0x4a: {  	_ =	shalt  }
0x4b: {  	_ =	shalt  }
0x4c: {  	_ =	shalt  }
0x4d: {  	_ =	shalt  }
0x4e: {  	_ =	shalt  }
0x4f: {  	_ =	shalt  }
0x50: {  	_ =	shalt  }
0x51: {  	_ =	shalt  }
0x52: {  	_ =	shalt  }
0x53: {  	_ =	shalt  }
0x54: {  	_ =	shalt  }
0x55: {  	_ =	shalt  }
0x56: {  	_ =	shalt  }
0x57: {  	_ =	shalt  }
0x58: {  	_ =	shalt  }
0x59: {  	_ =	shalt  }
0x5a: {  	_ =	shalt  }
0x5b: {  	_ =	shalt  }
0x5c: {  	_ =	shalt  }
0x5d: {  	_ =	shalt  }
0x5e: {  	_ =	shalt  }
0x5f: {  	_ =	shalt  }
0x60: {  	_ =	shalt  }
0x61: {  	_ =	shalt  }
0x62: {  	_ =	shalt  }
0x63: {  	_ =	shalt  }
0x64: {  	_ =	shalt  }
0x65: {  	_ =	shalt  }
0x66: {  	_ =	shalt  }
0x67: {  	_ =	shalt  }
0x68: {  	_ =	shalt  }
0x69: {  	_ =	shalt  }
0x6a: {  	_ =	shalt  }
0x6b: {  	_ =	shalt  }
0x6c: {  	_ =	shalt  }
0x6d: {  	_ =	shalt  }
0x6e: {  	_ =	shalt  }
0x6f: {  	_ =	shalt  }
0x70: {  	_ =	shalt  }
0x71: {  	_ =	shalt  }
0x72: {  	_ =	shalt  }
0x73: {  	_ =	shalt  }
0x74: {  	_ =	shalt  }
0x75: {  	_ =	shalt  }
0x76: {  	_ =	shalt  }
0x77: {  	_ =	shalt  }
0x78: {  	_ =	shalt  }
0x79: {  	_ =	shalt  }
0x7a: {  	_ =	shalt  }
0x7b: {  	_ =	shalt  }
0x7c: {  	_ =	shalt  }
0x7d: {  	_ =	shalt  }
0x7e: {  	_ =	shalt  }
0x7f: {  	_ =	shalt  }
0x80: {  	_ =	shalt  }
0x81: {  	_ =	shalt  }
0x82: {  	_ =	shalt  }
0x83: {  	_ =	shalt  }
0x84: {  	_ =	shalt  }
0x85: {  	_ =	shalt  }
0x86: {  	_ =	shalt  }
0x87: {  	_ =	shalt  }
.Lfunc_end0:
.L_simem_size_0:
called_computation_lowered:
.L_overlay_start_0:
0x88: {  	s2 =	sld [smem:$0x3FD9]  }
0x89: {  	s3 =	sld [smem:$0x3FFE];
	_ =	sdelay $0x1  }
0x8a: {  	s1 =	srdreg.scid  }
0x8b: {  	s0 =	sand.u32 $0x1, s1  }
0x8c: {  	s17 =	sshll.u32 s0, $0xA;
	s2 =	sadd.s32 s3, s2  }
0x8d: {  	s2 =	sadd.s32 s2, s17  }
0x8e: {  	[smem:$0x3FC5] =	sst s2  }
0x8f: {  	_ = 	snop  }
0x90: {  	s2 =	sld [smem:$0x3FC7];
	(tm) =	ssettm $0x1  }
0x91: {  	s18 =	sld [smem:$0x3FFB];
	_ =	sdelay $0x3  }
0x92: {  	_ =	strace s18  }
0x93: {  	s3 =	sld [smem:$0x3FFC];
	_ =	sdelay $0x3  }
0x94: {  	_ =	strace s3  }
0x95: {  	s3 =	sld [smem:$0x3FFD];
	_ =	sdelay $0x3  }
0x96: {  	_ =	strace s3  }
0x97: {  	_ =	strace $0x8FFFFFFF  }
0x98: {  	s19 =	sld [smem:$0x3FDB];
	_ =	sdelay $0x1  }
0x99: {  	s4 =	simm.s32 $_scs_section_size  }
0x9a: {  	s5 =	simm.s32 $_size__tile_overlayer_lowered;
	s6 =	simm.s32 $_tile_overlayer_lowered  }
0x9b: {  	s22 =	simm.s32 $0x1BFF;
	s21 =	sshll.u32 s6, $0x1;
	s3 =	sadd.s32 s4, s19  }
0x9c: {  	s7 =	simm.s32 $0x0;
	s20 =	sshll.u32 s5, $0x1;
	s5 =	sadd.s32 s21, s3  }
0x9d: {  	[timem:s7], [sflag:s22] =	dma.local [hbm:s5], s20  }
0x9e: {  	_ =	swait.ge [sflag:s22], s20  }
0x9f: {  	s4 =	ssub.s32 $0x0, s20;
	[sflag:s22] =	ssyncset.done $0x0  }
0xa0: {  	[sflag:s22] =	ssyncadd.s32 s4;
	_ =	sdelay $0x1  }
0xa1: {  	s23 =	simm.s32 $0x1B8B  }
0xa2: {  	_ =	swait.ge [sflag:s23], $0x1  }
0xa3: {  	[sflag:s23] =	ssyncset.done $0x0  }
0xa4: {  	s25 =	simm.s32 $0x1B8E;
	s24 =	sld [smem:$0x3FFE];
	[sflag:s23] =	ssyncadd.s32 $0xFFFFFFFF  }
0xa5: {  	s26 =	simm.s32 $execute0_lowered;
	[smem:$0x3FD2] =	sst s25  }
0xa6: {  	s5 =	sshll.u32 s26, $0x1;
	_ =	strace $0x80000046;
	[dreg:$0x1] =	wrdreg $0xFFFFFFFF  }
0xa7: {  	s28 =	simm.s32 $_size_execute0_lowered;
	s3 =	sadd.s32 s3, s5;
	[dreg:$0x0] =	wrdreg $0x0  }
0xa8: {  	s5 =	sshll.u32 s28, $0x1;
	[dreg:$0x2] =	wrdreg s3  }
0xa9: {  	[dreg:$0x3] =	wrdreg s5  }
0xaa: {  	[dreg:$0x4] =	wrdreg $0xC0  }
0xab: {  	_ =	task [dreg:s7], $0x5FFFF  }
0xac: {  	[dreg:$0x1] =	wrdreg $0xFFFFFFFF  }
0xad: {  	[dreg:$0x0] =	wrdreg $0x60  }
0xae: {  	[dreg:$0x2] =	wrdreg s24  }
0xaf: {  	[dreg:$0x3] =	wrdreg s2  }
0xb0: {  	[dreg:$0x4] =	wrdreg $0x9  }
0xb1: {  	_ =	task.clear_ibuf [dreg:s7], $0x5FFFF;
	_ =	strace $0x90000046  }
0xb2: {  	s29 =	simm.s32 $0x9;
	_ =	strace $0x80000048  }
0xb3: {  	_ =	swait.ge [sflag:s29], $0x1  }
0xb4: {  	[sflag:s29] =	ssyncadd.s32 $0xFFFFFFFF  }
0xb5: {  	_ =	strace $0x90000048  }
0xb6: {  	_ =	sfence  }
0xb7: {  	s30 =	sld [smem:$0x0];
	_ =	sdelay $0x2  }
0xb8: {  	s31 =	sshll.u32 s1, $0xD;
	s1 =	sshrl.u32 s1, $0x2  }
0xb9: {  	s3 =	sand.u32 $0x4000, s31;
	s1 =	sadd.s32 s1, s30  }
0xba: {  	s0 =	sor.u32 s3, s0;
	s1 =	sshll.u32 s1, $0x11  }
0xbb: {  	s0 =	sor.u32 s1, s0  }
0xbc: {  	s0 =	sadd.s32 $0x8F2B, s0  }
0xbd: {  	[sflag:s0] =	ssyncadd.remote.s32 $0x1  }
0xbe: {  	_ =	sfence.sel $0xFFFF  }
0xbf: {  	[dreg:$0x0] =	wrdreg $0xFFFFFFFF;
	(pc) =	sbr.abs _section_cstart, $3  }
0xc0: {  	[dreg:$0x1] =	wrdreg $0xFFFFFFFF  }
0xc1: {  	_ =	task.clear_ibuf [dreg:s7], $0x2FFFF;
	_ =	strace $0x9FFFFFFF  }
0xc2: {  	(tm) =	ssettm $0x7FFFFFFF  }
0xc3: {  	_ =	shalt  }
tec
execute0_lowered:
.L_overlay_start_1:
0x0: {  	(tag) =	ssettag $0x1  }
0x1: {  	v0 =	vimm.s32 $0xFEDCBA98  }
0x2: {  	v1 =	vimm.s32 $0x76543210;
	v0 =	vunpack.c.l.s4.s8 v0  }
0x3: {  	v1 =	vunpack.c.l.s4.s8 v1  }
0x4: {  	v0 =	vunpack.c.0.s8.s32 v0  }
0x5: {  	v1 =	vunpack.c.0.s8.s32 v1  }
0x6: {  	s0 =	rddreg [dreg:$0x0];
	v0 =	vand.u32 $0xF, v0  }
0x7: {  	s2 =	rddreg [dreg:$0x1];
	s3 =	simm.s32 $0x0;
	vm0 =	vmmov $0x1;
	v1 =	vcombine.low v0, v1;
	v0 =	vimm.s32 $0x0  }
0x8: {  	[smem:$0x7FF] =	sst s3;
	v0 =	vsel vm0, $0xFFFFFFFF, v0  }
0x9: {  	s1 =	rddreg [dreg:$0x2];
	vm1 =	vmmov $0x3;
	_ =	strace $0x80000047;
	[tilespmem:$0x1FF10] =	vst v0;
	v0 =	vimm.s32 $0x0  }
0xa: {  	v0 =	vsel vm1, $0xFFFFFFFF, v0  }
0xb: {  	vm2 =	vmmov $0x7;
	[tilespmem:$0x1FF20] =	vst v0;
	v0 =	vimm.s32 $0x0  }
0xc: {  	v0 =	vsel vm2, $0xFFFFFFFF, v0  }
0xd: {  	vm3 =	vmmov $0xf;
	[tilespmem:$0x1FF30] =	vst v0;
	v0 =	vimm.s32 $0x0  }
0xe: {  	v0 =	vsel vm3, $0xFFFFFFFF, v0  }
0xf: {  	vm4 =	vmmov $0x1f;
	[tilespmem:$0x1FF40] =	vst v0;
	v0 =	vimm.s32 $0x0  }
0x10: {  	v0 =	vsel vm4, $0xFFFFFFFF, v0  }
0x11: {  	vm5 =	vmmov $0x3f;
	[tilespmem:$0x1FF50] =	vst v0;
	v0 =	vimm.s32 $0x0  }
0x12: {  	v0 =	vsel vm5, $0xFFFFFFFF, v0  }
0x13: {  	vm6 =	vmmov $0x7f;
	[tilespmem:$0x1FF60] =	vst v0;
	v0 =	vimm.s32 $0x0  }
0x14: {  	v0 =	vsel vm6, $0xFFFFFFFF, v0  }
0x15: {  	vm7 =	vmmov $0xff;
	[tilespmem:$0x1FF70] =	vst v0;
	v0 =	vimm.s32 $0x0  }
0x16: {  	v2 =	vimm.s32 $0xBA98FEDC;
	v3 =	vimm.s32 $0x32107654;
	v0 =	vsel vm7, $0xFFFFFFFF, v0  }
0x17: {  	v4 =	vimm.s32 $0xDCFE98BA;
	vm8 =	vmmov $0x1ff;
	[tilespmem:$0x1FF80] =	vst v0;
	v0 =	vimm.s32 $0x0  }
0x18: {  	v5 =	vimm.s32 $0x54761032;
	v6 =	vimm.s32 $0xEFCDAB89;
	v0 =	vsel vm8, $0xFFFFFFFF, v0  }
0x19: {  	v7 =	vimm.s32 $0x67452301;
	vm9 =	vmmov $0x3ff;
	[tilespmem:$0x1FF90] =	vst v0;
	v0 =	vimm.s32 $0x0  }
0x1a: {  	vm10 =	vmmov $0x7ff;
	vm11 =	vmmov $0xfff;
	v0 =	vsel vm9, $0xFFFFFFFF, v0  }
0x1b: {  	vm12 =	vmmov $0x1fff;
	vm13 =	vmmov $0x3fff;
	[tilespmem:$0x1FFA0] =	vst v0;
	v0 =	vimm.s32 $0x0  }
0x1c: {  	v2 =	vunpack.c.l.s4.s8 v2;
	v3 =	vunpack.c.l.s4.s8 v3;
	v0 =	vsel vm10, $0xFFFFFFFF, v0  }
0x1d: {  	v4 =	vunpack.c.l.s4.s8 v4;
	v5 =	vunpack.c.l.s4.s8 v5;
	[tilespmem:$0x1FFB0] =	vst v0;
	v0 =	vimm.s32 $0x0  }
0x1e: {  	v6 =	vunpack.c.l.s4.s8 v6;
	v7 =	vunpack.c.l.s4.s8 v7;
	v0 =	vsel vm11, $0xFFFFFFFF, v0  }
0x1f: {  	s5 =	srdreg.scid;
	s12 =	simm.s32 $0x40;
	s13 =	simm.s32 $0x18C00;
	v2 =	vunpack.c.0.s8.s32 v2;
	v3 =	vunpack.c.0.s8.s32 v3;
	[tilespmem:$0x1FFC0] =	vst v0;
	v0 =	vimm.s32 $0x0  }
0x20: {  	s14 =	simm.s32 $0x18C80;
	s15 =	simm.s32 $0x1;
	s16 =	simm.s32 $0x18B80;
	v4 =	vunpack.c.0.s8.s32 v4;
	v5 =	vunpack.c.0.s8.s32 v5;
	v0 =	vsel vm12, $0xFFFFFFFF, v0  }
0x21: {  	s17 =	simm.s32 $0x0;
	s4 =	sadd.s32 $0x30EA00, s0;
	s7 =	sand.u32 $0x1, s5;
	v6 =	vunpack.c.0.s8.s32 v6;
	v7 =	vunpack.c.0.s8.s32 v7;
	[tilespmem:$0x1FFD0] =	vst v0;
	v0 =	vimm.s32 $0x0  }
0x22: {  	vm14 =	vmmov $0x7fff;
	s6 =	sadd.s32 $0x4000, s0;
	s5 =	stileid.u32;
	s8 =	ssub.s32 $0x2, s7;
	v2 =	vcombine.low v3, v2;
	v0 =	vsel vm13, $0xFFFFFFFF, v0  }
0x23: {  	s10 =	sshll.u32 s5, $0x6;
	s11 =	sshll.u32 s7, $0x5;
	s9 =	sshrl.u32 s8, $0x1;
	v3 =	vcombine.low v5, v4;
	v4 =	vcombine.low v7, v6;
	[tilespmem:$0x1FFE0] =	vst v0;
	v0 =	vimm.s32 $0x0  }
0x24: {  	s7 =	sadd.s32 $0x8000, s0;
	s9 =	ssub.s32 s8, s9;
	s8 =	sor.u32 s11, s10;
	v0 =	vsel vm14, $0xFFFFFFFF, v0  }
0x25: {  	s10 =	simm.s32 $0x80;
	s11 =	simm.s32 $0x2;
	s9 =	smax.u32 s9, $0x1;
	v2 =	vand.u32 $0xF, v2;
	v3 =	vand.u32 $0xF, v3;
	v4 =	vand.u32 $0xF, v4;
	[tilespmem:$0x1FFF0] =	vst v0  }
.LBB2_1:
0x26: {  	s18 =	simm.s32 $0x0  }
.LBB2_2:
0x27: {  	s19 =	sadd.s32 s8, s18  }
0x28: {  	s19 =	sshrl.u32 s19, $0x3  }
0x29: {  	s20 =	sshll.u32 s18, $0x7;
	s21 =	smul.u32 $0xC4000, s19  }
0x2a: {  	s20 =	sand.u32 $0x380, s20  }
0x2b: {  	s21 =	sor.u32 s20, s21  }
0x2c: {  	s21 =	sshrl.u32 s21, $0x3  }
0x2d: {  	s22 =	simm.s32 $0x400;
	s23 =	sadd.s32 s4, s21;
	s21 =	simm.s32 $0x0  }
0x2e: {  	[tilespmem:s21], [sflag:$0x2] =	stream.strided.gather [hbm4b:s23+s10], $0x18800, s22, s10, $0x38;
	[tilespmem:$0x18D00] =	vst v63  }
0x2f: {  	_ =	swait.ge [sflag:s11], $0x18800  }
0x30: {  	[sflag:s11] =	ssyncset.done $0x0  }
0x31: {  	v0 =	vimm.s32 $0x0;
	[sflag:s11] =	ssyncadd.s32 $0xFFFE7800  }
0x32: {  	[tilespmem:$0x18C00] =	vst v0  }
0x33: {  	[tilespmem:$0x18C10] =	vst v0  }
0x34: {  	[tilespmem:$0x18C20] =	vst v0  }
0x35: {  	[tilespmem:$0x18C30] =	vst v0  }
0x36: {  	v6 =	vld [tilespmem:s22+$0xFFFFFCB0]  }
0x37: {  	v10 =	vld [tilespmem:s22+$0xFFFFFCA0]  }
0x38: {  	v11 =	vld [tilespmem:s22+$0xFFFFFC90]  }
0x39: {  	v12 =	vld [tilespmem:s22+$0xFFFFFC80]  }
0x3a: {  	v13 =	vld [tilespmem:s22+$0xFFFFFCC0]  }
0x3b: {  	v14 =	vld [tilespmem:s22+$0x3F0]  }
0x3c: {  	v15 =	vld [tilespmem:s22+$0xFFFFFCD0]  }
0x3d: {  	v16 =	vld [tilespmem:s22+$0xFFFFFCE0]  }
0x3e: {  	v17 =	vld [tilespmem:s22+$0x3E0]  }
0x3f: {  	v18 =	vld [tilespmem:s22+$0xFFFFFCF0]  }
0x40: {  	v20 =	vld [tilespmem:s22+$0x3D0]  }
0x41: {  	v23 =	vld [tilespmem:s22+$0x270]  }
0x42: {  	v21 =	vld [tilespmem:s22+$0x3A0]  }
0x43: {  	v24 =	vld [tilespmem:s22+$0x340]  }
0x44: {  	v25 =	vld [tilespmem:s22+$0x3C0]  }
0x45: {  	v26 =	vld [tilespmem:s22+$0x3B0]  }
0x46: {  	v27 =	vld [tilespmem:s22+$0x390]  }
0x47: {  	v28 =	vld [tilespmem:s22+$0x380]  }
0x48: {  	v29 =	vld [tilespmem:s22+$0x360]  }
0x49: {  	v30 =	vld [tilespmem:s22+$0x370]  }
0x4a: {  	v31 =	vld [tilespmem:s22+$0x350]  }
0x4b: {  	v32 =	vld [tilespmem:s22+$0x320]  }
0x4c: {  	v33 =	vld [tilespmem:s22+$0x2B0]  }
0x4d: {  	v34 =	vld [tilespmem:s22+$0x330]  }
0x4e: {  	v35 =	vld [tilespmem:s22+$0x300]  }
0x4f: {  	v36 =	vld [tilespmem:s22+$0x2F0]  }
0x50: {  	v37 =	vld [tilespmem:s22+$0x2C0]  }
0x51: {  	v38 =	vld [tilespmem:s22+$0x310]  }
0x52: {  	v5 =	vld [tilespmem:s22+$0xE0]  }
0x53: {  	v39 =	vld [tilespmem:s22+$0x2D0]  }
0x54: {  	v40 =	vld [tilespmem:s22+$0x2A0]  }
0x55: {  	v41 =	vld [tilespmem:s22+$0x2E0]  }
0x56: {  	v42 =	vld [tilespmem:s22+$0x290]  }
0x57: {  	v43 =	vld [tilespmem:s22+$0x280]  }
0x58: {  	v44 =	vld [tilespmem:s22+$0x250]  }
0x59: {  	v45 =	vld [tilespmem:s22+$0x220]  }
0x5a: {  	v7 =	vld [tilespmem:s22+$0x170]  }
0x5b: {  	v19 =	vld [tilespmem:s22+$0x160]  }
0x5c: {  	v46 =	vld [tilespmem:s22+$0x260]  }
0x5d: {  	v22 =	vld [tilespmem:s22+$0x150]  }
0x5e: {  	v47 =	vld [tilespmem:s22+$0x1F0]  }
0x5f: {  	v48 =	vld [tilespmem:s22+$0x230]  }
0x60: {  	v49 =	vld [tilespmem:s22+$0x140]  }
0x61: {  	v50 =	vld [tilespmem:s22+$0x240]  }
0x62: {  	v51 =	vld [tilespmem:s22+$0x1D0]  }
0x63: {  	v52 =	vld [tilespmem:s22+$0x210]  }
0x64: {  	v53 =	vld [tilespmem:s22+$0x200]  }
0x65: {  	v54 =	vld [tilespmem:s22+$0x1C0]  }
0x66: {  	v55 =	vld [tilespmem:s22+$0x1B0]  }
0x67: {  	v56 =	vld [tilespmem:s22+$0x1A0]  }
0x68: {  	v8 =	vld [tilespmem:s22+$0xD0]  }
0x69: {  	v57 =	vld [tilespmem:s22+$0x1E0]  }
0x6a: {  	v58 =	vld [tilespmem:s22+$0x190]  }
0x6b: {  	v59 =	vld [tilespmem:s22+$0x180]  }
0x6c: {  	v9 =	vld [tilespmem:s22+$0xC0]  }
0x6d: {  	v60 =	vld [tilespmem:s22+$0x130]  }
0x6e: {  	v61 =	vld [tilespmem:s22+$0x120];
	v11 =	vmin.f32 v12, v11  }
0x6f: {  	v62 =	vld [tilespmem:s22+$0x110];
	v10 =	vmin.f32 v11, v10  }
0x70: {  	v63 =	vld [tilespmem:s22+$0x100];
	v6 =	vmin.f32 v10, v6  }
0x71: {  	v0 =	vld [tilespmem:s22+$0xFFFFFFE0];
	v6 =	vmin.f32 v6, v13  }
0x72: {  	v11 =	vmin.f32 v28, v27;
	v27 =	vld [tilespmem:s22+$0xFFFFFF40];
	v6 =	vmin.f32 v6, v15  }
0x73: {  	v28 =	vld [tilespmem:s22+$0xFFFFFFF0];
	v11 =	vmin.f32 v11, v21;
	v6 =	vmin.f32 v6, v16  }
0x74: {  	v10 =	vld [tilespmem:s22+$0xA0];
	v11 =	vmin.f32 v11, v26;
	v6 =	vmin.f32 v6, v18  }
0x75: {  	v21 =	vld [tilespmem:s22+$0xFFFFFF70];
	v11 =	vmin.f32 v11, v25;
	v12 =	vperm.xlane v6, v1  }
0x76: {  	v26 =	vld [tilespmem:s22+$0xFFFFFF50];
	v11 =	vmin.f32 v11, v20  }
0x77: {  	v15 =	vld [tilespmem:s22+$0xFFFFFEF0];
	v11 =	vmin.f32 v11, v17;
	v6 =	vmin.f32 v6, v12  }
0x78: {  	v25 =	vld [tilespmem:s22+$0xFFFFFF60];
	v11 =	vmin.f32 v11, v14;
	v12 =	vperm.xlane v6, v2  }
0x79: {  	v16 =	vld [tilespmem:s22+$0xFFFFFEE0];
	v13 =	vperm.xlane v11, v1  }
0x7a: {  	v18 =	vld [tilespmem:s22+$0xFFFFFED0];
	v6 =	vmin.f32 v6, v12  }
0x7b: {  	v17 =	vld [tilespmem:s22+$0xFFFFFFD0];
	v11 =	vmin.f32 v11, v13;
	v12 =	vperm.xlane v6, v3  }
0x7c: {  	v13 =	vmin.f32 v35, v38;
	v35 =	vld [tilespmem:s22+$0xFFFFFFC0];
	v14 =	vperm.xlane v11, v2  }
0x7d: {  	v6 =	vmin.f32 v6, v12;
	v12 =	vmin.f32 v13, v32;
	v32 =	vld [tilespmem:s22+$0xFFFFFFB0]  }
0x7e: {  	v14 =	vmin.f32 v11, v14;
	v13 =	vperm.xlane v6, v4;
	v12 =	vmin.f32 v12, v34;
	v34 =	vld [tilespmem:s22+$0xFFFFFFA0]  }
0x7f: {  	v38 =	vperm.xlane v14, v3;
	v12 =	vmin.f32 v12, v24;
	v24 =	vld [tilespmem:s22+$0xFFFFFF90]  }
0x80: {  	v11 =	vmin.f32 v6, v13;
	v6 =	vmin.f32 v12, v31;
	v31 =	vld [tilespmem:s22+$0xFFFFFF80]  }
0x81: {  	v12 =	vmin.f32 v14, v38;
	v38 =	vld [tilespmem:s22+$0xFFFFFF00]  }
0x82: {  	v62 =	vmin.f32 v63, v62;
	v13 =	vmin.f32 v43, v42;
	v42 =	vld [tilespmem:s22+$0xFFFFFE80];
	v6 =	vmin.f32 v6, v29  }
0x83: {  	v29 =	vld [tilespmem:s22+$0xFFFFFEC0];
	v20 =	vperm.xlane v12, v4;
	v14 =	vmin.f32 v6, v30;
	v6 =	vmin.f32 v13, v40  }
0x84: {  	v13 =	vmin.f32 v53, v52;
	v30 =	vld [tilespmem:s22+$0xFFFFFF30];
	v52 =	vmin.f32 v59, v58;
	v6 =	vmin.f32 v6, v33  }
0x85: {  	v40 =	vld [tilespmem:s22+$0xFFFFFF20];
	v13 =	vmin.f32 v13, v45;
	v45 =	vperm.xlane v14, v1;
	v37 =	vmin.f32 v6, v37  }
0x86: {  	v33 =	vld [tilespmem:s22+$0xFFFFFEB0];
	v13 =	vmin.f32 v13, v48;
	v6 =	vmin.f32 v12, v20;
	v12 =	vmin.f32 v37, v39  }
0x87: {  	v20 =	vld [tilespmem:s22+$0xFFFFFD60];
	v13 =	vmin.f32 v13, v50;
	v14 =	vmin.f32 v14, v45;
	v39 =	vmin.f32 v52, v56  }
0x88: {  	v37 =	vld [tilespmem:s22+$0xFFFFFF10];
	v24 =	vmin.f32 v31, v24;
	v12 =	vmin.f32 v12, v41;
	v13 =	vmin.f32 v13, v44  }
0x89: {  	v45 =	vld [tilespmem:s22+$0xFFFFFDF0];
	v48 =	vperm.xlane v14, v2;
	v39 =	vmin.f32 v39, v55;
	v44 =	vmin.f32 v62, v61  }
0x8a: {  	v31 =	vld [tilespmem:s22+$0xFFFFFD50];
	v12 =	vmin.f32 v12, v36;
	v13 =	vmin.f32 v13, v46;
	v39 =	vmin.f32 v39, v54  }
0x8b: {  	v41 =	vld [tilespmem:s22+$0xFFFFFE90];
	v44 =	vmin.f32 v44, v60;
	v13 =	vmin.f32 v13, v23;
	v50 =	vperm.xlane v12, v1  }
0x8c: {  	v61 =	vld [tilespmem:s22+$0xFFFFFE10];
	v14 =	vmin.f32 v14, v48;
	v39 =	vmin.f32 v39, v51;
	v44 =	vmin.f32 v44, v49  }
0x8d: {  	v36 =	vld [tilespmem:s22+$0xFFFFFEA0];
	v53 =	vperm.xlane v13, v1;
	v39 =	vmin.f32 v39, v57;
	v22 =	vmin.f32 v44, v22  }
0x8e: {  	v46 =	vld [tilespmem:s22+$0xFFFFFDE0];
	v58 =	vmin.f32 v12, v50;
	v12 =	vperm.xlane v14, v3;
	v39 =	vmin.f32 v39, v47  }
0x8f: {  	v23 =	vld [tilespmem:s22+$0xFFFFFD70];
	v19 =	vmin.f32 v22, v19;
	v56 =	vmin.f32 v38, v37;
	v13 =	vmin.f32 v13, v53  }
0x90: {  	v48 =	vld [tilespmem:s22+$0xFFFFFDD0];
	v59 =	vperm.xlane v58, v2;
	v52 =	vperm.xlane v39, v1;
	v53 =	vmin.f32 v24, v34  }
0x91: {  	v49 =	vld [tilespmem:s22+$0xFFFFFE60];
	v7 =	vmin.f32 v19, v7;
	v57 =	vmin.f32 v56, v40;
	v12 =	vmin.f32 v14, v12  }
0x92: {  	v50 =	vld [tilespmem:s22+$0xFFFFFE70];
	v14 =	vperm.xlane v13, v2;
	v22 =	vmin.f32 v53, v32;
	v55 =	vperm.xlane v7, v1  }
0x93: {  	v37 =	vld [tilespmem:s22+$0xFFFFFE40];
	v43 =	vmin.f32 v58, v59;
	v39 =	vmin.f32 v39, v52;
	v22 =	vmin.f32 v22, v35  }
0x94: {  	v47 =	vld [tilespmem:s22+$0xFFFFFD90];
	v58 =	vmin.f32 v57, v30;
	v59 =	vmin.f32 v42, v41;
	v14 =	vmin.f32 v13, v14  }
0x95: {  	v24 =	vld [tilespmem:s22+$0xFFFFFD40];
	v13 =	vperm.xlane v43, v3;
	v54 =	vperm.xlane v39, v2;
	v17 =	vmin.f32 v22, v17  }
0x96: {  	v32 =	vld [tilespmem:s22+$0xFFFFFE50];
	v7 =	vmin.f32 v7, v55;
	v62 =	vmin.f32 v59, v36;
	v63 =	vperm.xlane v14, v3  }
0x97: {  	v35 =	vld [tilespmem:s22+$0xFFFFFE30];
	v0 =	vmin.f32 v17, v0;
	v17 =	vmin.f32 v58, v27;
	v41 =	vperm.xlane v7, v2  }
0x98: {  	v30 =	vld [tilespmem:s22+$0xFFFFFDA0];
	v13 =	vmin.f32 v43, v13;
	v19 =	vmin.f32 v39, v54;
	v0 =	vmin.f32 v0, v28  }
0x99: {  	v52 =	vld [tilespmem:s22+$0xFFFFFD80];
	v17 =	vmin.f32 v17, v26;
	v28 =	vmin.f32 v62, v33;
	v14 =	vmin.f32 v14, v63  }
0x9a: {  	v22 =	vld [tilespmem:s22+$0xFFFFFE20];
	v60 =	vperm.xlane v19, v3;
	v40 =	vperm.xlane v0, v1;
	v17 =	vmin.f32 v17, v25  }
0x9b: {  	v63 =	vld [tilespmem:s22+$0xFFFFFE00];
	v28 =	vmin.f32 v28, v29;
	v7 =	vmin.f32 v7, v41;
	v17 =	vmin.f32 v17, v21  }
0x9c: {  	v55 =	vld [tilespmem:s22+$0xFFFFFD30];
	v18 =	vmin.f32 v28, v18;
	v42 =	vmin.f32 v0, v40;
	v43 =	vperm.xlane v17, v1  }
0x9d: {  	v21 =	vld [tilespmem:s22+$0xFFFFFDB0];
	v56 =	vperm.xlane v7, v3;
	v16 =	vmin.f32 v18, v16;
	v44 =	vperm.xlane v42, v2  }
0x9e: {  	v25 =	vld [tilespmem:s22+$0xFFFFFDC0];
	v0 =	vmin.f32 v19, v60;
	v15 =	vmin.f32 v16, v15;
	v51 =	vmin.f32 v17, v43  }
0x9f: {  	v59 =	vld [tilespmem:s22+$0xFFFFFD10];
	v53 =	vperm.xlane v15, v1;
	v17 =	vmin.f32 v52, v47;
	v19 =	vmin.f32 v42, v44  }
0xa0: {  	v58 =	vld [tilespmem:s22+$0xFFFFFD20];
	v54 =	vperm.xlane v51, v2;
	v26 =	vmin.f32 v63, v61;
	v17 =	vmin.f32 v17, v30  }
0xa1: {  	v40 =	vld [tilespmem:s22+$0xFFFFFC10];
	v57 =	vperm.xlane v19, v3;
	v28 =	vmin.f32 v15, v53;
	v15 =	vmin.f32 v26, v22  }
0xa2: {  	v61 =	vld [tilespmem:s22+$0xFFFFFD00];
	v17 =	vmin.f32 v17, v21;
	v16 =	vmin.f32 v51, v54;
	v60 =	vperm.xlane v28, v2  }
0xa3: {  	v63 =	vld [tilespmem:s22+$0xFFFFFC00];
	v35 =	vmin.f32 v15, v35;
	v15 =	vmin.f32 v7, v56;
	v17 =	vmin.f32 v17, v25  }
0xa4: {  	v43 =	vld [tilespmem:s22+$0xFFFFFC20];
	v29 =	vperm.xlane v16, v3;
	v7 =	vmin.f32 v19, v57;
	v62 =	vmin.f32 v35, v37  }
0xa5: {  	v44 =	vld [tilespmem:s22+$0xFFFFFC30];
	v35 =	vperm.xlane v13, v4;
	v17 =	vmin.f32 v17, v48;
	v26 =	vmin.f32 v28, v60  }
0xa6: {  	v53 =	vld [tilespmem:s22+$0xFFFFFC70];
	v19 =	vmin.f32 v62, v32;
	v32 =	vperm.xlane v12, v4;
	v36 =	vperm.xlane v7, v4  }
0xa7: {  	v51 =	vld [tilespmem:s22+$0xFFFFFC60];
	v17 =	vmin.f32 v17, v46;
	v16 =	vmin.f32 v16, v29;
	v41 =	vperm.xlane v26, v3  }
0xa8: {  	v42 =	vmin.f32 v19, v49;
	v49 =	vld [tilespmem:s22+$0xFFFFFC40];
	v22 =	vmin.f32 v61, v59;
	v28 =	vmin.f32 v63, v40  }
0xa9: {  	v17 =	vmin.f32 v17, v45;
	v59 =	vld [tilespmem:s22+$0x80];
	v18 =	vmin.f32 v42, v50;
	v52 =	vperm.xlane v16, v4  }
0xaa: {  	v50 =	vld [tilespmem:s22+$0xFFFFFC50];
	v22 =	vmin.f32 v22, v58;
	v19 =	vmin.f32 v28, v43;
	v57 =	vperm.xlane v17, v1  }
0xab: {  	v58 =	vld [tilespmem:s22+$0x90];
	v26 =	vmin.f32 v26, v41;
	v47 =	vperm.xlane v18, v1;
	v22 =	vmin.f32 v22, v55  }
0xac: {  	v56 =	vld [tilespmem:s22+$0x10];
	v19 =	vmin.f32 v19, v44;
	v22 =	vmin.f32 v22, v24;
	v17 =	vmin.f32 v17, v57  }
0xad: {  	v55 =	vld [tilespmem:s22+$0x0];
	v40 =	vperm.xlane v26, v4;
	v16 =	vmin.f32 v16, v52;
	v18 =	vmin.f32 v18, v47  }
0xae: {  	v60 =	vld [tilespmem:s22+$0x20];
	v22 =	vmin.f32 v22, v31;
	v61 =	vperm.xlane v17, v2;
	v19 =	vmin.f32 v19, v49  }
0xaf: {  	v63 =	vld [tilespmem:s22+$0xB0];
	v54 =	vperm.xlane v18, v2;
	v20 =	vmin.f32 v22, v20;
	v19 =	vmin.f32 v19, v50  }
0xb0: {  	v42 =	vld [tilespmem:s22+$0x30];
	v20 =	vmin.f32 v20, v23;
	v17 =	vmin.f32 v17, v61;
	v22 =	vmin.f32 v59, v58  }
0xb1: {  	v44 =	vld [tilespmem:s22+$0x40];
	v18 =	vmin.f32 v18, v54;
	v19 =	vmin.f32 v19, v51;
	v62 =	vperm.xlane v20, v1  }
0xb2: {  	v47 =	vld [tilespmem:s22+$0x50];
	v45 =	vperm.xlane v17, v3;
	v24 =	vmin.f32 v55, v56;
	v10 =	vmin.f32 v22, v10  }
0xb3: {  	v48 =	vld [tilespmem:s22+$0x60];
	v41 =	vperm.xlane v18, v3;
	v19 =	vmin.f32 v19, v53;
	v23 =	vmin.f32 v24, v60  }
0xb4: {  	v52 =	vld [tilespmem:s22+$0xF0];
	v10 =	vmin.f32 v10, v63;
	v43 =	vperm.xlane v19, v1;
	v20 =	vmin.f32 v20, v62  }
0xb5: {  	v49 =	vld [tilespmem:s22+$0x70];
	v17 =	vmin.f32 v17, v45;
	v51 =	vmin.f32 v23, v42;
	v9 =	vmin.f32 v10, v9  }
0xb6: {  	v46 =	vperm.xlane v20, v2;
	v21 =	vmin.f32 v51, v44;
	v19 =	vmin.f32 v19, v43  }
0xb7: {  	v8 =	vmin.f32 v9, v8;
	v10 =	vmin.f32 v21, v47;
	v50 =	vperm.xlane v19, v2  }
0xb8: {  	v8 =	vmin.f32 v8, v5;
	v20 =	vmin.f32 v20, v46;
	v9 =	vmin.f32 v10, v48  }
0xb9: {  	v8 =	vmin.f32 v8, v52;
	v53 =	vperm.xlane v20, v3;
	v19 =	vmin.f32 v19, v50  }
0xba: {  	v9 =	vmin.f32 v9, v49;
	v55 =	vperm.xlane v8, v1;
	v10 =	vperm.xlane v19, v3  }
0xbb: {  	v57 =	vperm.xlane v17, v4;
	v24 =	vperm.xlane v9, v1  }
0xbc: {  	v20 =	vmin.f32 v20, v53;
	v8 =	vmin.f32 v8, v55;
	v10 =	vmin.f32 v19, v10  }
0xbd: {  	v22 =	vperm.xlane v20, v4;
	v9 =	vmin.f32 v9, v24;
	v56 =	vperm.xlane v10, v4  }
0xbe: {  	v18 =	vmin.f32 v18, v41;
	v60 =	vperm.xlane v8, v2;
	v58 =	vperm.xlane v9, v2  }
0xbf: {  	v54 =	vperm.xlane v18, v4;
	v59 =	vmin.f32 v20, v22;
	v10 =	vmin.f32 v10, v56  }
0xc0: {  	v8 =	vmin.f32 v8, v60;
	v9 =	vmin.f32 v9, v58;
	v10 =	vsel vm0, v10, v11  }
0xc1: {  	v61 =	vperm.xlane v9, v3;
	v11 =	vmin.f32 v17, v57;
	v10 =	vsel vm1, v10, v59  }
0xc2: {  	v18 =	vmin.f32 v18, v54;
	v10 =	vsel vm2, v10, v11;
	v11 =	vperm.xlane v8, v3  }
0xc3: {  	v62 =	vmin.f32 v26, v40;
	v9 =	vmin.f32 v9, v61;
	v10 =	vsel vm3, v10, v18  }
0xc4: {  	v17 =	vperm.xlane v9, v4;
	v10 =	vsel vm4, v10, v62;
	v8 =	vmin.f32 v8, v11  }
0xc5: {  	v7 =	vmin.f32 v7, v36;
	v10 =	vsel vm5, v10, v16;
	v11 =	vperm.xlane v8, v4  }
0xc6: {  	v63 =	vperm.xlane v15, v4;
	v9 =	vmin.f32 v9, v17;
	v7 =	vsel vm6, v10, v7  }
0xc7: {  	v10 =	vperm.xlane v0, v4;
	v7 =	vsel vm7, v7, v9;
	v8 =	vmin.f32 v8, v11  }
0xc8: {  	v15 =	vmin.f32 v15, v63;
	v11 =	vperm.xlane v14, v4;
	v7 =	vsel vm8, v7, v8  }
0xc9: {  	v9 =	vmin.f32 v12, v32;
	v0 =	vmin.f32 v0, v10;
	v7 =	vsel vm9, v7, v15  }
0xca: {  	s24 =	simm.s32 $0x40;
	s23 =	simm.s32 $0x0;
	v10 =	vmin.f32 v13, v35;
	v12 =	vmin.f32 v14, v11;
	v0 =	vsel vm10, v7, v0  }
.LBB2_3:
0xcb: {  	p0 =	sne.s32 s24, $0xC00  }
0xcc: {  	v0 =	vsel vm11, v0, v12;
	s22 =	sadd.s32 $0x800, s22;
	s25 =	smov.u32 s24;
	s24 =	sadd.s32 $0x40, s24  }
0xcd: {  	v0 =	vsel vm12, v0, v10  }
0xce: {  	v0 =	vsel vm13, v0, v9  }
0xcf: {  	s26 =	sshra.s32 s23, $0x2;
	s23 =	smov.u32 s25;
	v0 =	vsel vm14, v0, v6  }
0xd0: {  	[tilespmem:s26+$0x18800] =	vst v0  }
0xd1: {  	v0 =	vld [tilespmem:s22+$0xFFFFFCB0]  }
0xd2: {  	v6 =	vld [tilespmem:s22+$0xFFFFFCA0]  }
0xd3: {  	v7 =	vld [tilespmem:s22+$0xFFFFFC90]  }
0xd4: {  	v8 =	vld [tilespmem:s22+$0xFFFFFC80]  }
0xd5: {  	v9 =	vld [tilespmem:s22+$0xFFFFFCC0]  }
0xd6: {  	v10 =	vld [tilespmem:s22+$0x3F0]  }
0xd7: {  	v11 =	vld [tilespmem:s22+$0xFFFFFCD0]  }
0xd8: {  	v12 =	vld [tilespmem:s22+$0xFFFFFCE0]  }
0xd9: {  	v7 =	vmin.f32 v8, v7;
	v8 =	vld [tilespmem:s22+$0x3E0]  }
0xda: {  	v6 =	vmin.f32 v7, v6;
	v7 =	vld [tilespmem:s22+$0xFFFFFCF0]  }
0xdb: {  	v0 =	vmin.f32 v6, v0;
	v6 =	vld [tilespmem:s22+$0x3D0]  }
0xdc: {  	v9 =	vmin.f32 v0, v9;
	v0 =	vld [tilespmem:s22+$0x270]  }
0xdd: {  	v9 =	vmin.f32 v9, v11;
	v11 =	vld [tilespmem:s22+$0x3A0]  }
0xde: {  	v9 =	vmin.f32 v9, v12;
	v12 =	vld [tilespmem:s22+$0x340]  }
0xdf: {  	v7 =	vmin.f32 v9, v7;
	v9 =	vld [tilespmem:s22+$0x3C0]  }
0xe0: {  	v13 =	vperm.xlane v7, v1;
	v14 =	vld [tilespmem:s22+$0x3B0]  }
0xe1: {  	v15 =	vld [tilespmem:s22+$0x390]  }
0xe2: {  	v7 =	vmin.f32 v7, v13;
	v13 =	vld [tilespmem:s22+$0x380]  }
0xe3: {  	v16 =	vperm.xlane v7, v2;
	v17 =	vld [tilespmem:s22+$0x360]  }
0xe4: {  	v18 =	vld [tilespmem:s22+$0x370]  }
0xe5: {  	v7 =	vmin.f32 v7, v16;
	v16 =	vld [tilespmem:s22+$0x350]  }
0xe6: {  	v19 =	vperm.xlane v7, v3;
	v20 =	vld [tilespmem:s22+$0x320]  }
0xe7: {  	v21 =	vld [tilespmem:s22+$0x2B0];
	v13 =	vmin.f32 v13, v15  }
0xe8: {  	v7 =	vmin.f32 v7, v19;
	v15 =	vld [tilespmem:s22+$0x330];
	v11 =	vmin.f32 v13, v11  }
0xe9: {  	v13 =	vperm.xlane v7, v4;
	v19 =	vld [tilespmem:s22+$0x300];
	v11 =	vmin.f32 v11, v14  }
0xea: {  	v14 =	vld [tilespmem:s22+$0x2F0];
	v9 =	vmin.f32 v11, v9  }
0xeb: {  	v7 =	vmin.f32 v7, v13;
	v11 =	vld [tilespmem:s22+$0x2C0];
	v6 =	vmin.f32 v9, v6  }
0xec: {  	v9 =	vld [tilespmem:s22+$0x310];
	v6 =	vmin.f32 v6, v8  }
0xed: {  	v8 =	vld [tilespmem:s22+$0xE0];
	v6 =	vmin.f32 v6, v10  }
0xee: {  	v10 =	vld [tilespmem:s22+$0x2D0];
	v13 =	vperm.xlane v6, v1  }
0xef: {  	v22 =	vld [tilespmem:s22+$0x2A0]  }
0xf0: {  	v23 =	vld [tilespmem:s22+$0x2E0];
	v6 =	vmin.f32 v6, v13  }
0xf1: {  	v13 =	vld [tilespmem:s22+$0x290];
	v9 =	vmin.f32 v19, v9;
	v19 =	vperm.xlane v6, v2  }
0xf2: {  	v24 =	vld [tilespmem:s22+$0x280];
	v9 =	vmin.f32 v9, v20  }
0xf3: {  	v20 =	vld [tilespmem:s22+$0x250];
	v9 =	vmin.f32 v9, v15;
	v6 =	vmin.f32 v6, v19  }
0xf4: {  	v15 =	vld [tilespmem:s22+$0x220];
	v9 =	vmin.f32 v9, v12;
	v12 =	vperm.xlane v6, v3  }
0xf5: {  	v19 =	vld [tilespmem:s22+$0x170];
	v9 =	vmin.f32 v9, v16  }
0xf6: {  	v16 =	vld [tilespmem:s22+$0x160];
	v9 =	vmin.f32 v9, v17;
	v6 =	vmin.f32 v6, v12  }
0xf7: {  	v12 =	vld [tilespmem:s22+$0x260];
	v13 =	vmin.f32 v24, v13;
	v9 =	vmin.f32 v9, v18;
	v17 =	vperm.xlane v6, v4  }
0xf8: {  	v18 =	vld [tilespmem:s22+$0x150];
	v13 =	vmin.f32 v13, v22;
	v22 =	vperm.xlane v9, v1  }
0xf9: {  	v24 =	vld [tilespmem:s22+$0x1F0];
	v13 =	vmin.f32 v13, v21;
	v6 =	vmin.f32 v6, v17  }
0xfa: {  	v17 =	vld [tilespmem:s22+$0x230];
	v11 =	vmin.f32 v13, v11;
	v9 =	vmin.f32 v9, v22  }
0xfb: {  	v21 =	vld [tilespmem:s22+$0x140];
	v10 =	vmin.f32 v11, v10;
	v11 =	vperm.xlane v9, v2  }
0xfc: {  	v22 =	vld [tilespmem:s22+$0x240];
	v10 =	vmin.f32 v10, v23  }
0xfd: {  	v23 =	vld [tilespmem:s22+$0x1D0];
	v10 =	vmin.f32 v10, v14;
	v9 =	vmin.f32 v9, v11  }
0xfe: {  	v13 =	vld [tilespmem:s22+$0x210];
	v11 =	vperm.xlane v10, v1;
	v14 =	vperm.xlane v9, v3  }
0xff: {  	v25 =	vld [tilespmem:s22+$0x200]  }
0x100: {  	v26 =	vld [tilespmem:s22+$0x1C0];
	v10 =	vmin.f32 v10, v11;
	v9 =	vmin.f32 v9, v14  }
0x101: {  	v14 =	vld [tilespmem:s22+$0x1B0];
	v27 =	vperm.xlane v10, v2;
	v28 =	vperm.xlane v9, v4  }
0x102: {  	v29 =	vld [tilespmem:s22+$0x1A0]  }
0x103: {  	v11 =	vld [tilespmem:s22+$0xD0];
	v10 =	vmin.f32 v10, v27;
	v9 =	vmin.f32 v9, v28  }
0x104: {  	v27 =	vld [tilespmem:s22+$0x1E0];
	v13 =	vmin.f32 v25, v13;
	v25 =	vperm.xlane v10, v3  }
0x105: {  	v28 =	vld [tilespmem:s22+$0x190];
	v13 =	vmin.f32 v13, v15  }
0x106: {  	v15 =	vld [tilespmem:s22+$0x180];
	v17 =	vmin.f32 v13, v17;
	v10 =	vmin.f32 v10, v25  }
0x107: {  	v13 =	vld [tilespmem:s22+$0xC0];
	v17 =	vmin.f32 v17, v22;
	v22 =	vperm.xlane v10, v4  }
0x108: {  	v25 =	vld [tilespmem:s22+$0x130];
	v17 =	vmin.f32 v17, v20  }
0x109: {  	v20 =	vld [tilespmem:s22+$0x120];
	v12 =	vmin.f32 v17, v12;
	v10 =	vmin.f32 v10, v22  }
0x10a: {  	v17 =	vld [tilespmem:s22+$0x110];
	v12 =	vmin.f32 v12, v0  }
0x10b: {  	v22 =	vld [tilespmem:s22+$0x100];
	v0 =	vmin.f32 v15, v28;
	v28 =	vperm.xlane v12, v1  }
0x10c: {  	v15 =	vld [tilespmem:s22+$0xA0];
	v29 =	vmin.f32 v0, v29  }
0x10d: {  	v0 =	vld [tilespmem:s22+$0xFFFFFEF0];
	v14 =	vmin.f32 v29, v14;
	v12 =	vmin.f32 v12, v28  }
0x10e: {  	v28 =	vld [tilespmem:s22+$0xFFFFFEE0];
	v14 =	vmin.f32 v14, v26;
	v26 =	vperm.xlane v12, v2  }
0x10f: {  	v29 =	vld [tilespmem:s22+$0xFFFFFED0];
	v14 =	vmin.f32 v14, v23  }
0x110: {  	v23 =	vld [tilespmem:s22+$0xFFFFFF70];
	v17 =	vmin.f32 v22, v17;
	v14 =	vmin.f32 v14, v27;
	v12 =	vmin.f32 v12, v26  }
0x111: {  	v22 =	vld [tilespmem:s22+$0xFFFFFF60];
	v17 =	vmin.f32 v17, v20;
	v14 =	vmin.f32 v14, v24;
	v20 =	vperm.xlane v12, v3  }
0x112: {  	v24 =	vld [tilespmem:s22+$0xFFFFFF50];
	v17 =	vmin.f32 v17, v25;
	v25 =	vperm.xlane v14, v1  }
0x113: {  	v26 =	vld [tilespmem:s22+$0xFFFFFF40];
	v17 =	vmin.f32 v17, v21;
	v12 =	vmin.f32 v12, v20  }
0x114: {  	v21 =	vld [tilespmem:s22+$0xFFFFFFF0];
	v17 =	vmin.f32 v17, v18;
	v14 =	vmin.f32 v14, v25;
	v18 =	vperm.xlane v12, v4  }
0x115: {  	v20 =	vld [tilespmem:s22+$0xFFFFFFE0];
	v16 =	vmin.f32 v17, v16;
	v17 =	vperm.xlane v14, v2  }
0x116: {  	v25 =	vld [tilespmem:s22+$0xFFFFFFD0];
	v16 =	vmin.f32 v16, v19;
	v12 =	vmin.f32 v12, v18  }
0x117: {  	v18 =	vld [tilespmem:s22+$0xFFFFFFC0];
	v19 =	vperm.xlane v16, v1;
	v14 =	vmin.f32 v14, v17  }
0x118: {  	v17 =	vld [tilespmem:s22+$0xFFFFFFB0];
	v27 =	vperm.xlane v14, v3  }
0x119: {  	v30 =	vld [tilespmem:s22+$0xFFFFFFA0];
	v16 =	vmin.f32 v16, v19  }
0x11a: {  	v19 =	vld [tilespmem:s22+$0xFFFFFF90];
	v31 =	vperm.xlane v16, v2;
	v14 =	vmin.f32 v14, v27  }
0x11b: {  	v27 =	vld [tilespmem:s22+$0xFFFFFF80];
	v32 =	vperm.xlane v14, v4  }
0x11c: {  	v33 =	vld [tilespmem:s22+$0xFFFFFEC0];
	v16 =	vmin.f32 v16, v31  }
0x11d: {  	v31 =	vld [tilespmem:s22+$0xFFFFFF30];
	v34 =	vperm.xlane v16, v3;
	v14 =	vmin.f32 v14, v32  }
0x11e: {  	v32 =	vld [tilespmem:s22+$0xFFFFFEB0]  }
0x11f: {  	v35 =	vld [tilespmem:s22+$0xFFFFFF20];
	v16 =	vmin.f32 v16, v34  }
0x120: {  	v34 =	vld [tilespmem:s22+$0xFFFFFF10];
	v19 =	vmin.f32 v27, v19;
	v27 =	vperm.xlane v16, v4  }
0x121: {  	v36 =	vld [tilespmem:s22+$0xFFFFFF00];
	v19 =	vmin.f32 v19, v30  }
0x122: {  	v30 =	vld [tilespmem:s22+$0xFFFFFEA0];
	v17 =	vmin.f32 v19, v17;
	v16 =	vmin.f32 v16, v27  }
0x123: {  	v19 =	vld [tilespmem:s22+$0xFFFFFE90];
	v17 =	vmin.f32 v17, v18  }
0x124: {  	v27 =	vld [tilespmem:s22+$0xFFFFFE80];
	v17 =	vmin.f32 v17, v25  }
0x125: {  	v18 =	vld [tilespmem:s22+$0xFFFFFD70];
	v17 =	vmin.f32 v17, v20  }
0x126: {  	v20 =	vld [tilespmem:s22+$0xFFFFFD60];
	v25 =	vmin.f32 v36, v34;
	v17 =	vmin.f32 v17, v21  }
0x127: {  	v21 =	vld [tilespmem:s22+$0xFFFFFDF0];
	v25 =	vmin.f32 v25, v35;
	v34 =	vperm.xlane v17, v1  }
0x128: {  	v35 =	vld [tilespmem:s22+$0xFFFFFDE0];
	v25 =	vmin.f32 v25, v31  }
0x129: {  	v31 =	vld [tilespmem:s22+$0xFFFFFDD0];
	v19 =	vmin.f32 v27, v19;
	v25 =	vmin.f32 v25, v26;
	v17 =	vmin.f32 v17, v34  }
0x12a: {  	v26 =	vld [tilespmem:s22+$0xFFFFFE70];
	v19 =	vmin.f32 v19, v30;
	v24 =	vmin.f32 v25, v24;
	v25 =	vperm.xlane v17, v2  }
0x12b: {  	v27 =	vld [tilespmem:s22+$0xFFFFFE60];
	v19 =	vmin.f32 v19, v32;
	v22 =	vmin.f32 v24, v22  }
0x12c: {  	v24 =	vld [tilespmem:s22+$0xFFFFFD50];
	v19 =	vmin.f32 v19, v33;
	v22 =	vmin.f32 v22, v23;
	v17 =	vmin.f32 v17, v25  }
0x12d: {  	v23 =	vld [tilespmem:s22+$0xFFFFFD40];
	v19 =	vmin.f32 v19, v29;
	v25 =	vperm.xlane v22, v1;
	v29 =	vperm.xlane v17, v3  }
0x12e: {  	v30 =	vld [tilespmem:s22+$0xFFFFFE50];
	v19 =	vmin.f32 v19, v28  }
0x12f: {  	v28 =	vld [tilespmem:s22+$0xFFFFFE40];
	v0 =	vmin.f32 v19, v0;
	v19 =	vmin.f32 v22, v25;
	v17 =	vmin.f32 v17, v29  }
0x130: {  	v22 =	vld [tilespmem:s22+$0xFFFFFE30];
	v25 =	vperm.xlane v0, v1;
	v29 =	vperm.xlane v19, v2  }
0x131: {  	v33 =	vperm.xlane v17, v4;
	v32 =	vld [tilespmem:s22+$0xFFFFFE20]  }
0x132: {  	v34 =	vld [tilespmem:s22+$0xFFFFFE10];
	v25 =	vmin.f32 v0, v25;
	v19 =	vmin.f32 v19, v29  }
0x133: {  	v0 =	vmin.f32 v17, v33;
	v29 =	vld [tilespmem:s22+$0xFFFFFE00];
	v36 =	vperm.xlane v25, v2;
	v37 =	vperm.xlane v19, v3  }
0x134: {  	v33 =	vld [tilespmem:s22+$0xFFFFFDC0]  }
0x135: {  	v38 =	vld [tilespmem:s22+$0xFFFFFDB0];
	v17 =	vmin.f32 v25, v36;
	v19 =	vmin.f32 v19, v37  }
0x136: {  	v25 =	vld [tilespmem:s22+$0xFFFFFDA0];
	v36 =	vperm.xlane v17, v3;
	v37 =	vperm.xlane v19, v4  }
0x137: {  	v39 =	vld [tilespmem:s22+$0xFFFFFD90]  }
0x138: {  	v40 =	vld [tilespmem:s22+$0xFFFFFD80];
	v29 =	vmin.f32 v29, v34;
	v34 =	vmin.f32 v17, v36;
	v17 =	vmin.f32 v19, v37  }
0x139: {  	v36 =	vld [tilespmem:s22+$0xFFFFFD30];
	v19 =	vmin.f32 v29, v32;
	v29 =	vperm.xlane v34, v4  }
0x13a: {  	v32 =	vld [tilespmem:s22+$0xFFFFFD20];
	v19 =	vmin.f32 v19, v22  }
0x13b: {  	v22 =	vld [tilespmem:s22+$0xFFFFFD10];
	v28 =	vmin.f32 v19, v28;
	v19 =	vmin.f32 v34, v29  }
0x13c: {  	v29 =	vld [tilespmem:s22+$0xFFFFFD00];
	v28 =	vmin.f32 v28, v30  }
0x13d: {  	v30 =	vld [tilespmem:s22+$0xFFFFFC00];
	v34 =	vmin.f32 v40, v39;
	v27 =	vmin.f32 v28, v27  }
0x13e: {  	v28 =	vld [tilespmem:s22+$0xFFFFFC10];
	v25 =	vmin.f32 v34, v25;
	v26 =	vmin.f32 v27, v26  }
0x13f: {  	v27 =	vld [tilespmem:s22+$0xFFFFFC20];
	v25 =	vmin.f32 v25, v38;
	v34 =	vperm.xlane v26, v1  }
0x140: {  	v37 =	vld [tilespmem:s22+$0xFFFFFC30];
	v25 =	vmin.f32 v25, v33  }
0x141: {  	v33 =	vld [tilespmem:s22+$0xFFFFFC40];
	v22 =	vmin.f32 v29, v22;
	v25 =	vmin.f32 v25, v31;
	v26 =	vmin.f32 v26, v34  }
0x142: {  	v29 =	vld [tilespmem:s22+$0xFFFFFC50];
	v22 =	vmin.f32 v22, v32;
	v25 =	vmin.f32 v25, v35;
	v31 =	vperm.xlane v26, v2  }
0x143: {  	v28 =	vmin.f32 v30, v28;
	v30 =	vld [tilespmem:s22+$0xFFFFFC60];
	v22 =	vmin.f32 v22, v36;
	v21 =	vmin.f32 v25, v21  }
0x144: {  	v25 =	vmin.f32 v28, v27;
	v27 =	vld [tilespmem:s22+$0xFFFFFC70];
	v22 =	vmin.f32 v22, v23;
	v23 =	vperm.xlane v21, v1  }
0x145: {  	v25 =	vmin.f32 v25, v37;
	v22 =	vmin.f32 v22, v24;
	v24 =	vmin.f32 v26, v31;
	v26 =	vld [tilespmem:s22+$0x0]  }
0x146: {  	v25 =	vmin.f32 v25, v33;
	v20 =	vmin.f32 v22, v20;
	v21 =	vmin.f32 v21, v23;
	v22 =	vld [tilespmem:s22+$0x10]  }
0x147: {  	v23 =	vmin.f32 v25, v29;
	v18 =	vmin.f32 v20, v18;
	v20 =	vperm.xlane v21, v2;
	v25 =	vld [tilespmem:s22+$0x90]  }
0x148: {  	v29 =	vperm.xlane v24, v3;
	v23 =	vmin.f32 v23, v30;
	v28 =	vperm.xlane v18, v1;
	v30 =	vld [tilespmem:s22+$0x80]  }
0x149: {  	v23 =	vmin.f32 v23, v27;
	v20 =	vmin.f32 v21, v20;
	v21 =	vld [tilespmem:s22+$0x20]  }
0x14a: {  	v27 =	vperm.xlane v23, v1;
	v18 =	vmin.f32 v18, v28;
	v28 =	vperm.xlane v20, v3;
	v31 =	vld [tilespmem:s22+$0xB0]  }
0x14b: {  	v24 =	vmin.f32 v24, v29;
	v32 =	vperm.xlane v18, v2;
	v22 =	vmin.f32 v26, v22;
	v26 =	vld [tilespmem:s22+$0x30]  }
0x14c: {  	v23 =	vmin.f32 v23, v27;
	v20 =	vmin.f32 v20, v28;
	v27 =	vperm.xlane v24, v4;
	v28 =	vld [tilespmem:s22+$0x40]  }
0x14d: {  	v29 =	vperm.xlane v23, v2;
	v18 =	vmin.f32 v18, v32;
	v32 =	vld [tilespmem:s22+$0x50];
	v25 =	vmin.f32 v30, v25  }
0x14e: {  	v30 =	vperm.xlane v18, v3;
	v24 =	vmin.f32 v24, v27;
	v27 =	vld [tilespmem:s22+$0x60];
	v15 =	vmin.f32 v25, v15  }
0x14f: {  	v21 =	vmin.f32 v22, v21;
	v23 =	vmin.f32 v23, v29;
	v22 =	vld [tilespmem:s22+$0x70];
	v15 =	vmin.f32 v15, v31  }
0x150: {  	v25 =	vperm.xlane v23, v3;
	v18 =	vmin.f32 v18, v30;
	v21 =	vmin.f32 v21, v26;
	v26 =	vld [tilespmem:s22+$0xF0]  }
0x151: {  	v13 =	vmin.f32 v15, v13;
	v29 =	vperm.xlane v18, v4;
	v21 =	vmin.f32 v21, v28  }
0x152: {  	v11 =	vmin.f32 v13, v11;
	v15 =	vmin.f32 v23, v25;
	v21 =	vmin.f32 v21, v32  }
0x153: {  	v13 =	vperm.xlane v15, v4;
	v18 =	vmin.f32 v18, v29;
	v21 =	vmin.f32 v21, v27  }
0x154: {  	v23 =	vperm.xlane v20, v4;
	v8 =	vmin.f32 v11, v8;
	v21 =	vmin.f32 v21, v22  }
0x155: {  	v11 =	vmin.f32 v15, v13;
	v13 =	vperm.xlane v21, v1;
	v8 =	vmin.f32 v8, v26  }
0x156: {  	v7 =	vsel vm0, v11, v7;
	v11 =	vmin.f32 v20, v23;
	v15 =	vperm.xlane v8, v1  }
0x157: {  	v7 =	vsel vm1, v7, v18;
	v13 =	vmin.f32 v21, v13  }
0x158: {  	v7 =	vsel vm2, v7, v11;
	v11 =	vperm.xlane v13, v2;
	v8 =	vmin.f32 v8, v15  }
0x159: {  	v7 =	vsel vm3, v7, v24;
	v15 =	vperm.xlane v8, v2  }
0x15a: {  	v7 =	vsel vm4, v7, v19;
	v11 =	vmin.f32 v13, v11  }
0x15b: {  	v7 =	vsel vm5, v7, v17;
	v13 =	vperm.xlane v11, v3;
	v8 =	vmin.f32 v8, v15  }
0x15c: {  	v0 =	vsel vm6, v7, v0;
	v7 =	vperm.xlane v8, v3  }
0x15d: {  	v11 =	vmin.f32 v11, v13  }
0x15e: {  	v13 =	vperm.xlane v11, v4;
	v7 =	vmin.f32 v8, v7  }
0x15f: {  	v8 =	vperm.xlane v7, v4  }
.Ltmp0:
0x160: {  	v11 =	vmin.f32 v11, v13;
	(pc) =	sbr.rel @p0 .LBB2_3-.Ltmp0, $4  }
0x161: {  	v0 =	vsel vm7, v0, v11;
	v7 =	vmin.f32 v7, v8  }
0x162: {  	v0 =	vsel vm8, v0, v7  }
0x163: {  	v0 =	vsel vm9, v0, v16  }
0x164: {  	v0 =	vsel vm10, v0, v14  }
0x165: {  	v0 =	vsel vm11, v0, v12  }
0x166: {  	v0 =	vsel vm12, v0, v10  }
0x167: {  	v0 =	vsel vm13, v0, v9  }
0x168: {  	s22 =	sshra.s32 s23, $0x2;
	v0 =	vsel vm14, v0, v6  }
0x169: {  	[tilespmem:s22+$0x18800] =	vst v0  }
0x16a: {  	v54 =	vld [tilespmem:$0x18800]  }
0x16b: {  	v53 =	vld [tilespmem:$0x18810]  }
0x16c: {  	v52 =	vld [tilespmem:$0x18820]  }
0x16d: {  	v51 =	vld [tilespmem:$0x18830]  }
0x16e: {  	v50 =	vld [tilespmem:$0x18840]  }
0x16f: {  	v49 =	vld [tilespmem:$0x18850]  }
0x170: {  	v48 =	vld [tilespmem:$0x18860];
	v0 =	vmin.f32 v54, v53  }
0x171: {  	v47 =	vld [tilespmem:$0x18870];
	v0 =	vmin.f32 v0, v52  }
0x172: {  	v57 =	vld [tilespmem:$0x18880];
	v0 =	vmin.f32 v0, v51  }
0x173: {  	v56 =	vld [tilespmem:$0x18890];
	v0 =	vmin.f32 v0, v50  }
0x174: {  	v6 =	vmin.f32 v0, v49;
	v0 =	vld [tilespmem:$0x188A0]  }
0x175: {  	v43 =	vld [tilespmem:$0x188B0];
	v6 =	vmin.f32 v6, v48  }
0x176: {  	v7 =	vmin.f32 v6, v47;
	v6 =	vld [tilespmem:$0x188C0]  }
0x177: {  	v8 =	vmin.f32 v7, v57;
	v7 =	vld [tilespmem:$0x188D0]  }
0x178: {  	v9 =	vmin.f32 v8, v56;
	v8 =	vld [tilespmem:$0x188E0]  }
0x179: {  	v10 =	vmin.f32 v9, v0;
	v9 =	vld [tilespmem:$0x188F0]  }
0x17a: {  	v11 =	vmin.f32 v10, v43;
	v10 =	vld [tilespmem:$0x18900]  }
0x17b: {  	v59 =	vmin.f32 v11, v6;
	v11 =	vld [tilespmem:$0x18910]  }
0x17c: {  	v12 =	vld [tilespmem:$0x18920];
	v13 =	vmin.f32 v59, v7  }
0x17d: {  	v14 =	vmin.f32 v13, v8;
	v13 =	vld [tilespmem:$0x18930]  }
0x17e: {  	v15 =	vmin.f32 v14, v9;
	v14 =	vld [tilespmem:$0x18940]  }
0x17f: {  	v16 =	vmin.f32 v15, v10;
	v15 =	vld [tilespmem:$0x18950]  }
0x180: {  	v17 =	vmin.f32 v16, v11;
	v16 =	vld [tilespmem:$0x18960]  }
0x181: {  	v18 =	vmin.f32 v17, v12;
	v17 =	vld [tilespmem:$0x18970]  }
0x182: {  	v19 =	vmin.f32 v18, v13;
	v18 =	vld [tilespmem:$0x18980]  }
0x183: {  	v20 =	vmin.f32 v19, v14;
	v19 =	vld [tilespmem:$0x18990]  }
0x184: {  	v21 =	vld [tilespmem:$0x189A0];
	v20 =	vmin.f32 v20, v15  }
0x185: {  	v22 =	vld [tilespmem:$0x189B0];
	v20 =	vmin.f32 v20, v16  }
0x186: {  	v23 =	vld [tilespmem:$0x189C0];
	v20 =	vmin.f32 v20, v17  }
0x187: {  	v24 =	vld [tilespmem:$0x189D0];
	v20 =	vmin.f32 v20, v18  }
0x188: {  	v25 =	vld [tilespmem:$0x189E0];
	v20 =	vmin.f32 v20, v19  }
0x189: {  	v26 =	vld [tilespmem:$0x189F0];
	v20 =	vmin.f32 v20, v21  }
0x18a: {  	v27 =	vld [tilespmem:$0x18A00];
	v20 =	vmin.f32 v20, v22  }
0x18b: {  	v28 =	vld [tilespmem:$0x18A10];
	v20 =	vmin.f32 v20, v23  }
0x18c: {  	v29 =	vld [tilespmem:$0x18A20];
	v20 =	vmin.f32 v20, v24  }
0x18d: {  	v30 =	vld [tilespmem:$0x18A30];
	v20 =	vmin.f32 v20, v25  }
0x18e: {  	v31 =	vld [tilespmem:$0x18A40];
	v20 =	vmin.f32 v20, v26  }
0x18f: {  	v32 =	vld [tilespmem:$0x18A50];
	v20 =	vmin.f32 v20, v27  }
0x190: {  	v33 =	vld [tilespmem:$0x18A60];
	v20 =	vmin.f32 v20, v28  }
0x191: {  	v34 =	vld [tilespmem:$0x18A70];
	v20 =	vmin.f32 v20, v29  }
0x192: {  	v35 =	vld [tilespmem:$0x18A80];
	v20 =	vmin.f32 v20, v30  }
0x193: {  	v36 =	vld [tilespmem:$0x18A90];
	v20 =	vmin.f32 v20, v31  }
0x194: {  	v37 =	vld [tilespmem:$0x18AA0];
	v20 =	vmin.f32 v20, v32  }
0x195: {  	v38 =	vld [tilespmem:$0x18AB0];
	v20 =	vmin.f32 v20, v33  }
0x196: {  	v39 =	vld [tilespmem:$0x18AC0];
	v20 =	vmin.f32 v20, v34  }
0x197: {  	v40 =	vld [tilespmem:$0x18AD0];
	v20 =	vmin.f32 v20, v35  }
0x198: {  	v41 =	vld [tilespmem:$0x18AE0];
	v20 =	vmin.f32 v20, v36  }
0x199: {  	v42 =	vld [tilespmem:$0x18AF0];
	v20 =	vmin.f32 v20, v37  }
0x19a: {  	v44 =	vld [tilespmem:$0x18B00];
	v20 =	vmin.f32 v20, v38  }
0x19b: {  	v20 =	vmin.f32 v20, v39  }
0x19c: {  	v20 =	vmin.f32 v20, v40  }
0x19d: {  	v20 =	vmin.f32 v20, v41  }
0x19e: {  	v20 =	vmin.f32 v20, v42  }
0x19f: {  	v20 =	vmin.f32 v20, v44  }
0x1a0: {  	v55 =	vperm.xlane v20, v1;
	_ =	sdelay $0x1  }
0x1a1: {  	v20 =	vmin.f32 v20, v55  }
0x1a2: {  	v55 =	vperm.xlane v20, v2;
	_ =	sdelay $0x1  }
0x1a3: {  	v20 =	vmin.f32 v20, v55  }
0x1a4: {  	v55 =	vperm.xlane v20, v3;
	_ =	sdelay $0x1  }
0x1a5: {  	v20 =	vmin.f32 v20, v55  }
0x1a6: {  	v55 =	vperm.xlane v20, v4;
	_ =	sdelay $0x1  }
0x1a7: {  	v5 =	vlaneseq.u32;
	v55 =	vmin.f32 v20, v55  }
0x1a8: {  	v60 =	vor.u32 $0x300, v5;
	vm0 =	veq.f32 v44, v55  }
0x1a9: {  	v61 =	vor.u32 $0x2F0, v5;
	v20 =	vnsel vm0, $0x40000000, v60;
	vm0 =	veq.f32 v42, v55  }
0x1aa: {  	v62 =	vor.u32 $0x2E0, v5;
	v20 =	vsel vm0, v61, v20;
	vm0 =	veq.f32 v41, v55  }
0x1ab: {  	v63 =	vor.u32 $0x2D0, v5;
	v20 =	vsel vm0, v62, v20;
	vm0 =	veq.f32 v40, v55  }
0x1ac: {  	v44 =	vor.u32 $0x2C0, v5;
	v20 =	vsel vm0, v63, v20;
	vm0 =	veq.f32 v39, v55  }
0x1ad: {  	v45 =	vor.u32 $0x2B0, v5;
	v20 =	vsel vm0, v44, v20;
	vm0 =	veq.f32 v38, v55  }
0x1ae: {  	v46 =	vor.u32 $0x2A0, v5;
	v20 =	vsel vm0, v45, v20;
	vm0 =	veq.f32 v37, v55  }
0x1af: {  	v58 =	vor.u32 $0x290, v5;
	v20 =	vsel vm0, v46, v20;
	vm0 =	veq.f32 v36, v55  }
0x1b0: {  	v59 =	vor.u32 $0x280, v5;
	v20 =	vsel vm0, v58, v20;
	vm0 =	veq.f32 v35, v55  }
0x1b1: {  	[tilespmem:$0x1FCA0] =	vst v60;
	v60 =	vor.u32 $0x270, v5;
	v20 =	vsel vm0, v59, v20;
	vm0 =	veq.f32 v34, v55  }
0x1b2: {  	[tilespmem:$0x1FCB0] =	vst v61;
	v61 =	vor.u32 $0x260, v5;
	v20 =	vsel vm0, v60, v20;
	vm0 =	veq.f32 v33, v55  }
0x1b3: {  	[tilespmem:$0x1FCC0] =	vst v62;
	v62 =	vor.u32 $0x250, v5;
	v20 =	vsel vm0, v61, v20;
	vm0 =	veq.f32 v32, v55  }
0x1b4: {  	[tilespmem:$0x1FCD0] =	vst v63;
	v63 =	vor.u32 $0x240, v5;
	v20 =	vsel vm0, v62, v20;
	vm0 =	veq.f32 v31, v55  }
0x1b5: {  	v34 =	vor.u32 $0x230, v5;
	v20 =	vsel vm0, v63, v20;
	vm0 =	veq.f32 v30, v55  }
0x1b6: {  	v35 =	vor.u32 $0x220, v5;
	v20 =	vsel vm0, v34, v20;
	vm0 =	veq.f32 v29, v55  }
0x1b7: {  	v36 =	vor.u32 $0x210, v5;
	v20 =	vsel vm0, v35, v20;
	vm0 =	veq.f32 v28, v55  }
0x1b8: {  	v37 =	vor.u32 $0x200, v5;
	v20 =	vsel vm0, v36, v20;
	vm0 =	veq.f32 v27, v55  }
0x1b9: {  	v38 =	vor.u32 $0x1F0, v5;
	v20 =	vsel vm0, v37, v20;
	vm0 =	veq.f32 v26, v55  }
0x1ba: {  	v39 =	vor.u32 $0x1E0, v5;
	v20 =	vsel vm0, v38, v20;
	vm0 =	veq.f32 v25, v55  }
0x1bb: {  	v40 =	vor.u32 $0x1D0, v5;
	v20 =	vsel vm0, v39, v20;
	vm0 =	veq.f32 v24, v55  }
0x1bc: {  	v41 =	vor.u32 $0x1C0, v5;
	v20 =	vsel vm0, v40, v20;
	vm0 =	veq.f32 v23, v55  }
0x1bd: {  	v42 =	vor.u32 $0x1B0, v5;
	v20 =	vsel vm0, v41, v20;
	vm0 =	veq.f32 v22, v55  }
0x1be: {  	[tilespmem:$0x1FCE0] =	vst v44;
	v44 =	vor.u32 $0x1A0, v5;
	v20 =	vsel vm0, v42, v20;
	vm0 =	veq.f32 v21, v55  }
0x1bf: {  	[tilespmem:$0x1FCF0] =	vst v45;
	v45 =	vor.u32 $0x190, v5;
	v20 =	vsel vm0, v44, v20;
	vm0 =	veq.f32 v19, v55  }
0x1c0: {  	[tilespmem:$0x1FD00] =	vst v46;
	v46 =	vor.u32 $0x180, v5;
	v19 =	vsel vm0, v45, v20;
	vm0 =	veq.f32 v18, v55  }
0x1c1: {  	[tilespmem:$0x1FD10] =	vst v58;
	v58 =	vor.u32 $0x170, v5;
	v18 =	vsel vm0, v46, v19;
	vm0 =	veq.f32 v17, v55  }
0x1c2: {  	[tilespmem:$0x1FD20] =	vst v59;
	v59 =	vor.u32 $0x160, v5;
	v17 =	vsel vm0, v58, v18;
	vm0 =	veq.f32 v16, v55  }
0x1c3: {  	[tilespmem:$0x1FD30] =	vst v60;
	v60 =	vor.u32 $0x150, v5;
	v16 =	vsel vm0, v59, v17;
	vm0 =	veq.f32 v15, v55  }
0x1c4: {  	[tilespmem:$0x1FD40] =	vst v61;
	v61 =	vor.u32 $0x140, v5;
	v15 =	vsel vm0, v60, v16;
	vm0 =	veq.f32 v14, v55  }
0x1c5: {  	[tilespmem:$0x1FD50] =	vst v62;
	v62 =	vor.u32 $0x130, v5;
	v14 =	vsel vm0, v61, v15;
	vm0 =	veq.f32 v13, v55  }
0x1c6: {  	[tilespmem:$0x1FD60] =	vst v63;
	v63 =	vor.u32 $0x120, v5;
	v13 =	vsel vm0, v62, v14;
	vm0 =	veq.f32 v12, v55  }
0x1c7: {  	v12 =	vsel vm0, v63, v13;
	vm0 =	veq.f32 v11, v55;
	v11 =	vor.u32 $0x110, v5  }
0x1c8: {  	[tilespmem:$0x1FE90] =	vst v11;
	v11 =	vsel vm0, v11, v12;
	vm0 =	veq.f32 v10, v55;
	v10 =	vor.u32 $0x100, v5  }
0x1c9: {  	[tilespmem:$0x1FEA0] =	vst v10;
	v10 =	vsel vm0, v10, v11;
	vm0 =	veq.f32 v9, v55;
	v9 =	vor.u32 $0xF0, v5  }
0x1ca: {  	[tilespmem:$0x1FEB0] =	vst v9;
	v9 =	vsel vm0, v9, v10;
	vm0 =	veq.f32 v8, v55;
	v8 =	vor.u32 $0xE0, v5  }
0x1cb: {  	[tilespmem:$0x1FEC0] =	vst v8;
	v8 =	vsel vm0, v8, v9;
	vm0 =	veq.f32 v7, v55;
	v7 =	vor.u32 $0xD0, v5  }
0x1cc: {  	[tilespmem:$0x1FED0] =	vst v7;
	v7 =	vsel vm0, v7, v8;
	vm0 =	veq.f32 v6, v55;
	v6 =	vor.u32 $0xC0, v5  }
0x1cd: {  	[tilespmem:$0x1FEE0] =	vst v6;
	v6 =	vsel vm0, v6, v7;
	vm0 =	veq.f32 v43, v55;
	v7 =	vor.u32 $0xB0, v5  }
0x1ce: {  	v6 =	vsel vm0, v7, v6;
	vm0 =	veq.f32 v0, v55;
	v0 =	vor.u32 $0xA0, v5  }
0x1cf: {  	[tilespmem:$0x1FF00] =	vst v0;
	v0 =	vsel vm0, v0, v6;
	vm0 =	veq.f32 v56, v55;
	v6 =	vor.u32 $0x90, v5  }
0x1d0: {  	[tilespmem:$0x1FE20] =	vst v46;
	v46 =	vmovc v6;
	v0 =	vsel vm0, v6, v0;
	vm0 =	veq.f32 v57, v55;
	v6 =	vor.u32 $0x80, v5  }
0x1d1: {  	v0 =	vsel vm0, v6, v0;
	vm0 =	veq.f32 v47, v55;
	v47 =	vor.u32 $0x70, v5  }
0x1d2: {  	v0 =	vsel vm0, v47, v0;
	vm0 =	veq.f32 v48, v55;
	v48 =	vor.u32 $0x60, v5  }
0x1d3: {  	v0 =	vsel vm0, v48, v0;
	vm0 =	veq.f32 v49, v55;
	v49 =	vor.u32 $0x50, v5  }
0x1d4: {  	v0 =	vsel vm0, v49, v0;
	vm0 =	veq.f32 v50, v55;
	v50 =	vor.u32 $0x40, v5  }
0x1d5: {  	v0 =	vsel vm0, v50, v0;
	vm0 =	veq.f32 v51, v55;
	v51 =	vor.u32 $0x30, v5  }
0x1d6: {  	v0 =	vsel vm0, v51, v0;
	vm0 =	veq.f32 v52, v55;
	v52 =	vor.u32 $0x20, v5  }
0x1d7: {  	v0 =	vsel vm0, v52, v0;
	vm0 =	veq.f32 v53, v55;
	v53 =	vor.u32 $0x10, v5  }
0x1d8: {  	v0 =	vsel vm0, v53, v0;
	vm0 =	veq.f32 v54, v55  }
0x1d9: {  	v0 =	vsel vm0, v5, v0  }
0x1da: {  	[tilespmem:$0x1FE10] =	vst v45;
	v45 =	vmov v6;
	v6 =	vperm.xlane v0, v1;
	_ =	sdelay $0x1  }
0x1db: {  	vm0 =	vlt.s32 v0, v6  }
0x1dc: {  	v0 =	vsel vm0, v0, v6  }
0x1dd: {  	v6 =	vperm.xlane v0, v2;
	_ =	sdelay $0x1  }
0x1de: {  	vm0 =	vlt.s32 v0, v6  }
0x1df: {  	v0 =	vsel vm0, v0, v6  }
0x1e0: {  	v6 =	vperm.xlane v0, v3;
	_ =	sdelay $0x1  }
0x1e1: {  	vm0 =	vlt.s32 v0, v6  }
0x1e2: {  	v0 =	vsel vm0, v0, v6  }
0x1e3: {  	v6 =	vperm.xlane v0, v4;
	_ =	sdelay $0x1  }
0x1e4: {  	vm0 =	vlt.s32 v0, v6  }
0x1e5: {  	v0 =	vsel vm0, v0, v6  }
0x1e6: {  	(v2sf) =	vpush v0, $0x0;
	_ =	sdelay $0xe  }
0x1e7: {  	s22 =	spop (v2sf)  }
0x1e8: {  	s26 =	sshll.u32 s22, $0x9  }
0x1e9: {  	s23 =	sshra.s32 s26, $0x2  }
0x1ea: {  	v0 =	vld [tilespmem:s23+$0x70]  }
0x1eb: {  	v6 =	vld [tilespmem:s23+$0x60]  }
0x1ec: {  	[tilespmem:$0x1FEF0] =	vst v7;
	v7 =	vld [tilespmem:s23+$0x50]  }
0x1ed: {  	v8 =	vld [tilespmem:s23+$0x40]  }
0x1ee: {  	v9 =	vld [tilespmem:s23+$0x30]  }
0x1ef: {  	v10 =	vld [tilespmem:s23+$0x20];
	vm0 =	veq.f32 v0, v55  }
0x1f0: {  	v0 =	vnsel vm0, $0x40000000, v47;
	vm0 =	veq.f32 v6, v55;
	v6 =	vld [tilespmem:s23+$0x10]  }
0x1f1: {  	v0 =	vsel vm0, v48, v0;
	vm0 =	veq.f32 v7, v55;
	v7 =	vld [tilespmem:s23+$0x0]  }
0x1f2: {  	v0 =	vsel vm0, v49, v0;
	vm0 =	veq.f32 v8, v55  }
0x1f3: {  	v0 =	vsel vm0, v50, v0;
	vm0 =	veq.f32 v9, v55  }
0x1f4: {  	v0 =	vsel vm0, v51, v0;
	vm0 =	veq.f32 v10, v55  }
0x1f5: {  	v0 =	vsel vm0, v52, v0;
	vm0 =	veq.f32 v6, v55  }
0x1f6: {  	v0 =	vsel vm0, v53, v0;
	vm0 =	veq.f32 v7, v55  }
0x1f7: {  	v0 =	vsel vm0, v5, v0  }
0x1f8: {  	v6 =	vperm.xlane v0, v1;
	_ =	sdelay $0x1  }
0x1f9: {  	vm0 =	vlt.s32 v0, v6  }
0x1fa: {  	v0 =	vsel vm0, v0, v6  }
0x1fb: {  	v6 =	vperm.xlane v0, v2;
	_ =	sdelay $0x1  }
0x1fc: {  	vm0 =	vlt.s32 v0, v6  }
0x1fd: {  	v0 =	vsel vm0, v0, v6  }
0x1fe: {  	v6 =	vperm.xlane v0, v3;
	_ =	sdelay $0x1  }
0x1ff: {  	vm0 =	vlt.s32 v0, v6  }
0x200: {  	v0 =	vsel vm0, v0, v6  }
0x201: {  	v6 =	vperm.xlane v0, v4;
	_ =	sdelay $0x1  }
0x202: {  	vm0 =	vlt.s32 v0, v6  }
0x203: {  	v0 =	vsel vm0, v0, v6  }
0x204: {  	(v2sf) =	vpush v0, $0x0;
	_ =	sdelay $0x9  }
0x205: {  	s24 =	sand.u32 $0x30, s21  }
0x206: {  	v7 =	vld [tilespmem:s24+$0x18C00]  }
0x207: {  	v6 =	vld [tilespmem:s24+$0x18B80]  }
0x208: {  	s28 =	sand.u32 $0xF, s21  }
0x209: {  	s29 =	sshll.u32 s22, $0x7;
	v8 =	vmov s28  }
0x20a: {  	vm0 =	veq.s32 v8, v5;
	v0 =	vadd.s32 s29, v0;
	s25 =	spop (v2sf)  }
0x20b: {  	v0 =	vsel vm0, v0, v7;
	s21 =	sadd.s32 s25, s29  }
0x20c: {  	[tilespmem:s24+$0x18C00] =	vst v0;
	v6 =	vsel vm0, v55, v6;
	s26 =	sand.u32 $0x70, s25;
	s21 =	sand.u32 $0xFFFFFF80, s21  }
0x20d: {  	[tilespmem:s24+$0x18B80] =	vst v6;
	s21 =	sor.u32 s26, s21  }
0x20e: {  	v0 =	vld [tilespmem:s21+$0x0];
	_ =	sdelay $0x1  }
0x20f: {  	s30 =	sand.u32 $0xF, s25  }
0x210: {  	v6 =	vmov s30  }
0x211: {  	vm0 =	veq.s32 v6, v5  }
0x212: {  	v0 =	vsel vm0, $0x7F61B1E6, v0  }
0x213: {  	[tilespmem:s21+$0x0] =	vst v0  }
0x214: {  	v0 =	vld [tilespmem:s23+$0x10]  }
0x215: {  	v6 =	vld [tilespmem:s23+$0x0]  }
0x216: {  	v7 =	vld [tilespmem:s23+$0x20]  }
0x217: {  	v8 =	vld [tilespmem:s23+$0x30]  }
0x218: {  	v9 =	vld [tilespmem:s23+$0x40]  }
0x219: {  	v10 =	vld [tilespmem:s23+$0x50]  }
0x21a: {  	v0 =	vmin.f32 v6, v0;
	v6 =	vld [tilespmem:s23+$0x60]  }
0x21b: {  	[tilespmem:$0x1FDF0] =	vst v42;
	v0 =	vmin.f32 v0, v7;
	v7 =	vld [tilespmem:s23+$0x70]  }
0x21c: {  	[tilespmem:$0x1FDE0] =	vst v41;
	v0 =	vmin.f32 v0, v8  }
0x21d: {  	[tilespmem:$0x1FDD0] =	vst v40;
	v0 =	vmin.f32 v0, v9  }
0x21e: {  	[tilespmem:$0x1FDC0] =	vst v39;
	v0 =	vmin.f32 v0, v10  }
0x21f: {  	[tilespmem:$0x1FDB0] =	vst v38;
	v0 =	vmin.f32 v0, v6  }
0x220: {  	[tilespmem:$0x1FE00] =	vst v44;
	v0 =	vmin.f32 v0, v7  }
0x221: {  	[tilespmem:$0x1FDA0] =	vst v37;
	v6 =	vperm.xlane v0, v1  }
0x222: {  	[tilespmem:$0x1FD90] =	vst v36  }
0x223: {  	[tilespmem:$0x1FD80] =	vst v35;
	v0 =	vmin.f32 v0, v6  }
0x224: {  	[tilespmem:$0x1FE30] =	vst v58;
	v6 =	vperm.xlane v0, v2  }
0x225: {  	[tilespmem:$0x1FD70] =	vst v34  }
0x226: {  	[tilespmem:$0x1FE40] =	vst v59;
	v0 =	vmin.f32 v0, v6  }
0x227: {  	[tilespmem:$0x1FE50] =	vst v60;
	v6 =	vperm.xlane v0, v3  }
0x228: {  	[tilespmem:$0x1FE60] =	vst v61;
	s31 =	sand.u32 $0xF, s22  }
0x229: {  	[tilespmem:$0x1FE70] =	vst v62;
	s23 =	sand.u32 $0xFFFFFFF0, s22;
	v8 =	vmov s31;
	v7 =	vmin.f32 v0, v6  }
0x22a: {  	[tilespmem:$0x1FE80] =	vst v63;
	s21 =	simm.s32 $0x1;
	vm0 =	veq.s32 v8, v5;
	v6 =	vld [tilespmem:s23+$0x18800];
	v8 =	vperm.xlane v7, v4  }
.LBB2_5:
0x22b: {  	_ =	sdelay $0x2  }
0x22c: {  	v0 =	vmin.f32 v7, v8  }
0x22d: {  	v0 =	vsel vm0, v0, v6  }
0x22e: {  	[tilespmem:s23+$0x18800] =	vst v0  }
0x22f: {  	v54 =	vld [tilespmem:$0x18800]  }
0x230: {  	v55 =	vld [tilespmem:$0x18810]  }
0x231: {  	v56 =	vld [tilespmem:$0x18820]  }
0x232: {  	v57 =	vld [tilespmem:$0x18830]  }
0x233: {  	v59 =	vld [tilespmem:$0x18840]  }
0x234: {  	v60 =	vld [tilespmem:$0x18850]  }
0x235: {  	v61 =	vld [tilespmem:$0x18860];
	v0 =	vmin.f32 v54, v55  }
0x236: {  	v62 =	vld [tilespmem:$0x18870];
	v0 =	vmin.f32 v0, v56  }
0x237: {  	v63 =	vld [tilespmem:$0x18880];
	v0 =	vmin.f32 v0, v57  }
0x238: {  	v6 =	vmin.f32 v0, v59;
	v0 =	vld [tilespmem:$0x18890]  }
0x239: {  	v7 =	vmin.f32 v6, v60;
	v6 =	vld [tilespmem:$0x188A0]  }
0x23a: {  	v8 =	vld [tilespmem:$0x188B0];
	v7 =	vmin.f32 v7, v61  }
0x23b: {  	v10 =	vld [tilespmem:$0x188C0];
	v7 =	vmin.f32 v7, v62  }
0x23c: {  	v12 =	vld [tilespmem:$0x188D0];
	v7 =	vmin.f32 v7, v63  }
0x23d: {  	v14 =	vld [tilespmem:$0x188E0];
	v7 =	vmin.f32 v7, v0  }
0x23e: {  	v16 =	vld [tilespmem:$0x188F0];
	v7 =	vmin.f32 v7, v6  }
0x23f: {  	v18 =	vld [tilespmem:$0x18900];
	v7 =	vmin.f32 v7, v8  }
0x240: {  	v20 =	vld [tilespmem:$0x18910];
	v7 =	vmin.f32 v7, v10  }
0x241: {  	v22 =	vld [tilespmem:$0x18920];
	v7 =	vmin.f32 v7, v12  }
0x242: {  	v24 =	vld [tilespmem:$0x18930];
	v7 =	vmin.f32 v7, v14  }
0x243: {  	v26 =	vld [tilespmem:$0x18940];
	v7 =	vmin.f32 v7, v16  }
0x244: {  	v5 =	vld [tilespmem:$0x18950];
	v7 =	vmin.f32 v7, v18  }
0x245: {  	v27 =	vld [tilespmem:$0x18960];
	v7 =	vmin.f32 v7, v20  }
0x246: {  	v28 =	vld [tilespmem:$0x18970];
	v7 =	vmin.f32 v7, v22  }
0x247: {  	v29 =	vld [tilespmem:$0x18980];
	v7 =	vmin.f32 v7, v24  }
0x248: {  	v9 =	vmin.f32 v7, v26;
	v7 =	vld [tilespmem:$0x18990]  }
0x249: {  	v11 =	vmin.f32 v9, v5;
	v9 =	vld [tilespmem:$0x189A0]  }
0x24a: {  	v13 =	vmin.f32 v11, v27;
	v11 =	vld [tilespmem:$0x189B0]  }
0x24b: {  	v15 =	vmin.f32 v13, v28;
	v13 =	vld [tilespmem:$0x189C0]  }
0x24c: {  	v17 =	vmin.f32 v15, v29;
	v15 =	vld [tilespmem:$0x189D0]  }
0x24d: {  	v19 =	vmin.f32 v17, v7;
	v17 =	vld [tilespmem:$0x189E0]  }
0x24e: {  	v21 =	vmin.f32 v19, v9;
	v19 =	vld [tilespmem:$0x189F0]  }
0x24f: {  	v23 =	vmin.f32 v21, v11;
	v21 =	vld [tilespmem:$0x18A00]  }
0x250: {  	v25 =	vmin.f32 v23, v13;
	v23 =	vld [tilespmem:$0x18A10]  }
0x251: {  	v58 =	vmin.f32 v25, v15;
	v25 =	vld [tilespmem:$0x18A20]  }
0x252: {  	v30 =	vld [tilespmem:$0x18A30];
	v58 =	vmin.f32 v58, v17  }
0x253: {  	v31 =	vld [tilespmem:$0x18A40];
	v58 =	vmin.f32 v58, v19  }
0x254: {  	v32 =	vld [tilespmem:$0x18A50];
	v58 =	vmin.f32 v58, v21  }
0x255: {  	v33 =	vld [tilespmem:$0x18A60];
	v58 =	vmin.f32 v58, v23  }
0x256: {  	v34 =	vld [tilespmem:$0x18A70];
	v58 =	vmin.f32 v58, v25  }
0x257: {  	v35 =	vld [tilespmem:$0x18A80];
	v58 =	vmin.f32 v58, v30  }
0x258: {  	v36 =	vld [tilespmem:$0x18A90];
	v58 =	vmin.f32 v58, v31  }
0x259: {  	v37 =	vld [tilespmem:$0x18AA0];
	v58 =	vmin.f32 v58, v32  }
0x25a: {  	v38 =	vld [tilespmem:$0x18AB0];
	v58 =	vmin.f32 v58, v33  }
0x25b: {  	v39 =	vld [tilespmem:$0x18AC0];
	v58 =	vmin.f32 v58, v34  }
0x25c: {  	v40 =	vld [tilespmem:$0x18AD0];
	v58 =	vmin.f32 v58, v35  }
0x25d: {  	v41 =	vld [tilespmem:$0x18AE0];
	v58 =	vmin.f32 v58, v36  }
0x25e: {  	v42 =	vld [tilespmem:$0x18AF0];
	v58 =	vmin.f32 v58, v37  }
0x25f: {  	v43 =	vld [tilespmem:$0x18B00];
	v58 =	vmin.f32 v58, v38  }
0x260: {  	v58 =	vmin.f32 v58, v39  }
0x261: {  	v58 =	vmin.f32 v58, v40  }
0x262: {  	v58 =	vmin.f32 v58, v41  }
0x263: {  	v58 =	vmin.f32 v58, v42  }
0x264: {  	v58 =	vmin.f32 v58, v43  }
0x265: {  	v44 =	vperm.xlane v58, v1;
	_ =	sdelay $0x1  }
0x266: {  	v44 =	vmin.f32 v58, v44  }
0x267: {  	v58 =	vperm.xlane v44, v2;
	_ =	sdelay $0x1  }
0x268: {  	v44 =	vmin.f32 v44, v58  }
0x269: {  	v58 =	vperm.xlane v44, v3;
	_ =	sdelay $0x1  }
0x26a: {  	v44 =	vmin.f32 v44, v58  }
0x26b: {  	v58 =	vperm.xlane v44, v4;
	_ =	sdelay $0x1  }
0x26c: {  	v58 =	vmin.f32 v44, v58  }
0x26d: {  	v44 =	vimm.s32 $0x0;
	vm0 =	veq.f32 v29, v58  }
0x26e: {  	v29 =	vsel vm0, $0xFFFFFFFF, v44;
	v44 =	vld [tilespmem:$0x1FCA0]  }
0x26f: {  	vm1 =	veq.f32 v43, v58  }
0x270: {  	vm2 =	veq.f32 v27, v58;
	vm0 =	veq.f32 v42, v58;
	v42 =	vimm.s32 $0x0  }
0x271: {  	v43 =	vimm.s32 $0x0;
	v27 =	vsel vm2, $0xFFFFFFFF, v42;
	vm2 =	veq.f32 v28, v58  }
0x272: {  	[tilespmem:$0x1FC10] =	vst v27;
	v27 =	vsel vm2, $0xFFFFFFFF, v43  }
0x273: {  	[tilespmem:$0x1FC00] =	vst v27;
	v27 =	vnsel vm1, $0x40000000, v44;
	vm1 =	veq.f32 v5, v58;
	v5 =	vimm.s32 $0x0  }
0x274: {  	v5 =	vsel vm1, $0xFFFFFFFF, v5  }
0x275: {  	[tilespmem:$0x1FC20] =	vst v5;
	v5 =	vld [tilespmem:$0x1FCB0];
	_ =	sdelay $0x1  }
0x276: {  	v42 =	vld [tilespmem:$0x1FCC0]  }
0x277: {  	v44 =	vld [tilespmem:$0x1FCD0]  }
0x278: {  	v28 =	vld [tilespmem:$0x1FCE0];
	vm1 =	veq.f32 v41, v58  }
0x279: {  	v41 =	vimm.s32 $0x0;
	v5 =	vsel vm0, v5, v27;
	vm0 =	veq.f32 v26, v58  }
0x27a: {  	v43 =	vimm.s32 $0x0;
	v26 =	vsel vm0, $0xFFFFFFFF, v41  }
0x27b: {  	vm0 =	veq.f32 v40, v58;
	v5 =	vsel vm1, v42, v5;
	vm1 =	veq.f32 v24, v58  }
0x27c: {  	v24 =	vsel vm1, $0xFFFFFFFF, v43;
	vm1 =	veq.f32 v39, v58;
	v5 =	vsel vm0, v44, v5  }
0x27d: {  	[tilespmem:$0x1FBF0] =	vst v29;
	v29 =	vimm.s32 $0x0;
	v5 =	vsel vm1, v28, v5;
	vm1 =	veq.f32 v20, v58  }
0x27e: {  	v20 =	vsel vm1, $0xFFFFFFFF, v29;
	vm1 =	veq.f32 v37, v58;
	v37 =	vld [tilespmem:$0x1FCF0]  }
0x27f: {  	v39 =	vld [tilespmem:$0x1FD00]  }
0x280: {  	vm11 =	veq.f32 v10, v58;
	vm12 =	veq.f32 v8, v58;
	vm13 =	veq.f32 v6, v58  }
0x281: {  	vm14 =	veq.f32 v0, v58;
	v27 =	vimm.s32 $0x0;
	v41 =	vld [tilespmem:$0x1FD10];
	vm0 =	veq.f32 v22, v58  }
0x282: {  	v40 =	vimm.s32 $0x0;
	v43 =	vld [tilespmem:$0x1FD20];
	v22 =	vsel vm0, $0xFFFFFFFF, v27;
	vm0 =	veq.f32 v38, v58  }
0x283: {  	v42 =	vimm.s32 $0x0;
	v44 =	vld [tilespmem:$0x1FD30];
	v38 =	vimm.s32 $0x0;
	v5 =	vsel vm0, v37, v5  }
0x284: {  	v10 =	vld [tilespmem:$0x1FD40];
	vm0 =	veq.f32 v18, v58;
	v5 =	vsel vm1, v39, v5;
	vm1 =	veq.f32 v16, v58  }
0x285: {  	v8 =	vld [tilespmem:$0x1FD50];
	v18 =	vsel vm0, $0xFFFFFFFF, v38;
	vm0 =	veq.f32 v36, v58;
	v16 =	vsel vm1, $0xFFFFFFFF, v40  }
0x286: {  	v6 =	vld [tilespmem:$0x1FD60];
	vm1 =	veq.f32 v35, v58;
	v5 =	vsel vm0, v41, v5;
	vm0 =	veq.f32 v14, v58  }
0x287: {  	v0 =	vld [tilespmem:$0x1FD70];
	v14 =	vsel vm0, $0xFFFFFFFF, v42;
	vm0 =	veq.f32 v34, v58;
	v5 =	vsel vm1, v43, v5  }
0x288: {  	vm1 =	veq.f32 v33, v58;
	v5 =	vsel vm0, v44, v5  }
0x289: {  	vm0 =	veq.f32 v32, v58;
	v5 =	vsel vm1, v10, v5  }
0x28a: {  	vm1 =	veq.f32 v31, v58;
	v5 =	vsel vm0, v8, v5  }
0x28b: {  	vm0 =	veq.f32 v30, v58;
	v5 =	vsel vm1, v6, v5  }
0x28c: {  	v0 =	vsel vm0, v0, v5;
	v5 =	vld [tilespmem:$0x1FD80];
	_ =	sdelay $0x3  }
0x28d: {  	vm1 =	veq.f32 v25, v58  }
0x28e: {  	v0 =	vsel vm1, v5, v0;
	v5 =	vld [tilespmem:$0x1FD90];
	_ =	sdelay $0x3  }
0x28f: {  	vm0 =	veq.f32 v23, v58  }
0x290: {  	v0 =	vsel vm0, v5, v0;
	v5 =	vld [tilespmem:$0x1FDA0];
	_ =	sdelay $0x3  }
0x291: {  	vm1 =	veq.f32 v21, v58  }
0x292: {  	v0 =	vsel vm1, v5, v0;
	v5 =	vld [tilespmem:$0x1FDB0];
	_ =	sdelay $0x3  }
0x293: {  	vm0 =	veq.f32 v19, v58  }
0x294: {  	v0 =	vsel vm0, v5, v0;
	v5 =	vld [tilespmem:$0x1FDC0];
	_ =	sdelay $0x3  }
0x295: {  	vm1 =	veq.f32 v17, v58  }
0x296: {  	v0 =	vsel vm1, v5, v0;
	v5 =	vld [tilespmem:$0x1FDD0];
	_ =	sdelay $0x3  }
0x297: {  	vm0 =	veq.f32 v15, v58  }
0x298: {  	v0 =	vsel vm0, v5, v0;
	v5 =	vld [tilespmem:$0x1FDE0];
	_ =	sdelay $0x3  }
0x299: {  	vm1 =	veq.f32 v13, v58  }
0x29a: {  	v0 =	vsel vm1, v5, v0;
	v5 =	vld [tilespmem:$0x1FDF0];
	_ =	sdelay $0x3  }
0x29b: {  	vm0 =	veq.f32 v11, v58  }
0x29c: {  	v0 =	vsel vm0, v5, v0;
	v5 =	vld [tilespmem:$0x1FE00];
	_ =	sdelay $0x3  }
0x29d: {  	vm1 =	veq.f32 v9, v58  }
0x29e: {  	v0 =	vsel vm1, v5, v0;
	v5 =	vld [tilespmem:$0x1FE10];
	_ =	sdelay $0x3  }
0x29f: {  	v6 =	vld [tilespmem:$0x1FBF0];
	vm0 =	veq.f32 v7, v58  }
0x2a0: {  	v0 =	vsel vm0, v5, v0;
	v5 =	vld [tilespmem:$0x1FE20];
	_ =	sdelay $0x3  }
0x2a1: {  	vm0 =	vnez.u8 v6;
	v6 =	vld [tilespmem:$0x1FC00]  }
0x2a2: {  	v0 =	vsel vm0, v5, v0;
	v5 =	vld [tilespmem:$0x1FE30];
	_ =	sdelay $0x3  }
0x2a3: {  	vm0 =	vnez.u8 v6;
	v6 =	vld [tilespmem:$0x1FC10]  }
0x2a4: {  	v0 =	vsel vm0, v5, v0;
	v5 =	vld [tilespmem:$0x1FE40];
	_ =	sdelay $0x3  }
0x2a5: {  	vm0 =	vnez.u8 v6;
	v6 =	vld [tilespmem:$0x1FC20]  }
0x2a6: {  	v0 =	vsel vm0, v5, v0;
	v5 =	vld [tilespmem:$0x1FE50];
	_ =	sdelay $0x2  }
0x2a7: {  	[tilespmem:$0x1FC30] =	vst v26  }
0x2a8: {  	vm0 =	vnez.u8 v6;
	v6 =	vld [tilespmem:$0x1FC30]  }
0x2a9: {  	v0 =	vsel vm0, v5, v0;
	v5 =	vld [tilespmem:$0x1FE60];
	_ =	sdelay $0x2  }
0x2aa: {  	[tilespmem:$0x1FC40] =	vst v24  }
0x2ab: {  	vm0 =	vnez.u8 v6;
	v6 =	vld [tilespmem:$0x1FC40]  }
0x2ac: {  	v0 =	vsel vm0, v5, v0;
	v5 =	vld [tilespmem:$0x1FE70];
	_ =	sdelay $0x2  }
0x2ad: {  	[tilespmem:$0x1FC50] =	vst v22  }
0x2ae: {  	vm0 =	vnez.u8 v6;
	v6 =	vld [tilespmem:$0x1FC50]  }
0x2af: {  	v0 =	vsel vm0, v5, v0;
	v5 =	vld [tilespmem:$0x1FE80];
	_ =	sdelay $0x2  }
0x2b0: {  	[tilespmem:$0x1FC60] =	vst v20  }
0x2b1: {  	vm0 =	vnez.u8 v6;
	v6 =	vld [tilespmem:$0x1FC60]  }
0x2b2: {  	v0 =	vsel vm0, v5, v0;
	v5 =	vld [tilespmem:$0x1FE90];
	_ =	sdelay $0x2  }
0x2b3: {  	[tilespmem:$0x1FC70] =	vst v18  }
0x2b4: {  	vm0 =	vnez.u8 v6;
	v6 =	vld [tilespmem:$0x1FC70]  }
0x2b5: {  	v0 =	vsel vm0, v5, v0;
	v5 =	vld [tilespmem:$0x1FEA0];
	_ =	sdelay $0x2  }
0x2b6: {  	[tilespmem:$0x1FC80] =	vst v16  }
0x2b7: {  	vm0 =	vnez.u8 v6;
	v6 =	vld [tilespmem:$0x1FC80]  }
0x2b8: {  	v0 =	vsel vm0, v5, v0;
	v5 =	vld [tilespmem:$0x1FEB0];
	_ =	sdelay $0x2  }
0x2b9: {  	[tilespmem:$0x1FC90] =	vst v14  }
0x2ba: {  	vm0 =	vnez.u8 v6;
	v6 =	vld [tilespmem:$0x1FC90]  }
0x2bb: {  	v0 =	vsel vm0, v5, v0;
	v5 =	vld [tilespmem:$0x1FEC0];
	_ =	sdelay $0x3  }
0x2bc: {  	vm0 =	vnez.u8 v6  }
0x2bd: {  	v0 =	vsel vm0, v5, v0;
	v5 =	vld [tilespmem:$0x1FED0];
	_ =	sdelay $0x3  }
0x2be: {  	vm15 =	veq.f32 v12, v58  }
0x2bf: {  	v0 =	vsel vm15, v5, v0;
	v5 =	vld [tilespmem:$0x1FEE0];
	_ =	sdelay $0x4  }
0x2c0: {  	v0 =	vsel vm11, v5, v0;
	v5 =	vld [tilespmem:$0x1FEF0];
	_ =	sdelay $0x4  }
0x2c1: {  	v0 =	vsel vm12, v5, v0;
	v5 =	vld [tilespmem:$0x1FF00];
	_ =	sdelay $0x4  }
0x2c2: {  	v0 =	vsel vm13, v5, v0  }
0x2c3: {  	vm10 =	veq.f32 v63, v58;
	v0 =	vsel vm14, v46, v0  }
0x2c4: {  	vm9 =	veq.f32 v62, v58;
	v0 =	vsel vm10, v45, v0  }
0x2c5: {  	vm8 =	veq.f32 v61, v58;
	v0 =	vsel vm9, v47, v0  }
0x2c6: {  	vm7 =	veq.f32 v60, v58;
	v0 =	vsel vm8, v48, v0  }
0x2c7: {  	vm6 =	veq.f32 v59, v58;
	v0 =	vsel vm7, v49, v0  }
0x2c8: {  	vm5 =	veq.f32 v57, v58;
	v0 =	vsel vm6, v50, v0  }
0x2c9: {  	vm4 =	veq.f32 v56, v58;
	v0 =	vsel vm5, v51, v0  }
0x2ca: {  	vm3 =	veq.f32 v55, v58;
	v0 =	vsel vm4, v52, v0  }
0x2cb: {  	v62 =	vlaneseq.u32;
	vm2 =	veq.f32 v54, v58;
	v0 =	vsel vm3, v53, v0  }
0x2cc: {  	v0 =	vsel vm2, v62, v0  }
0x2cd: {  	v5 =	vperm.xlane v0, v1;
	_ =	sdelay $0x1  }
0x2ce: {  	vm0 =	vlt.s32 v0, v5  }
0x2cf: {  	v0 =	vsel vm0, v0, v5  }
0x2d0: {  	v5 =	vperm.xlane v0, v2;
	_ =	sdelay $0x1  }
0x2d1: {  	vm0 =	vlt.s32 v0, v5  }
0x2d2: {  	v0 =	vsel vm0, v0, v5  }
0x2d3: {  	v5 =	vperm.xlane v0, v3;
	_ =	sdelay $0x1  }
0x2d4: {  	vm0 =	vlt.s32 v0, v5  }
0x2d5: {  	v0 =	vsel vm0, v0, v5  }
0x2d6: {  	v5 =	vperm.xlane v0, v4;
	_ =	sdelay $0x1  }
0x2d7: {  	vm0 =	vlt.s32 v0, v5  }
0x2d8: {  	v0 =	vsel vm0, v0, v5  }
0x2d9: {  	(v2sf) =	vpush v0, $0x0;
	_ =	sdelay $0xe  }
0x2da: {  	s22 =	smov.u32 s21;
	s28 =	spop (v2sf)  }
0x2db: {  	s25 =	sand.u32 $0x30, s22;
	s24 =	sshll.u32 s28, $0x9  }
0x2dc: {  	v5 =	vld [tilespmem:s25+$0x18B80];
	s24 =	sshra.s32 s24, $0x2  }
0x2dd: {  	v6 =	vld [tilespmem:s24+$0x70]  }
0x2de: {  	v7 =	vld [tilespmem:s24+$0x60]  }
0x2df: {  	v8 =	vld [tilespmem:s24+$0x50]  }
0x2e0: {  	v9 =	vld [tilespmem:s24+$0x40]  }
0x2e1: {  	v10 =	vld [tilespmem:s24+$0x30]  }
0x2e2: {  	s22 =	sand.u32 $0xF, s22;
	v11 =	vld [tilespmem:s24+$0x20];
	vm0 =	veq.f32 v6, v58  }
0x2e3: {  	v63 =	vld [tilespmem:s24+$0x10];
	v6 =	vmov s22;
	vm1 =	veq.f32 v7, v58;
	v7 =	vnsel vm0, $0x40000000, v47  }
0x2e4: {  	vm2 =	veq.f32 v8, v58;
	vm0 =	veq.s32 v6, v62;
	v6 =	vld [tilespmem:s24+$0x0];
	v7 =	vsel vm1, v48, v7  }
0x2e5: {  	v5 =	vsel vm0, v58, v5;
	vm1 =	veq.f32 v9, v58;
	v7 =	vsel vm2, v49, v7  }
0x2e6: {  	[tilespmem:s25+$0x18B80] =	vst v5;
	vm2 =	veq.f32 v10, v58;
	v5 =	vsel vm1, v50, v7  }
0x2e7: {  	vm1 =	veq.f32 v11, v58;
	v5 =	vsel vm2, v51, v5  }
0x2e8: {  	vm2 =	veq.f32 v63, v58;
	v5 =	vsel vm1, v52, v5  }
0x2e9: {  	vm1 =	veq.f32 v6, v58;
	v5 =	vsel vm2, v53, v5  }
0x2ea: {  	v5 =	vsel vm1, v62, v5  }
0x2eb: {  	v6 =	vperm.xlane v5, v1;
	_ =	sdelay $0x1  }
0x2ec: {  	vm1 =	vlt.s32 v5, v6  }
0x2ed: {  	v5 =	vsel vm1, v5, v6  }
0x2ee: {  	v6 =	vperm.xlane v5, v2;
	_ =	sdelay $0x1  }
0x2ef: {  	vm1 =	vlt.s32 v5, v6  }
0x2f0: {  	v5 =	vsel vm1, v5, v6  }
0x2f1: {  	v6 =	vperm.xlane v5, v3;
	_ =	sdelay $0x1  }
0x2f2: {  	vm1 =	vlt.s32 v5, v6  }
0x2f3: {  	v5 =	vsel vm1, v5, v6  }
0x2f4: {  	v6 =	vperm.xlane v5, v4;
	_ =	sdelay $0x1  }
0x2f5: {  	vm1 =	vlt.s32 v5, v6  }
0x2f6: {  	v5 =	vsel vm1, v5, v6  }
0x2f7: {  	(v2sf) =	vpush v5, $0x0;
	_ =	sdelay $0xb  }
0x2f8: {  	v7 =	vld [tilespmem:s25+$0x18C00];
	_ =	sdelay $0x2  }
0x2f9: {  	s29 =	sshll.u32 s28, $0x7;
	s30 =	spop (v2sf)  }
0x2fa: {  	v6 =	vadd.s32 s29, v5;
	s22 =	sadd.s32 s30, s29  }
0x2fb: {  	v5 =	vsel vm0, v6, v7;
	s31 =	sand.u32 $0x70, s30;
	s22 =	sand.u32 $0xFFFFFF80, s22  }
0x2fc: {  	[tilespmem:s25+$0x18C00] =	vst v5;
	s22 =	sor.u32 s31, s22  }
0x2fd: {  	v6 =	vld [tilespmem:s22+$0x0];
	_ =	sdelay $0x1  }
0x2fe: {  	s25 =	sand.u32 $0xF, s30  }
0x2ff: {  	v5 =	vmov s25  }
0x300: {  	vm0 =	veq.s32 v5, v62  }
0x301: {  	v5 =	vsel vm0, $0x7F61B1E6, v6  }
0x302: {  	[tilespmem:s22+$0x0] =	vst v5  }
0x303: {  	v6 =	vld [tilespmem:s24+$0x10]  }
0x304: {  	v7 =	vld [tilespmem:s24+$0x0]  }
0x305: {  	v5 =	vld [tilespmem:s24+$0x20]  }
0x306: {  	v8 =	vld [tilespmem:s24+$0x30]  }
0x307: {  	v9 =	vld [tilespmem:s24+$0x40]  }
0x308: {  	v10 =	vld [tilespmem:s24+$0x50]  }
0x309: {  	v11 =	vld [tilespmem:s24+$0x60];
	v6 =	vmin.f32 v7, v6  }
0x30a: {  	v7 =	vld [tilespmem:s24+$0x70];
	v5 =	vmin.f32 v6, v5  }
0x30b: {  	v5 =	vmin.f32 v5, v8  }
0x30c: {  	v5 =	vmin.f32 v5, v9  }
0x30d: {  	v5 =	vmin.f32 v5, v10  }
0x30e: {  	v5 =	vmin.f32 v5, v11  }
0x30f: {  	v5 =	vmin.f32 v5, v7  }
0x310: {  	v6 =	vperm.xlane v5, v1;
	_ =	sdelay $0x1  }
0x311: {  	v5 =	vmin.f32 v5, v6  }
0x312: {  	v6 =	vperm.xlane v5, v2  }
0x313: {  	p0 =	sne.s32 s21, $0x31  }
.Ltmp1:
0x314: {  	v5 =	vmin.f32 v5, v6;
	(pc) =	sbr.rel @p0 .LBB2_5-.Ltmp1, $4  }
0x315: {  	v7 =	vperm.xlane v5, v3  }
0x316: {  	s26 =	sand.u32 $0xF, s28  }
0x317: {  	s23 =	sand.u32 $0xFFFFFFF0, s28;
	v0 =	vmov s26;
	v7 =	vmin.f32 v5, v7  }
0x318: {  	s21 =	sadd.s32 $0x1, s21;
	vm0 =	veq.s32 v0, v62;
	v6 =	vld [tilespmem:s23+$0x18800];
	v8 =	vperm.xlane v7, v4  }
0x319: {  	_ =	sdelay $0x2  }
0x31a: {  	v0 =	vmin.f32 v7, v8  }
0x31b: {  	v0 =	vsel vm0, v0, v6  }
0x31c: {  	s19 =	sshll.u32 s19, $0xA;
	[tilespmem:s23+$0x18800] =	vst v0  }
0x31d: {  	[tilespmem:s14], [sflag:$0x1] =	stream.indirect.gather [hbm4b:s2+s12], $0x1, s13, s12, $0xb8;
	[tilespmem:$0x18D00] =	vst v63  }
0x31e: {  	s19 =	sor.u32 s20, s19;
	_ =	swait.ge [sflag:s15], $0x40  }
0x31f: {  	s19 =	sshrl.u32 s19, $0x3;
	[sflag:s15] =	ssyncset.done $0x0  }
0x320: {  	s30 =	sadd.s32 s0, s19;
	[sflag:s15] =	ssyncadd.s32 $0xFFFFFFC0  }
0x321: {  	[hbm4b:s30+s3] =	stream.linear.scatter [tilespmem:s16], [sflag:$0x2], $0x80, $0x38;
	[tilespmem:$0x18D00] =	vst v63  }
0x322: {  	_ =	swait.ge [sflag:s11], $0x80  }
0x323: {  	[sflag:s11] =	ssyncset.done $0x0  }
0x324: {  	s31 =	sadd.s32 s6, s19;
	[sflag:s11] =	ssyncadd.s32 $0xFFFFFF80  }
0x325: {  	[hbm4b:s31+s3] =	stream.linear.scatter [tilespmem:s13], [sflag:$0x2], $0x80, $0x38;
	[tilespmem:$0x18D00] =	vst v63  }
0x326: {  	_ =	swait.ge [sflag:s11], $0x80  }
0x327: {  	[sflag:s11] =	ssyncset.done $0x0  }
0x328: {  	s19 =	sadd.s32 s7, s19;
	[sflag:s11] =	ssyncadd.s32 $0xFFFFFF80  }
0x329: {  	[hbm4b:s19+s3] =	stream.linear.scatter [tilespmem:s14], [sflag:$0x2], $0x80, $0x38;
	[tilespmem:$0x18D00] =	vst v63  }
0x32a: {  	_ =	swait.ge [sflag:s11], $0x80  }
0x32b: {  	v0 =	vld [tilespmem:$0x1FF10];
	_ =	sdelay $0x4  }
0x32c: {  	vm0 =	vnez.u8 v0;
	v0 =	vld [tilespmem:$0x1FF20];
	_ =	sdelay $0x4  }
0x32d: {  	vm1 =	vnez.u8 v0;
	v0 =	vld [tilespmem:$0x1FF30];
	_ =	sdelay $0x4  }
0x32e: {  	vm2 =	vnez.u8 v0;
	v0 =	vld [tilespmem:$0x1FF40];
	_ =	sdelay $0x4  }
0x32f: {  	vm3 =	vnez.u8 v0;
	v0 =	vld [tilespmem:$0x1FF50];
	_ =	sdelay $0x4  }
0x330: {  	vm4 =	vnez.u8 v0;
	v0 =	vld [tilespmem:$0x1FF60];
	_ =	sdelay $0x4  }
0x331: {  	vm5 =	vnez.u8 v0;
	v0 =	vld [tilespmem:$0x1FF70];
	_ =	sdelay $0x4  }
0x332: {  	vm6 =	vnez.u8 v0;
	v0 =	vld [tilespmem:$0x1FF80];
	_ =	sdelay $0x4  }
0x333: {  	vm7 =	vnez.u8 v0;
	v0 =	vld [tilespmem:$0x1FF90];
	_ =	sdelay $0x4  }
0x334: {  	vm8 =	vnez.u8 v0;
	v0 =	vld [tilespmem:$0x1FFA0];
	_ =	sdelay $0x4  }
0x335: {  	vm9 =	vnez.u8 v0;
	v0 =	vld [tilespmem:$0x1FFB0];
	_ =	sdelay $0x4  }
0x336: {  	vm10 =	vnez.u8 v0;
	v0 =	vld [tilespmem:$0x1FFC0];
	_ =	sdelay $0x4  }
0x337: {  	vm11 =	vnez.u8 v0;
	v0 =	vld [tilespmem:$0x1FFD0];
	_ =	sdelay $0x4  }
0x338: {  	vm12 =	vnez.u8 v0;
	v0 =	vld [tilespmem:$0x1FFE0];
	_ =	sdelay $0x3  }
0x339: {  	s18 =	sadd.s32 $0x1, s18  }
0x33a: {  	p0 =	sne.s32 s18, $0x20;
	vm13 =	vnez.u8 v0;
	v0 =	vld [tilespmem:$0x1FFF0]  }
.Ltmp2:
0x33b: {  	_ = 	snop;
	(pc) =	sbr.rel @p0 .LBB2_2-.Ltmp2, $3  }
0x33c: {  	_ =	sdelay $0x1  }
0x33d: {  	[sflag:s11] =	ssyncset.done $0x0  }
0x33e: {  	[sflag:s11] =	ssyncadd.s32 $0xFFFFFF80;
	vm14 =	vnez.u8 v0  }
0x33f: {  	s17 =	sadd.s32 $0x1, s17  }
0x340: {  	p0 =	sne.s32 s17, s9  }
.Ltmp3:
0x341: {  	_ = 	snop;
	(pc) =	sbr.rel @p0 .LBB2_1-.Ltmp3, $1  }
0x342: {  	_ =	sdelay $0x3  }
0x343: {  	_ =	sfence.sel $0x180000  }
0x344: {  	[bflag:$0x0] =	sbarrier.arrive $0xFFFF  }
0x345: {  	p0 =	sne.s32 s5, $0x0;
	_ =	strace $0x90000047  }
0x346: {  	s0 =	sadd.s32 @!p0 $0x100000, s1;
	[bflag:$0x2] =	sbarrier.arrive $0xFFFF  }
0x347: {  	[sflag:s0] =	ssyncadd.tile.s32 @!p0 $0x1;
	_ =	shalt  }
.Lfunc_end2:
_tile_overlayer_lowered:
.L_overlay_start_2:
0x348: {  	(tag) =	ssettag $0x2  }
0x349: {  	s0 =	rddreg [dreg:$0x0];
	s2 =	stileid.u32  }
0x34a: {  	s1 =	rddreg [dreg:$0x1];
	p0 =	sne.s32 s2, $0x0  }
0x34b: {  	s3 =	rddreg [dreg:$0x2];
	[bflag:$0x3] =	sbarrier.arrive $0xFFFF;
	s2 =	simm.s32 @!p0 $0x1C02  }
0x34c: {  	[timem:s3], [sflag:s2] =	dma.local @!p0 [hbm:s0], s1  }
0x34d: {  	s0 =	simm.s32 @!p0 $0x2  }
0x34e: {  	_ =	swait.ge @!p0 [sflag:s0], s1  }
0x34f: {  	s1 =	ssub.s32 @!p0 $0x0, s1;
	[sflag:s0] =	ssyncset.done @!p0 $0x0  }
0x350: {  	[sflag:s0] =	ssyncadd.s32 @!p0 s1  }
0x351: {  	[bflag:$0x3] =	sbarrier.arrive $0xFFFF  }
0x352: {  	_ =	shalt  }

</sc_bundles>
